<compile_context>
chip_gen: v7x
topology: tpu7x:2x2x1
jax: 0.10.2.dev20260603
libtpu: 0.0.44.dev20260713+nightly
codegen_flags: <defaults>
</compile_context>

<pallas_src>
import jax
import jax.numpy as jnp
from jax import lax
from jax.experimental import pallas as pl
from jax.experimental.pallas import tpu as pltpu
from jax.experimental.pallas import tpu_sc as plsc

NUM_EMB = 1000000
DIM = 32
B1 = 16384
S = 50
B_TOTAL = B1 * S
NC, NS = 2, 16
NW = NC * NS
IDX_PER_GROUP = 128
GROUPS_PER_W = B_TOTAL // (NW * IDX_PER_GROUP)
G_PER_CHUNK = 8
CHUNK_ROWS = G_PER_CHUNK * IDX_PER_GROUP
N_CHUNKS = GROUPS_PER_W // G_PER_CHUNK
N_BLOCKS = B_TOTAL // 512


def _gather_body(idx_hbm, table_hbm, out_hbm, idx_v, buf0, buf1, gsem0, gsem1):
    c = lax.axis_index("c")
    s = lax.axis_index("s")
    wid = s * NC + c
    gbase = wid * GROUPS_PER_W
    bbase = wid * (GROUPS_PER_W // 4)

    pltpu.sync_copy(idx_hbm.at[pl.ds(gbase, GROUPS_PER_W)], idx_v)

    bufs = (buf0, buf1)
    gsems = (gsem0, gsem1)

    def fire(chunk, b):
        for j in range(G_PER_CHUNK):
            pltpu.async_copy(
                table_hbm.at[idx_v.at[chunk * G_PER_CHUNK + j]],
                bufs[b].at[pl.ds(j * IDX_PER_GROUP, IDX_PER_GROUP)],
                gsems[b],
            )

    def drain(b):
        pltpu.make_async_copy(
            table_hbm.at[pl.ds(0, CHUNK_ROWS)], bufs[b], gsems[b]
        ).wait()

    def scatter(chunk, b):
        for j in range(G_PER_CHUNK):
            blk = bbase + chunk * (G_PER_CHUNK // 4) + (j // 4)
            pltpu.sync_copy(
                bufs[b].at[pl.ds(j * IDX_PER_GROUP, IDX_PER_GROUP)],
                out_hbm.at[blk, :, j % 4, :],
            )

    fire(0, 0)
    fire(1, 1)

    def step(it, carry):
        chunk = it * 2
        for b in range(2):
            cc = chunk + b
            drain(b)
            scatter(cc, b)

            @pl.when(cc + 2 < N_CHUNKS)
            def _():
                fire(cc + 2, b)

        return carry

    lax.fori_loop(0, N_CHUNKS // 2, step, 0)
    drain(0)
    scatter(N_CHUNKS - 1, 0)


RB = 4096
NBB = B1 // (4 * RB)


def _tr_body(x_ref, o_ref):
    xt = jnp.transpose(x_ref[...])
    for q in range(4):
        for blk in range(RB // 128):
            o_ref[0, :, blk * 512 + q * 128:blk * 512 + (q + 1) * 128] = (
                xt[32 * q:32 * q + 32, blk * 128:(blk + 1) * 128]
            )


C0 = 16384
NPB = -(-NUM_EMB // C0)


def _pack_body(x_ref, o_ref):
    o_ref[:, 0:DIM] = jnp.transpose(x_ref[...])


@jax.jit
def _emb_lookup(idx_flat, w_t):
    w_pad = pl.pallas_call(
        _pack_body,
        grid=(NPB,),
        in_specs=[pl.BlockSpec((DIM, C0), lambda i: (0, i))],
        out_specs=pl.BlockSpec((C0, 4 * DIM), lambda i: (i, 0)),
        out_shape=jax.ShapeDtypeStruct((NUM_EMB, 4 * DIM), jnp.float32),
    )(w_t)
    weight = w_pad.reshape(4 * NUM_EMB, DIM)
    mesh = plsc.VectorSubcoreMesh(
        core_axis_name="c", subcore_axis_name="s", num_cores=NC, num_subcores=NS
    )
    gather = pl.kernel(
        _gather_body,
        out_type=jax.ShapeDtypeStruct((N_BLOCKS, IDX_PER_GROUP, 4, DIM), jnp.float32),
        mesh=mesh,
        scratch_types=[
            pltpu.VMEM((GROUPS_PER_W, IDX_PER_GROUP), jnp.int32),
            pltpu.VMEM((CHUNK_ROWS, DIM), jnp.float32),
            pltpu.VMEM((CHUNK_ROWS, DIM), jnp.float32),
            pltpu.SemaphoreType.DMA,
            pltpu.SemaphoreType.DMA,
        ],
        compiler_params=pltpu.CompilerParams(use_tc_tiling_on_sc=False),
    )
    rows = gather(idx_flat, weight)

    rows_v = rows.reshape(B_TOTAL * DIM // 128, 128)

    out_t = pl.pallas_call(
        _tr_body,
        grid=(S, NBB),
        in_specs=[
            pl.BlockSpec((RB, 128), lambda si, bi: (si * NBB + bi, 0)),
        ],
        out_specs=pl.BlockSpec((1, DIM, 4 * RB), lambda si, bi: (si, 0, bi)),
        out_shape=jax.ShapeDtypeStruct((S, DIM, B1), jnp.float32),
    )(rows_v)

    return jnp.transpose(out_t, (2, 0, 1))


def kernel(input_, weight):
    idx_flat = (
        (input_.astype(jnp.int32) * 4).T
        .reshape(B_TOTAL // IDX_PER_GROUP, IDX_PER_GROUP)
    )
    return _emb_lookup(idx_flat, weight.T)

# --- scband reference (transcript-rebuilt; emitter-appended) ---
"""Pipeline reference for scband-parallel-embedding-1606317769200 (READ-ONLY COPY).

The authoritative reference and input builder live on the scoring server;
editing this copy changes nothing except your own understanding.
"""

import jax, jax.numpy as jnp
import numpy as np

NUM_EMBEDDINGS = 1000000
EMBEDDING_DIM = 32

def setup_inputs(seed: int = 0) -> dict:
    key = jax.random.key(seed)
    k_idx, k_w = jax.random.split(key)
    input_ = jax.random.randint(k_idx, (16384, 50), 0, NUM_EMBEDDINGS, dtype=jnp.int64 if jax.config.jax_enable_x64 else jnp.int32)
    # init.normal_ default: mean=0, std=1
    weight = jax.random.normal(k_w, (NUM_EMBEDDINGS, EMBEDDING_DIM), dtype=jnp.float32)
    return {"input_": input_, "weight": weight}

def reference(input_, weight):
    # tensor_model_parallel_size == 1 path: plain embedding lookup
    # F.embedding(masked_input.long(), weight) -> gather rows
    output = jnp.take(weight, input_.astype(jnp.int32), axis=0)
    # reduce_from_tensor_model_parallel_region is identity for world_size == 1
    return output

if __name__ == "__main__":
    import jax
    _d = setup_inputs()
    print(jax.jit(kernel)(*tuple(_d.values())))

</pallas_src>

<mosaic_0001>
#map = affine_map<(d0, d1) -> (0, 0)>
#map1 = affine_map<(d0, d1) -> (0, 0, 0, 0)>
module attributes {stable_mosaic.version = 14 : i64} {
  func.func @_gather_body(%arg0: i32, %arg1: i32, %arg2: memref<6400x128xi32, #tpu.memory_space<hbm>>, %arg3: memref<4000000x32xf32, #tpu.memory_space<hbm>>, %arg4: memref<1600x128x4x32xf32, #tpu.memory_space<hbm>>, %arg5: memref<200x128xi32, #tpu.memory_space<vmem>>, %arg6: memref<1024x32xf32, #tpu.memory_space<vmem>>, %arg7: memref<1024x32xf32, #tpu.memory_space<vmem>>, %arg8: memref<!tpu.dma_semaphore, #tpu.memory_space<semaphore_mem>>, %arg9: memref<!tpu.dma_semaphore, #tpu.memory_space<semaphore_mem>>) attributes {dimension_semantics = [#tpu.dimension_semantics<core_parallel>, #tpu.dimension_semantics<subcore_parallel>], iteration_bounds = array<i64: 2, 16>, scalar_prefetch = 0 : i64, scratch_operands = 5 : i64, tpu.core_type = #tpu.core_type<sc_vector_subcore>, window_params = [{transform_indices = #map}, {transform_indices = #map}, {transform_indices = #map1}]} {
    %mul3A = arith.constant 2 : i32
    %mul3A_0 = arith.muli %arg1, %mul3A : i32
    %add3A = arith.addi %mul3A_0, %arg0 : i32
    %mul3A_1 = arith.constant 200 : i32
    %mul3A_2 = arith.muli %add3A, %mul3A_1 : i32
    %mul3A_3 = arith.constant 50 : i32
    %mul3A_4 = arith.muli %add3A, %mul3A_3 : i32
    "tpu.region"() ({
      %run_scoped3A_213 = tpu.sem_alloc : memref<!tpu.dma_semaphore, #tpu.memory_space<semaphore_mem>>
      %dma_start3A_214 = arith.constant 0 : i32
      %dma_start3A_215 = tpu.memref_slice %arg2[%mul3A_2, %dma_start3A_214] : memref<6400x128xi32, #tpu.memory_space<hbm>> -> memref<200x128xi32, #tpu.memory_space<hbm>>
      %dma_start3A_216 = arith.constant 0 : i32
      %dma_start3A_217 = tpu.memref_slice %arg2[%mul3A_2, %dma_start3A_216] : memref<6400x128xi32, #tpu.memory_space<hbm>> -> memref<200x128xi32, #tpu.memory_space<hbm>>
      tpu.enqueue_dma source(%dma_start3A_217 : memref<200x128xi32, #tpu.memory_space<hbm>>) target(%arg5 : memref<200x128xi32, #tpu.memory_space<vmem>>) target_semaphore(%run_scoped3A_213 : memref<!tpu.dma_semaphore, #tpu.memory_space<semaphore_mem>>)
      %dma_wait3A_218 = arith.constant 0 : i32
      %dma_wait3A_219 = tpu.memref_slice %arg2[%mul3A_2, %dma_wait3A_218] : memref<6400x128xi32, #tpu.memory_space<hbm>> -> memref<200x128xi32, #tpu.memory_space<hbm>>
      %dma_wait3A_220 = arith.constant 0 : i32
      %dma_wait3A_221 = tpu.memref_slice %arg2[%mul3A_2, %dma_wait3A_220] : memref<6400x128xi32, #tpu.memory_space<hbm>> -> memref<200x128xi32, #tpu.memory_space<hbm>>
      tpu.wait_dma2 semaphore(%run_scoped3A_213 : memref<!tpu.dma_semaphore, #tpu.memory_space<semaphore_mem>>) src(%dma_wait3A_221 : memref<200x128xi32, #tpu.memory_space<hbm>>) dst(%arg5 : memref<200x128xi32, #tpu.memory_space<vmem>>)
      tpu.yield
    }) : () -> ()
    %dma_start3A = arith.constant 0 : i32
    %dma_start3A_5 = arith.constant 0 : i32
    %dma_start3A_6 = arith.constant 0 : i32
    %dma_start3A_7 = tpu.memref_slice %arg6[%dma_start3A_5, %dma_start3A_6] : memref<1024x32xf32, #tpu.memory_space<vmem>> -> memref<128x32xf32, #tpu.memory_space<vmem>>
    %dma_start3A_8 = arith.constant 0 : i32
    %dma_start3A_9 = tpu.memref_slice %arg5[%dma_start3A, %dma_start3A_8] : memref<200x128xi32, #tpu.memory_space<vmem>> -> memref<1x128xi32, #tpu.memory_space<vmem>>
    %dma_start3A_10 = tpu.memref_squeeze %dma_start3A_9 : memref<1x128xi32, #tpu.memory_space<vmem>> -> memref<128xi32, #tpu.memory_space<vmem>>
    %dma_start3A_11 = arith.constant 0 : i32
    %dma_start3A_12 = arith.constant 0 : i32
    %dma_start3A_13 = tpu.memref_slice %arg3[%dma_start3A_11, %dma_start3A_12] : memref<4000000x32xf32, #tpu.memory_space<hbm>> -> memref<4000000x32xf32, #tpu.memory_space<hbm>>
    tpu.enqueue_indirect_dma source(%dma_start3A_13 : memref<4000000x32xf32, #tpu.memory_space<hbm>>) target(%dma_start3A_7 : memref<128x32xf32, #tpu.memory_space<vmem>>) offsets(%dma_start3A_10 : memref<128xi32, #tpu.memory_space<vmem>>) semaphore(%arg8 : memref<!tpu.dma_semaphore, #tpu.memory_space<semaphore_mem>>)
    %dma_start3A_14 = arith.constant 1 : i32
    %dma_start3A_15 = arith.constant 128 : i32
    %dma_start3A_16 = arith.constant 0 : i32
    %dma_start3A_17 = tpu.memref_slice %arg6[%dma_start3A_15, %dma_start3A_16] : memref<1024x32xf32, #tpu.memory_space<vmem>> -> memref<128x32xf32, #tpu.memory_space<vmem>>
    %dma_start3A_18 = arith.constant 0 : i32
    %dma_start3A_19 = tpu.memref_slice %arg5[%dma_start3A_14, %dma_start3A_18] : memref<200x128xi32, #tpu.memory_space<vmem>> -> memref<1x128xi32, #tpu.memory_space<vmem>>
    %dma_start3A_20 = tpu.memref_squeeze %dma_start3A_19 : memref<1x128xi32, #tpu.memory_space<vmem>> -> memref<128xi32, #tpu.memory_space<vmem>>
    %dma_start3A_21 = arith.constant 0 : i32
    %dma_start3A_22 = arith.constant 0 : i32
    %dma_start3A_23 = tpu.memref_slice %arg3[%dma_start3A_21, %dma_start3A_22] : memref<4000000x32xf32, #tpu.memory_space<hbm>> -> memref<4000000x32xf32, #tpu.memory_space<hbm>>
    tpu.enqueue_indirect_dma source(%dma_start3A_23 : memref<4000000x32xf32, #tpu.memory_space<hbm>>) target(%dma_start3A_17 : memref<128x32xf32, #tpu.memory_space<vmem>>) offsets(%dma_start3A_20 : memref<128xi32, #tpu.memory_space<vmem>>) semaphore(%arg8 : memref<!tpu.dma_semaphore, #tpu.memory_space<semaphore_mem>>)
    %dma_start3A_24 = arith.constant 2 : i32
    %dma_start3A_25 = arith.constant 256 : i32
    %dma_start3A_26 = arith.constant 0 : i32
    %dma_start3A_27 = tpu.memref_slice %arg6[%dma_start3A_25, %dma_start3A_26] : memref<1024x32xf32, #tpu.memory_space<vmem>> -> memref<128x32xf32, #tpu.memory_space<vmem>>
    %dma_start3A_28 = arith.constant 0 : i32
    %dma_start3A_29 = tpu.memref_slice %arg5[%dma_start3A_24, %dma_start3A_28] : memref<200x128xi32, #tpu.memory_space<vmem>> -> memref<1x128xi32, #tpu.memory_space<vmem>>
    %dma_start3A_30 = tpu.memref_squeeze %dma_start3A_29 : memref<1x128xi32, #tpu.memory_space<vmem>> -> memref<128xi32, #tpu.memory_space<vmem>>
    %dma_start3A_31 = arith.constant 0 : i32
    %dma_start3A_32 = arith.constant 0 : i32
    %dma_start3A_33 = tpu.memref_slice %arg3[%dma_start3A_31, %dma_start3A_32] : memref<4000000x32xf32, #tpu.memory_space<hbm>> -> memref<4000000x32xf32, #tpu.memory_space<hbm>>
    tpu.enqueue_indirect_dma source(%dma_start3A_33 : memref<4000000x32xf32, #tpu.memory_space<hbm>>) target(%dma_start3A_27 : memref<128x32xf32, #tpu.memory_space<vmem>>) offsets(%dma_start3A_30 : memref<128xi32, #tpu.memory_space<vmem>>) semaphore(%arg8 : memref<!tpu.dma_semaphore, #tpu.memory_space<semaphore_mem>>)
    %dma_start3A_34 = arith.constant 3 : i32
    %dma_start3A_35 = arith.constant 384 : i32
    %dma_start3A_36 = arith.constant 0 : i32
    %dma_start3A_37 = tpu.memref_slice %arg6[%dma_start3A_35, %dma_start3A_36] : memref<1024x32xf32, #tpu.memory_space<vmem>> -> memref<128x32xf32, #tpu.memory_space<vmem>>
    %dma_start3A_38 = arith.constant 0 : i32
    %dma_start3A_39 = tpu.memref_slice %arg5[%dma_start3A_34, %dma_start3A_38] : memref<200x128xi32, #tpu.memory_space<vmem>> -> memref<1x128xi32, #tpu.memory_space<vmem>>
    %dma_start3A_40 = tpu.memref_squeeze %dma_start3A_39 : memref<1x128xi32, #tpu.memory_space<vmem>> -> memref<128xi32, #tpu.memory_space<vmem>>
    %dma_start3A_41 = arith.constant 0 : i32
    %dma_start3A_42 = arith.constant 0 : i32
    %dma_start3A_43 = tpu.memref_slice %arg3[%dma_start3A_41, %dma_start3A_42] : memref<4000000x32xf32, #tpu.memory_space<hbm>> -> memref<4000000x32xf32, #tpu.memory_space<hbm>>
    tpu.enqueue_indirect_dma source(%dma_start3A_43 : memref<4000000x32xf32, #tpu.memory_space<hbm>>) target(%dma_start3A_37 : memref<128x32xf32, #tpu.memory_space<vmem>>) offsets(%dma_start3A_40 : memref<128xi32, #tpu.memory_space<vmem>>) semaphore(%arg8 : memref<!tpu.dma_semaphore, #tpu.memory_space<semaphore_mem>>)
    %dma_start3A_44 = arith.constant 4 : i32
    %dma_start3A_45 = arith.constant 512 : i32
    %dma_start3A_46 = arith.constant 0 : i32
    %dma_start3A_47 = tpu.memref_slice %arg6[%dma_start3A_45, %dma_start3A_46] : memref<1024x32xf32, #tpu.memory_space<vmem>> -> memref<128x32xf32, #tpu.memory_space<vmem>>
    %dma_start3A_48 = arith.constant 0 : i32
    %dma_start3A_49 = tpu.memref_slice %arg5[%dma_start3A_44, %dma_start3A_48] : memref<200x128xi32, #tpu.memory_space<vmem>> -> memref<1x128xi32, #tpu.memory_space<vmem>>
    %dma_start3A_50 = tpu.memref_squeeze %dma_start3A_49 : memref<1x128xi32, #tpu.memory_space<vmem>> -> memref<128xi32, #tpu.memory_space<vmem>>
    %dma_start3A_51 = arith.constant 0 : i32
    %dma_start3A_52 = arith.constant 0 : i32
    %dma_start3A_53 = tpu.memref_slice %arg3[%dma_start3A_51, %dma_start3A_52] : memref<4000000x32xf32, #tpu.memory_space<hbm>> -> memref<4000000x32xf32, #tpu.memory_space<hbm>>
    tpu.enqueue_indirect_dma source(%dma_start3A_53 : memref<4000000x32xf32, #tpu.memory_space<hbm>>) target(%dma_start3A_47 : memref<128x32xf32, #tpu.memory_space<vmem>>) offsets(%dma_start3A_50 : memref<128xi32, #tpu.memory_space<vmem>>) semaphore(%arg8 : memref<!tpu.dma_semaphore, #tpu.memory_space<semaphore_mem>>)
    %dma_start3A_54 = arith.constant 5 : i32
    %dma_start3A_55 = arith.constant 640 : i32
    %dma_start3A_56 = arith.constant 0 : i32
    %dma_start3A_57 = tpu.memref_slice %arg6[%dma_start3A_55, %dma_start3A_56] : memref<1024x32xf32, #tpu.memory_space<vmem>> -> memref<128x32xf32, #tpu.memory_space<vmem>>
    %dma_start3A_58 = arith.constant 0 : i32
    %dma_start3A_59 = tpu.memref_slice %arg5[%dma_start3A_54, %dma_start3A_58] : memref<200x128xi32, #tpu.memory_space<vmem>> -> memref<1x128xi32, #tpu.memory_space<vmem>>
    %dma_start3A_60 = tpu.memref_squeeze %dma_start3A_59 : memref<1x128xi32, #tpu.memory_space<vmem>> -> memref<128xi32, #tpu.memory_space<vmem>>
    %dma_start3A_61 = arith.constant 0 : i32
    %dma_start3A_62 = arith.constant 0 : i32
    %dma_start3A_63 = tpu.memref_slice %arg3[%dma_start3A_61, %dma_start3A_62] : memref<4000000x32xf32, #tpu.memory_space<hbm>> -> memref<4000000x32xf32, #tpu.memory_space<hbm>>
    tpu.enqueue_indirect_dma source(%dma_start3A_63 : memref<4000000x32xf32, #tpu.memory_space<hbm>>) target(%dma_start3A_57 : memref<128x32xf32, #tpu.memory_space<vmem>>) offsets(%dma_start3A_60 : memref<128xi32, #tpu.memory_space<vmem>>) semaphore(%arg8 : memref<!tpu.dma_semaphore, #tpu.memory_space<semaphore_mem>>)
    %dma_start3A_64 = arith.constant 6 : i32
    %dma_start3A_65 = arith.constant 768 : i32
    %dma_start3A_66 = arith.constant 0 : i32
    %dma_start3A_67 = tpu.memref_slice %arg6[%dma_start3A_65, %dma_start3A_66] : memref<1024x32xf32, #tpu.memory_space<vmem>> -> memref<128x32xf32, #tpu.memory_space<vmem>>
    %dma_start3A_68 = arith.constant 0 : i32
    %dma_start3A_69 = tpu.memref_slice %arg5[%dma_start3A_64, %dma_start3A_68] : memref<200x128xi32, #tpu.memory_space<vmem>> -> memref<1x128xi32, #tpu.memory_space<vmem>>
    %dma_start3A_70 = tpu.memref_squeeze %dma_start3A_69 : memref<1x128xi32, #tpu.memory_space<vmem>> -> memref<128xi32, #tpu.memory_space<vmem>>
    %dma_start3A_71 = arith.constant 0 : i32
    %dma_start3A_72 = arith.constant 0 : i32
    %dma_start3A_73 = tpu.memref_slice %arg3[%dma_start3A_71, %dma_start3A_72] : memref<4000000x32xf32, #tpu.memory_space<hbm>> -> memref<4000000x32xf32, #tpu.memory_space<hbm>>
    tpu.enqueue_indirect_dma source(%dma_start3A_73 : memref<4000000x32xf32, #tpu.memory_space<hbm>>) target(%dma_start3A_67 : memref<128x32xf32, #tpu.memory_space<vmem>>) offsets(%dma_start3A_70 : memref<128xi32, #tpu.memory_space<vmem>>) semaphore(%arg8 : memref<!tpu.dma_semaphore, #tpu.memory_space<semaphore_mem>>)
    %dma_start3A_74 = arith.constant 7 : i32
    %dma_start3A_75 = arith.constant 896 : i32
    %dma_start3A_76 = arith.constant 0 : i32
    %dma_start3A_77 = tpu.memref_slice %arg6[%dma_start3A_75, %dma_start3A_76] : memref<1024x32xf32, #tpu.memory_space<vmem>> -> memref<128x32xf32, #tpu.memory_space<vmem>>
    %dma_start3A_78 = arith.constant 0 : i32
    %dma_start3A_79 = tpu.memref_slice %arg5[%dma_start3A_74, %dma_start3A_78] : memref<200x128xi32, #tpu.memory_space<vmem>> -> memref<1x128xi32, #tpu.memory_space<vmem>>
    %dma_start3A_80 = tpu.memref_squeeze %dma_start3A_79 : memref<1x128xi32, #tpu.memory_space<vmem>> -> memref<128xi32, #tpu.memory_space<vmem>>
    %dma_start3A_81 = arith.constant 0 : i32
    %dma_start3A_82 = arith.constant 0 : i32
    %dma_start3A_83 = tpu.memref_slice %arg3[%dma_start3A_81, %dma_start3A_82] : memref<4000000x32xf32, #tpu.memory_space<hbm>> -> memref<4000000x32xf32, #tpu.memory_space<hbm>>
    tpu.enqueue_indirect_dma source(%dma_start3A_83 : memref<4000000x32xf32, #tpu.memory_space<hbm>>) target(%dma_start3A_77 : memref<128x32xf32, #tpu.memory_space<vmem>>) offsets(%dma_start3A_80 : memref<128xi32, #tpu.memory_space<vmem>>) semaphore(%arg8 : memref<!tpu.dma_semaphore, #tpu.memory_space<semaphore_mem>>)
    %dma_start3A_84 = arith.constant 8 : i32
    %dma_start3A_85 = arith.constant 0 : i32
    %dma_start3A_86 = arith.constant 0 : i32
    %dma_start3A_87 = tpu.memref_slice %arg7[%dma_start3A_85, %dma_start3A_86] : memref<1024x32xf32, #tpu.memory_space<vmem>> -> memref<128x32xf32, #tpu.memory_space<vmem>>
    %dma_start3A_88 = arith.constant 0 : i32
    %dma_start3A_89 = tpu.memref_slice %arg5[%dma_start3A_84, %dma_start3A_88] : memref<200x128xi32, #tpu.memory_space<vmem>> -> memref<1x128xi32, #tpu.memory_space<vmem>>
    %dma_start3A_90 = tpu.memref_squeeze %dma_start3A_89 : memref<1x128xi32, #tpu.memory_space<vmem>> -> memref<128xi32, #tpu.memory_space<vmem>>
    %dma_start3A_91 = arith.constant 0 : i32
    %dma_start3A_92 = arith.constant 0 : i32
    %dma_start3A_93 = tpu.memref_slice %arg3[%dma_start3A_91, %dma_start3A_92] : memref<4000000x32xf32, #tpu.memory_space<hbm>> -> memref<4000000x32xf32, #tpu.memory_space<hbm>>
    tpu.enqueue_indirect_dma source(%dma_start3A_93 : memref<4000000x32xf32, #tpu.memory_space<hbm>>) target(%dma_start3A_87 : memref<128x32xf32, #tpu.memory_space<vmem>>) offsets(%dma_start3A_90 : memref<128xi32, #tpu.memory_space<vmem>>) semaphore(%arg9 : memref<!tpu.dma_semaphore, #tpu.memory_space<semaphore_mem>>)
    %dma_start3A_94 = arith.constant 9 : i32
    %dma_start3A_95 = arith.constant 128 : i32
    %dma_start3A_96 = arith.constant 0 : i32
    %dma_start3A_97 = tpu.memref_slice %arg7[%dma_start3A_95, %dma_start3A_96] : memref<1024x32xf32, #tpu.memory_space<vmem>> -> memref<128x32xf32, #tpu.memory_space<vmem>>
    %dma_start3A_98 = arith.constant 0 : i32
    %dma_start3A_99 = tpu.memref_slice %arg5[%dma_start3A_94, %dma_start3A_98] : memref<200x128xi32, #tpu.memory_space<vmem>> -> memref<1x128xi32, #tpu.memory_space<vmem>>
    %dma_start3A_100 = tpu.memref_squeeze %dma_start3A_99 : memref<1x128xi32, #tpu.memory_space<vmem>> -> memref<128xi32, #tpu.memory_space<vmem>>
    %dma_start3A_101 = arith.constant 0 : i32
    %dma_start3A_102 = arith.constant 0 : i32
    %dma_start3A_103 = tpu.memref_slice %arg3[%dma_start3A_101, %dma_start3A_102] : memref<4000000x32xf32, #tpu.memory_space<hbm>> -> memref<4000000x32xf32, #tpu.memory_space<hbm>>
    tpu.enqueue_indirect_dma source(%dma_start3A_103 : memref<4000000x32xf32, #tpu.memory_space<hbm>>) target(%dma_start3A_97 : memref<128x32xf32, #tpu.memory_space<vmem>>) offsets(%dma_start3A_100 : memref<128xi32, #tpu.memory_space<vmem>>) semaphore(%arg9 : memref<!tpu.dma_semaphore, #tpu.memory_space<semaphore_mem>>)
    %dma_start3A_104 = arith.constant 10 : i32
    %dma_start3A_105 = arith.constant 256 : i32
    %dma_start3A_106 = arith.constant 0 : i32
    %dma_start3A_107 = tpu.memref_slice %arg7[%dma_start3A_105, %dma_start3A_106] : memref<1024x32xf32, #tpu.memory_space<vmem>> -> memref<128x32xf32, #tpu.memory_space<vmem>>
    %dma_start3A_108 = arith.constant 0 : i32
    %dma_start3A_109 = tpu.memref_slice %arg5[%dma_start3A_104, %dma_start3A_108] : memref<200x128xi32, #tpu.memory_space<vmem>> -> memref<1x128xi32, #tpu.memory_space<vmem>>
    %dma_start3A_110 = tpu.memref_squeeze %dma_start3A_109 : memref<1x128xi32, #tpu.memory_space<vmem>> -> memref<128xi32, #tpu.memory_space<vmem>>
    %dma_start3A_111 = arith.constant 0 : i32
    %dma_start3A_112 = arith.constant 0 : i32
    %dma_start3A_113 = tpu.memref_slice %arg3[%dma_start3A_111, %dma_start3A_112] : memref<4000000x32xf32, #tpu.memory_space<hbm>> -> memref<4000000x32xf32, #tpu.memory_space<hbm>>
    tpu.enqueue_indirect_dma source(%dma_start3A_113 : memref<4000000x32xf32, #tpu.memory_space<hbm>>) target(%dma_start3A_107 : memref<128x32xf32, #tpu.memory_space<vmem>>) offsets(%dma_start3A_110 : memref<128xi32, #tpu.memory_space<vmem>>) semaphore(%arg9 : memref<!tpu.dma_semaphore, #tpu.memory_space<semaphore_mem>>)
    %dma_start3A_114 = arith.constant 11 : i32
    %dma_start3A_115 = arith.constant 384 : i32
    %dma_start3A_116 = arith.constant 0 : i32
    %dma_start3A_117 = tpu.memref_slice %arg7[%dma_start3A_115, %dma_start3A_116] : memref<1024x32xf32, #tpu.memory_space<vmem>> -> memref<128x32xf32, #tpu.memory_space<vmem>>
    %dma_start3A_118 = arith.constant 0 : i32
    %dma_start3A_119 = tpu.memref_slice %arg5[%dma_start3A_114, %dma_start3A_118] : memref<200x128xi32, #tpu.memory_space<vmem>> -> memref<1x128xi32, #tpu.memory_space<vmem>>
    %dma_start3A_120 = tpu.memref_squeeze %dma_start3A_119 : memref<1x128xi32, #tpu.memory_space<vmem>> -> memref<128xi32, #tpu.memory_space<vmem>>
    %dma_start3A_121 = arith.constant 0 : i32
    %dma_start3A_122 = arith.constant 0 : i32
    %dma_start3A_123 = tpu.memref_slice %arg3[%dma_start3A_121, %dma_start3A_122] : memref<4000000x32xf32, #tpu.memory_space<hbm>> -> memref<4000000x32xf32, #tpu.memory_space<hbm>>
    tpu.enqueue_indirect_dma source(%dma_start3A_123 : memref<4000000x32xf32, #tpu.memory_space<hbm>>) target(%dma_start3A_117 : memref<128x32xf32, #tpu.memory_space<vmem>>) offsets(%dma_start3A_120 : memref<128xi32, #tpu.memory_space<vmem>>) semaphore(%arg9 : memref<!tpu.dma_semaphore, #tpu.memory_space<semaphore_mem>>)
    %dma_start3A_124 = arith.constant 12 : i32
    %dma_start3A_125 = arith.constant 512 : i32
    %dma_start3A_126 = arith.constant 0 : i32
    %dma_start3A_127 = tpu.memref_slice %arg7[%dma_start3A_125, %dma_start3A_126] : memref<1024x32xf32, #tpu.memory_space<vmem>> -> memref<128x32xf32, #tpu.memory_space<vmem>>
    %dma_start3A_128 = arith.constant 0 : i32
    %dma_start3A_129 = tpu.memref_slice %arg5[%dma_start3A_124, %dma_start3A_128] : memref<200x128xi32, #tpu.memory_space<vmem>> -> memref<1x128xi32, #tpu.memory_space<vmem>>
    %dma_start3A_130 = tpu.memref_squeeze %dma_start3A_129 : memref<1x128xi32, #tpu.memory_space<vmem>> -> memref<128xi32, #tpu.memory_space<vmem>>
    %dma_start3A_131 = arith.constant 0 : i32
    %dma_start3A_132 = arith.constant 0 : i32
    %dma_start3A_133 = tpu.memref_slice %arg3[%dma_start3A_131, %dma_start3A_132] : memref<4000000x32xf32, #tpu.memory_space<hbm>> -> memref<4000000x32xf32, #tpu.memory_space<hbm>>
    tpu.enqueue_indirect_dma source(%dma_start3A_133 : memref<4000000x32xf32, #tpu.memory_space<hbm>>) target(%dma_start3A_127 : memref<128x32xf32, #tpu.memory_space<vmem>>) offsets(%dma_start3A_130 : memref<128xi32, #tpu.memory_space<vmem>>) semaphore(%arg9 : memref<!tpu.dma_semaphore, #tpu.memory_space<semaphore_mem>>)
    %dma_start3A_134 = arith.constant 13 : i32
    %dma_start3A_135 = arith.constant 640 : i32
    %dma_start3A_136 = arith.constant 0 : i32
    %dma_start3A_137 = tpu.memref_slice %arg7[%dma_start3A_135, %dma_start3A_136] : memref<1024x32xf32, #tpu.memory_space<vmem>> -> memref<128x32xf32, #tpu.memory_space<vmem>>
    %dma_start3A_138 = arith.constant 0 : i32
    %dma_start3A_139 = tpu.memref_slice %arg5[%dma_start3A_134, %dma_start3A_138] : memref<200x128xi32, #tpu.memory_space<vmem>> -> memref<1x128xi32, #tpu.memory_space<vmem>>
    %dma_start3A_140 = tpu.memref_squeeze %dma_start3A_139 : memref<1x128xi32, #tpu.memory_space<vmem>> -> memref<128xi32, #tpu.memory_space<vmem>>
    %dma_start3A_141 = arith.constant 0 : i32
    %dma_start3A_142 = arith.constant 0 : i32
    %dma_start3A_143 = tpu.memref_slice %arg3[%dma_start3A_141, %dma_start3A_142] : memref<4000000x32xf32, #tpu.memory_space<hbm>> -> memref<4000000x32xf32, #tpu.memory_space<hbm>>
    tpu.enqueue_indirect_dma source(%dma_start3A_143 : memref<4000000x32xf32, #tpu.memory_space<hbm>>) target(%dma_start3A_137 : memref<128x32xf32, #tpu.memory_space<vmem>>) offsets(%dma_start3A_140 : memref<128xi32, #tpu.memory_space<vmem>>) semaphore(%arg9 : memref<!tpu.dma_semaphore, #tpu.memory_space<semaphore_mem>>)
    %dma_start3A_144 = arith.constant 14 : i32
    %dma_start3A_145 = arith.constant 768 : i32
    %dma_start3A_146 = arith.constant 0 : i32
    %dma_start3A_147 = tpu.memref_slice %arg7[%dma_start3A_145, %dma_start3A_146] : memref<1024x32xf32, #tpu.memory_space<vmem>> -> memref<128x32xf32, #tpu.memory_space<vmem>>
    %dma_start3A_148 = arith.constant 0 : i32
    %dma_start3A_149 = tpu.memref_slice %arg5[%dma_start3A_144, %dma_start3A_148] : memref<200x128xi32, #tpu.memory_space<vmem>> -> memref<1x128xi32, #tpu.memory_space<vmem>>
    %dma_start3A_150 = tpu.memref_squeeze %dma_start3A_149 : memref<1x128xi32, #tpu.memory_space<vmem>> -> memref<128xi32, #tpu.memory_space<vmem>>
    %dma_start3A_151 = arith.constant 0 : i32
    %dma_start3A_152 = arith.constant 0 : i32
    %dma_start3A_153 = tpu.memref_slice %arg3[%dma_start3A_151, %dma_start3A_152] : memref<4000000x32xf32, #tpu.memory_space<hbm>> -> memref<4000000x32xf32, #tpu.memory_space<hbm>>
    tpu.enqueue_indirect_dma source(%dma_start3A_153 : memref<4000000x32xf32, #tpu.memory_space<hbm>>) target(%dma_start3A_147 : memref<128x32xf32, #tpu.memory_space<vmem>>) offsets(%dma_start3A_150 : memref<128xi32, #tpu.memory_space<vmem>>) semaphore(%arg9 : memref<!tpu.dma_semaphore, #tpu.memory_space<semaphore_mem>>)
    %dma_start3A_154 = arith.constant 15 : i32
    %dma_start3A_155 = arith.constant 896 : i32
    %dma_start3A_156 = arith.constant 0 : i32
    %dma_start3A_157 = tpu.memref_slice %arg7[%dma_start3A_155, %dma_start3A_156] : memref<1024x32xf32, #tpu.memory_space<vmem>> -> memref<128x32xf32, #tpu.memory_space<vmem>>
    %dma_start3A_158 = arith.constant 0 : i32
    %dma_start3A_159 = tpu.memref_slice %arg5[%dma_start3A_154, %dma_start3A_158] : memref<200x128xi32, #tpu.memory_space<vmem>> -> memref<1x128xi32, #tpu.memory_space<vmem>>
    %dma_start3A_160 = tpu.memref_squeeze %dma_start3A_159 : memref<1x128xi32, #tpu.memory_space<vmem>> -> memref<128xi32, #tpu.memory_space<vmem>>
    %dma_start3A_161 = arith.constant 0 : i32
    %dma_start3A_162 = arith.constant 0 : i32
    %dma_start3A_163 = tpu.memref_slice %arg3[%dma_start3A_161, %dma_start3A_162] : memref<4000000x32xf32, #tpu.memory_space<hbm>> -> memref<4000000x32xf32, #tpu.memory_space<hbm>>
    tpu.enqueue_indirect_dma source(%dma_start3A_163 : memref<4000000x32xf32, #tpu.memory_space<hbm>>) target(%dma_start3A_157 : memref<128x32xf32, #tpu.memory_space<vmem>>) offsets(%dma_start3A_160 : memref<128xi32, #tpu.memory_space<vmem>>) semaphore(%arg9 : memref<!tpu.dma_semaphore, #tpu.memory_space<semaphore_mem>>)
    %scan3A = arith.constant 0 : i32
    %scan3A_164 = arith.constant 0 : i32
    %scan3A_165 = arith.constant 12 : i32
    %scan3A_166 = arith.addi %scan3A_164, %scan3A_165 : i32
    %scan3A_167 = arith.constant 1 : i32
    scf.for %scan3A_213 = %scan3A_164 to %scan3A_166 step %scan3A_167  : i32 {
      %mul3A_214 = arith.constant 2 : i32
      %mul3A_215 = arith.muli %scan3A_213, %mul3A_214 : i32
      %add3A_216 = arith.constant 0 : i32
      %add3A_217 = arith.addi %mul3A_215, %add3A_216 : i32
      %dma_wait3A_218 = arith.constant 0 : i32
      %dma_wait3A_219 = arith.constant 0 : i32
      %dma_wait3A_220 = tpu.memref_slice %arg3[%dma_wait3A_218, %dma_wait3A_219] : memref<4000000x32xf32, #tpu.memory_space<hbm>> -> memref<1024x32xf32, #tpu.memory_space<hbm>>
      %dma_wait3A_221 = arith.constant 0 : i32
      %dma_wait3A_222 = arith.constant 0 : i32
      %dma_wait3A_223 = tpu.memref_slice %arg3[%dma_wait3A_221, %dma_wait3A_222] : memref<4000000x32xf32, #tpu.memory_space<hbm>> -> memref<1024x32xf32, #tpu.memory_space<hbm>>
      tpu.wait_dma2 semaphore(%arg8 : memref<!tpu.dma_semaphore, #tpu.memory_space<semaphore_mem>>) src(%dma_wait3A_223 : memref<1024x32xf32, #tpu.memory_space<hbm>>) dst(%arg6 : memref<1024x32xf32, #tpu.memory_space<vmem>>)
      %mul3A_224 = arith.constant 2 : i32
      %mul3A_225 = arith.muli %add3A_217, %mul3A_224 : i32
      %add3A_226 = arith.addi %mul3A_4, %mul3A_225 : i32
      %add3A_227 = arith.constant 0 : i32
      %add3A_228 = arith.addi %add3A_226, %add3A_227 : i32
      %run_scoped3A_229 = arith.constant 0 : i32
      "tpu.region"() ({
        %run_scoped3A_339 = tpu.sem_alloc : memref<!tpu.dma_semaphore, #tpu.memory_space<semaphore_mem>>
        %dma_start3A_340 = arith.constant 0 : i32
        %dma_start3A_341 = arith.constant 0 : i32
        %dma_start3A_342 = tpu.memref_slice %arg6[%dma_start3A_340, %dma_start3A_341] : memref<1024x32xf32, #tpu.memory_space<vmem>> -> memref<128x32xf32, #tpu.memory_space<vmem>>
        %dma_start3A_343 = arith.constant 0 : i32
        %dma_start3A_344 = arith.constant 0 : i32
        %dma_start3A_345 = tpu.memref_slice %arg4[%add3A_228, %dma_start3A_343, %run_scoped3A_229, %dma_start3A_344] : memref<1600x128x4x32xf32, #tpu.memory_space<hbm>> -> memref<1x128x1x32xf32, #tpu.memory_space<hbm>>
        %dma_start3A_346 = tpu.memref_squeeze %dma_start3A_345 : memref<1x128x1x32xf32, #tpu.memory_space<hbm>> -> memref<128x32xf32, #tpu.memory_space<hbm>>
        %dma_start3A_347 = arith.constant 0 : i32
        %dma_start3A_348 = arith.constant 0 : i32
        %dma_start3A_349 = tpu.memref_slice %arg4[%add3A_228, %dma_start3A_347, %run_scoped3A_229, %dma_start3A_348] : memref<1600x128x4x32xf32, #tpu.memory_space<hbm>> -> memref<1x128x1x32xf32, #tpu.memory_space<hbm>>
        %dma_start3A_350 = tpu.memref_squeeze %dma_start3A_349 : memref<1x128x1x32xf32, #tpu.memory_space<hbm>> -> memref<128x32xf32, #tpu.memory_space<hbm>>
        %dma_start3A_351 = arith.constant 0 : i32
        %dma_start3A_352 = arith.constant 0 : i32
        %dma_start3A_353 = tpu.memref_slice %arg6[%dma_start3A_351, %dma_start3A_352] : memref<1024x32xf32, #tpu.memory_space<vmem>> -> memref<128x32xf32, #tpu.memory_space<vmem>>
        tpu.enqueue_dma source(%dma_start3A_353 : memref<128x32xf32, #tpu.memory_space<vmem>>) target(%dma_start3A_350 : memref<128x32xf32, #tpu.memory_space<hbm>>) target_semaphore(%run_scoped3A_339 : memref<!tpu.dma_semaphore, #tpu.memory_space<semaphore_mem>>)
        %dma_wait3A_354 = arith.constant 0 : i32
        %dma_wait3A_355 = arith.constant 0 : i32
        %dma_wait3A_356 = tpu.memref_slice %arg6[%dma_wait3A_354, %dma_wait3A_355] : memref<1024x32xf32, #tpu.memory_space<vmem>> -> memref<128x32xf32, #tpu.memory_space<vmem>>
        %dma_wait3A_357 = arith.constant 0 : i32
        %dma_wait3A_358 = arith.constant 0 : i32
        %dma_wait3A_359 = tpu.memref_slice %arg4[%add3A_228, %dma_wait3A_357, %run_scoped3A_229, %dma_wait3A_358] : memref<1600x128x4x32xf32, #tpu.memory_space<hbm>> -> memref<1x128x1x32xf32, #tpu.memory_space<hbm>>
        %dma_wait3A_360 = tpu.memref_squeeze %dma_wait3A_359 : memref<1x128x1x32xf32, #tpu.memory_space<hbm>> -> memref<128x32xf32, #tpu.memory_space<hbm>>
        %dma_wait3A_361 = arith.constant 0 : i32
        %dma_wait3A_362 = arith.constant 0 : i32
        %dma_wait3A_363 = tpu.memref_slice %arg4[%add3A_228, %dma_wait3A_361, %run_scoped3A_229, %dma_wait3A_362] : memref<1600x128x4x32xf32, #tpu.memory_space<hbm>> -> memref<1x128x1x32xf32, #tpu.memory_space<hbm>>
        %dma_wait3A_364 = tpu.memref_squeeze %dma_wait3A_363 : memref<1x128x1x32xf32, #tpu.memory_space<hbm>> -> memref<128x32xf32, #tpu.memory_space<hbm>>
        %dma_wait3A_365 = arith.constant 0 : i32
        %dma_wait3A_366 = arith.constant 0 : i32
        %dma_wait3A_367 = tpu.memref_slice %arg6[%dma_wait3A_365, %dma_wait3A_366] : memref<1024x32xf32, #tpu.memory_space<vmem>> -> memref<128x32xf32, #tpu.memory_space<vmem>>
        tpu.wait_dma2 semaphore(%run_scoped3A_339 : memref<!tpu.dma_semaphore, #tpu.memory_space<semaphore_mem>>) src(%dma_wait3A_367 : memref<128x32xf32, #tpu.memory_space<vmem>>) dst(%dma_wait3A_364 : memref<128x32xf32, #tpu.memory_space<hbm>>)
        tpu.yield
      }) : () -> ()
      %mul3A_230 = arith.constant 2 : i32
      %mul3A_231 = arith.muli %add3A_217, %mul3A_230 : i32
      %add3A_232 = arith.addi %mul3A_4, %mul3A_231 : i32
      %add3A_233 = arith.constant 0 : i32
      %add3A_234 = arith.addi %add3A_232, %add3A_233 : i32
      %run_scoped3A_235 = arith.constant 1 : i32
      "tpu.region"() ({
        %run_scoped3A_339 = tpu.sem_alloc : memref<!tpu.dma_semaphore, #tpu.memory_space<semaphore_mem>>
        %dma_start3A_340 = arith.constant 128 : i32
        %dma_start3A_341 = arith.constant 0 : i32
        %dma_start3A_342 = tpu.memref_slice %arg6[%dma_start3A_340, %dma_start3A_341] : memref<1024x32xf32, #tpu.memory_space<vmem>> -> memref<128x32xf32, #tpu.memory_space<vmem>>
        %dma_start3A_343 = arith.constant 0 : i32
        %dma_start3A_344 = arith.constant 0 : i32
        %dma_start3A_345 = tpu.memref_slice %arg4[%add3A_234, %dma_start3A_343, %run_scoped3A_235, %dma_start3A_344] : memref<1600x128x4x32xf32, #tpu.memory_space<hbm>> -> memref<1x128x1x32xf32, #tpu.memory_space<hbm>>
        %dma_start3A_346 = tpu.memref_squeeze %dma_start3A_345 : memref<1x128x1x32xf32, #tpu.memory_space<hbm>> -> memref<128x32xf32, #tpu.memory_space<hbm>>
        %dma_start3A_347 = arith.constant 0 : i32
        %dma_start3A_348 = arith.constant 0 : i32
        %dma_start3A_349 = tpu.memref_slice %arg4[%add3A_234, %dma_start3A_347, %run_scoped3A_235, %dma_start3A_348] : memref<1600x128x4x32xf32, #tpu.memory_space<hbm>> -> memref<1x128x1x32xf32, #tpu.memory_space<hbm>>
        %dma_start3A_350 = tpu.memref_squeeze %dma_start3A_349 : memref<1x128x1x32xf32, #tpu.memory_space<hbm>> -> memref<128x32xf32, #tpu.memory_space<hbm>>
        %dma_start3A_351 = arith.constant 128 : i32
        %dma_start3A_352 = arith.constant 0 : i32
        %dma_start3A_353 = tpu.memref_slice %arg6[%dma_start3A_351, %dma_start3A_352] : memref<1024x32xf32, #tpu.memory_space<vmem>> -> memref<128x32xf32, #tpu.memory_space<vmem>>
        tpu.enqueue_dma source(%dma_start3A_353 : memref<128x32xf32, #tpu.memory_space<vmem>>) target(%dma_start3A_350 : memref<128x32xf32, #tpu.memory_space<hbm>>) target_semaphore(%run_scoped3A_339 : memref<!tpu.dma_semaphore, #tpu.memory_space<semaphore_mem>>)
        %dma_wait3A_354 = arith.constant 128 : i32
        %dma_wait3A_355 = arith.constant 0 : i32
        %dma_wait3A_356 = tpu.memref_slice %arg6[%dma_wait3A_354, %dma_wait3A_355] : memref<1024x32xf32, #tpu.memory_space<vmem>> -> memref<128x32xf32, #tpu.memory_space<vmem>>
        %dma_wait3A_357 = arith.constant 0 : i32
        %dma_wait3A_358 = arith.constant 0 : i32
        %dma_wait3A_359 = tpu.memref_slice %arg4[%add3A_234, %dma_wait3A_357, %run_scoped3A_235, %dma_wait3A_358] : memref<1600x128x4x32xf32, #tpu.memory_space<hbm>> -> memref<1x128x1x32xf32, #tpu.memory_space<hbm>>
        %dma_wait3A_360 = tpu.memref_squeeze %dma_wait3A_359 : memref<1x128x1x32xf32, #tpu.memory_space<hbm>> -> memref<128x32xf32, #tpu.memory_space<hbm>>
        %dma_wait3A_361 = arith.constant 0 : i32
        %dma_wait3A_362 = arith.constant 0 : i32
        %dma_wait3A_363 = tpu.memref_slice %arg4[%add3A_234, %dma_wait3A_361, %run_scoped3A_235, %dma_wait3A_362] : memref<1600x128x4x32xf32, #tpu.memory_space<hbm>> -> memref<1x128x1x32xf32, #tpu.memory_space<hbm>>
        %dma_wait3A_364 = tpu.memref_squeeze %dma_wait3A_363 : memref<1x128x1x32xf32, #tpu.memory_space<hbm>> -> memref<128x32xf32, #tpu.memory_space<hbm>>
        %dma_wait3A_365 = arith.constant 128 : i32
        %dma_wait3A_366 = arith.constant 0 : i32
        %dma_wait3A_367 = tpu.memref_slice %arg6[%dma_wait3A_365, %dma_wait3A_366] : memref<1024x32xf32, #tpu.memory_space<vmem>> -> memref<128x32xf32, #tpu.memory_space<vmem>>
        tpu.wait_dma2 semaphore(%run_scoped3A_339 : memref<!tpu.dma_semaphore, #tpu.memory_space<semaphore_mem>>) src(%dma_wait3A_367 : memref<128x32xf32, #tpu.memory_space<vmem>>) dst(%dma_wait3A_364 : memref<128x32xf32, #tpu.memory_space<hbm>>)
        tpu.yield
      }) : () -> ()
      %mul3A_236 = arith.constant 2 : i32
      %mul3A_237 = arith.muli %add3A_217, %mul3A_236 : i32
      %add3A_238 = arith.addi %mul3A_4, %mul3A_237 : i32
      %add3A_239 = arith.constant 0 : i32
      %add3A_240 = arith.addi %add3A_238, %add3A_239 : i32
      %run_scoped3A_241 = arith.constant 2 : i32
      "tpu.region"() ({
        %run_scoped3A_339 = tpu.sem_alloc : memref<!tpu.dma_semaphore, #tpu.memory_space<semaphore_mem>>
        %dma_start3A_340 = arith.constant 256 : i32
        %dma_start3A_341 = arith.constant 0 : i32
        %dma_start3A_342 = tpu.memref_slice %arg6[%dma_start3A_340, %dma_start3A_341] : memref<1024x32xf32, #tpu.memory_space<vmem>> -> memref<128x32xf32, #tpu.memory_space<vmem>>
        %dma_start3A_343 = arith.constant 0 : i32
        %dma_start3A_344 = arith.constant 0 : i32
        %dma_start3A_345 = tpu.memref_slice %arg4[%add3A_240, %dma_start3A_343, %run_scoped3A_241, %dma_start3A_344] : memref<1600x128x4x32xf32, #tpu.memory_space<hbm>> -> memref<1x128x1x32xf32, #tpu.memory_space<hbm>>
        %dma_start3A_346 = tpu.memref_squeeze %dma_start3A_345 : memref<1x128x1x32xf32, #tpu.memory_space<hbm>> -> memref<128x32xf32, #tpu.memory_space<hbm>>
        %dma_start3A_347 = arith.constant 0 : i32
        %dma_start3A_348 = arith.constant 0 : i32
        %dma_start3A_349 = tpu.memref_slice %arg4[%add3A_240, %dma_start3A_347, %run_scoped3A_241, %dma_start3A_348] : memref<1600x128x4x32xf32, #tpu.memory_space<hbm>> -> memref<1x128x1x32xf32, #tpu.memory_space<hbm>>
        %dma_start3A_350 = tpu.memref_squeeze %dma_start3A_349 : memref<1x128x1x32xf32, #tpu.memory_space<hbm>> -> memref<128x32xf32, #tpu.memory_space<hbm>>
        %dma_start3A_351 = arith.constant 256 : i32
        %dma_start3A_352 = arith.constant 0 : i32
        %dma_start3A_353 = tpu.memref_slice %arg6[%dma_start3A_351, %dma_start3A_352] : memref<1024x32xf32, #tpu.memory_space<vmem>> -> memref<128x32xf32, #tpu.memory_space<vmem>>
        tpu.enqueue_dma source(%dma_start3A_353 : memref<128x32xf32, #tpu.memory_space<vmem>>) target(%dma_start3A_350 : memref<128x32xf32, #tpu.memory_space<hbm>>) target_semaphore(%run_scoped3A_339 : memref<!tpu.dma_semaphore, #tpu.memory_space<semaphore_mem>>)
        %dma_wait3A_354 = arith.constant 256 : i32
        %dma_wait3A_355 = arith.constant 0 : i32
        %dma_wait3A_356 = tpu.memref_slice %arg6[%dma_wait3A_354, %dma_wait3A_355] : memref<1024x32xf32, #tpu.memory_space<vmem>> -> memref<128x32xf32, #tpu.memory_space<vmem>>
        %dma_wait3A_357 = arith.constant 0 : i32
        %dma_wait3A_358 = arith.constant 0 : i32
        %dma_wait3A_359 = tpu.memref_slice %arg4[%add3A_240, %dma_wait3A_357, %run_scoped3A_241, %dma_wait3A_358] : memref<1600x128x4x32xf32, #tpu.memory_space<hbm>> -> memref<1x128x1x32xf32, #tpu.memory_space<hbm>>
        %dma_wait3A_360 = tpu.memref_squeeze %dma_wait3A_359 : memref<1x128x1x32xf32, #tpu.memory_space<hbm>> -> memref<128x32xf32, #tpu.memory_space<hbm>>
        %dma_wait3A_361 = arith.constant 0 : i32
        %dma_wait3A_362 = arith.constant 0 : i32
        %dma_wait3A_363 = tpu.memref_slice %arg4[%add3A_240, %dma_wait3A_361, %run_scoped3A_241, %dma_wait3A_362] : memref<1600x128x4x32xf32, #tpu.memory_space<hbm>> -> memref<1x128x1x32xf32, #tpu.memory_space<hbm>>
        %dma_wait3A_364 = tpu.memref_squeeze %dma_wait3A_363 : memref<1x128x1x32xf32, #tpu.memory_space<hbm>> -> memref<128x32xf32, #tpu.memory_space<hbm>>
        %dma_wait3A_365 = arith.constant 256 : i32
        %dma_wait3A_366 = arith.constant 0 : i32
        %dma_wait3A_367 = tpu.memref_slice %arg6[%dma_wait3A_365, %dma_wait3A_366] : memref<1024x32xf32, #tpu.memory_space<vmem>> -> memref<128x32xf32, #tpu.memory_space<vmem>>
        tpu.wait_dma2 semaphore(%run_scoped3A_339 : memref<!tpu.dma_semaphore, #tpu.memory_space<semaphore_mem>>) src(%dma_wait3A_367 : memref<128x32xf32, #tpu.memory_space<vmem>>) dst(%dma_wait3A_364 : memref<128x32xf32, #tpu.memory_space<hbm>>)
        tpu.yield
      }) : () -> ()
      %mul3A_242 = arith.constant 2 : i32
      %mul3A_243 = arith.muli %add3A_217, %mul3A_242 : i32
      %add3A_244 = arith.addi %mul3A_4, %mul3A_243 : i32
      %add3A_245 = arith.constant 0 : i32
      %add3A_246 = arith.addi %add3A_244, %add3A_245 : i32
      %run_scoped3A_247 = arith.constant 3 : i32
      "tpu.region"() ({
        %run_scoped3A_339 = tpu.sem_alloc : memref<!tpu.dma_semaphore, #tpu.memory_space<semaphore_mem>>
        %dma_start3A_340 = arith.constant 384 : i32
        %dma_start3A_341 = arith.constant 0 : i32
        %dma_start3A_342 = tpu.memref_slice %arg6[%dma_start3A_340, %dma_start3A_341] : memref<1024x32xf32, #tpu.memory_space<vmem>> -> memref<128x32xf32, #tpu.memory_space<vmem>>
        %dma_start3A_343 = arith.constant 0 : i32
        %dma_start3A_344 = arith.constant 0 : i32
        %dma_start3A_345 = tpu.memref_slice %arg4[%add3A_246, %dma_start3A_343, %run_scoped3A_247, %dma_start3A_344] : memref<1600x128x4x32xf32, #tpu.memory_space<hbm>> -> memref<1x128x1x32xf32, #tpu.memory_space<hbm>>
        %dma_start3A_346 = tpu.memref_squeeze %dma_start3A_345 : memref<1x128x1x32xf32, #tpu.memory_space<hbm>> -> memref<128x32xf32, #tpu.memory_space<hbm>>
        %dma_start3A_347 = arith.constant 0 : i32
        %dma_start3A_348 = arith.constant 0 : i32
        %dma_start3A_349 = tpu.memref_slice %arg4[%add3A_246, %dma_start3A_347, %run_scoped3A_247, %dma_start3A_348] : memref<1600x128x4x32xf32, #tpu.memory_space<hbm>> -> memref<1x128x1x32xf32, #tpu.memory_space<hbm>>
        %dma_start3A_350 = tpu.memref_squeeze %dma_start3A_349 : memref<1x128x1x32xf32, #tpu.memory_space<hbm>> -> memref<128x32xf32, #tpu.memory_space<hbm>>
        %dma_start3A_351 = arith.constant 384 : i32
        %dma_start3A_352 = arith.constant 0 : i32
        %dma_start3A_353 = tpu.memref_slice %arg6[%dma_start3A_351, %dma_start3A_352] : memref<1024x32xf32, #tpu.memory_space<vmem>> -> memref<128x32xf32, #tpu.memory_space<vmem>>
        tpu.enqueue_dma source(%dma_start3A_353 : memref<128x32xf32, #tpu.memory_space<vmem>>) target(%dma_start3A_350 : memref<128x32xf32, #tpu.memory_space<hbm>>) target_semaphore(%run_scoped3A_339 : memref<!tpu.dma_semaphore, #tpu.memory_space<semaphore_mem>>)
        %dma_wait3A_354 = arith.constant 384 : i32
        %dma_wait3A_355 = arith.constant 0 : i32
        %dma_wait3A_356 = tpu.memref_slice %arg6[%dma_wait3A_354, %dma_wait3A_355] : memref<1024x32xf32, #tpu.memory_space<vmem>> -> memref<128x32xf32, #tpu.memory_space<vmem>>
        %dma_wait3A_357 = arith.constant 0 : i32
        %dma_wait3A_358 = arith.constant 0 : i32
        %dma_wait3A_359 = tpu.memref_slice %arg4[%add3A_246, %dma_wait3A_357, %run_scoped3A_247, %dma_wait3A_358] : memref<1600x128x4x32xf32, #tpu.memory_space<hbm>> -> memref<1x128x1x32xf32, #tpu.memory_space<hbm>>
        %dma_wait3A_360 = tpu.memref_squeeze %dma_wait3A_359 : memref<1x128x1x32xf32, #tpu.memory_space<hbm>> -> memref<128x32xf32, #tpu.memory_space<hbm>>
        %dma_wait3A_361 = arith.constant 0 : i32
        %dma_wait3A_362 = arith.constant 0 : i32
        %dma_wait3A_363 = tpu.memref_slice %arg4[%add3A_246, %dma_wait3A_361, %run_scoped3A_247, %dma_wait3A_362] : memref<1600x128x4x32xf32, #tpu.memory_space<hbm>> -> memref<1x128x1x32xf32, #tpu.memory_space<hbm>>
        %dma_wait3A_364 = tpu.memref_squeeze %dma_wait3A_363 : memref<1x128x1x32xf32, #tpu.memory_space<hbm>> -> memref<128x32xf32, #tpu.memory_space<hbm>>
        %dma_wait3A_365 = arith.constant 384 : i32
        %dma_wait3A_366 = arith.constant 0 : i32
        %dma_wait3A_367 = tpu.memref_slice %arg6[%dma_wait3A_365, %dma_wait3A_366] : memref<1024x32xf32, #tpu.memory_space<vmem>> -> memref<128x32xf32, #tpu.memory_space<vmem>>
        tpu.wait_dma2 semaphore(%run_scoped3A_339 : memref<!tpu.dma_semaphore, #tpu.memory_space<semaphore_mem>>) src(%dma_wait3A_367 : memref<128x32xf32, #tpu.memory_space<vmem>>) dst(%dma_wait3A_364 : memref<128x32xf32, #tpu.memory_space<hbm>>)
        tpu.yield
      }) : () -> ()
      %mul3A_248 = arith.constant 2 : i32
      %mul3A_249 = arith.muli %add3A_217, %mul3A_248 : i32
      %add3A_250 = arith.addi %mul3A_4, %mul3A_249 : i32
      %add3A_251 = arith.constant 1 : i32
      %add3A_252 = arith.addi %add3A_250, %add3A_251 : i32
      %run_scoped3A_253 = arith.constant 0 : i32
      "tpu.region"() ({
        %run_scoped3A_339 = tpu.sem_alloc : memref<!tpu.dma_semaphore, #tpu.memory_space<semaphore_mem>>
        %dma_start3A_340 = arith.constant 512 : i32
        %dma_start3A_341 = arith.constant 0 : i32
        %dma_start3A_342 = tpu.memref_slice %arg6[%dma_start3A_340, %dma_start3A_341] : memref<1024x32xf32, #tpu.memory_space<vmem>> -> memref<128x32xf32, #tpu.memory_space<vmem>>
        %dma_start3A_343 = arith.constant 0 : i32
        %dma_start3A_344 = arith.constant 0 : i32
        %dma_start3A_345 = tpu.memref_slice %arg4[%add3A_252, %dma_start3A_343, %run_scoped3A_253, %dma_start3A_344] : memref<1600x128x4x32xf32, #tpu.memory_space<hbm>> -> memref<1x128x1x32xf32, #tpu.memory_space<hbm>>
        %dma_start3A_346 = tpu.memref_squeeze %dma_start3A_345 : memref<1x128x1x32xf32, #tpu.memory_space<hbm>> -> memref<128x32xf32, #tpu.memory_space<hbm>>
        %dma_start3A_347 = arith.constant 0 : i32
        %dma_start3A_348 = arith.constant 0 : i32
        %dma_start3A_349 = tpu.memref_slice %arg4[%add3A_252, %dma_start3A_347, %run_scoped3A_253, %dma_start3A_348] : memref<1600x128x4x32xf32, #tpu.memory_space<hbm>> -> memref<1x128x1x32xf32, #tpu.memory_space<hbm>>
        %dma_start3A_350 = tpu.memref_squeeze %dma_start3A_349 : memref<1x128x1x32xf32, #tpu.memory_space<hbm>> -> memref<128x32xf32, #tpu.memory_space<hbm>>
        %dma_start3A_351 = arith.constant 512 : i32
        %dma_start3A_352 = arith.constant 0 : i32
        %dma_start3A_353 = tpu.memref_slice %arg6[%dma_start3A_351, %dma_start3A_352] : memref<1024x32xf32, #tpu.memory_space<vmem>> -> memref<128x32xf32, #tpu.memory_space<vmem>>
        tpu.enqueue_dma source(%dma_start3A_353 : memref<128x32xf32, #tpu.memory_space<vmem>>) target(%dma_start3A_350 : memref<128x32xf32, #tpu.memory_space<hbm>>) target_semaphore(%run_scoped3A_339 : memref<!tpu.dma_semaphore, #tpu.memory_space<semaphore_mem>>)
        %dma_wait3A_354 = arith.constant 512 : i32
        %dma_wait3A_355 = arith.constant 0 : i32
        %dma_wait3A_356 = tpu.memref_slice %arg6[%dma_wait3A_354, %dma_wait3A_355] : memref<1024x32xf32, #tpu.memory_space<vmem>> -> memref<128x32xf32, #tpu.memory_space<vmem>>
        %dma_wait3A_357 = arith.constant 0 : i32
        %dma_wait3A_358 = arith.constant 0 : i32
        %dma_wait3A_359 = tpu.memref_slice %arg4[%add3A_252, %dma_wait3A_357, %run_scoped3A_253, %dma_wait3A_358] : memref<1600x128x4x32xf32, #tpu.memory_space<hbm>> -> memref<1x128x1x32xf32, #tpu.memory_space<hbm>>
        %dma_wait3A_360 = tpu.memref_squeeze %dma_wait3A_359 : memref<1x128x1x32xf32, #tpu.memory_space<hbm>> -> memref<128x32xf32, #tpu.memory_space<hbm>>
        %dma_wait3A_361 = arith.constant 0 : i32
        %dma_wait3A_362 = arith.constant 0 : i32
        %dma_wait3A_363 = tpu.memref_slice %arg4[%add3A_252, %dma_wait3A_361, %run_scoped3A_253, %dma_wait3A_362] : memref<1600x128x4x32xf32, #tpu.memory_space<hbm>> -> memref<1x128x1x32xf32, #tpu.memory_space<hbm>>
        %dma_wait3A_364 = tpu.memref_squeeze %dma_wait3A_363 : memref<1x128x1x32xf32, #tpu.memory_space<hbm>> -> memref<128x32xf32, #tpu.memory_space<hbm>>
        %dma_wait3A_365 = arith.constant 512 : i32
        %dma_wait3A_366 = arith.constant 0 : i32
        %dma_wait3A_367 = tpu.memref_slice %arg6[%dma_wait3A_365, %dma_wait3A_366] : memref<1024x32xf32, #tpu.memory_space<vmem>> -> memref<128x32xf32, #tpu.memory_space<vmem>>
        tpu.wait_dma2 semaphore(%run_scoped3A_339 : memref<!tpu.dma_semaphore, #tpu.memory_space<semaphore_mem>>) src(%dma_wait3A_367 : memref<128x32xf32, #tpu.memory_space<vmem>>) dst(%dma_wait3A_364 : memref<128x32xf32, #tpu.memory_space<hbm>>)
        tpu.yield
      }) : () -> ()
      %mul3A_254 = arith.constant 2 : i32
      %mul3A_255 = arith.muli %add3A_217, %mul3A_254 : i32
      %add3A_256 = arith.addi %mul3A_4, %mul3A_255 : i32
      %add3A_257 = arith.constant 1 : i32
      %add3A_258 = arith.addi %add3A_256, %add3A_257 : i32
      %run_scoped3A_259 = arith.constant 1 : i32
      "tpu.region"() ({
        %run_scoped3A_339 = tpu.sem_alloc : memref<!tpu.dma_semaphore, #tpu.memory_space<semaphore_mem>>
        %dma_start3A_340 = arith.constant 640 : i32
        %dma_start3A_341 = arith.constant 0 : i32
        %dma_start3A_342 = tpu.memref_slice %arg6[%dma_start3A_340, %dma_start3A_341] : memref<1024x32xf32, #tpu.memory_space<vmem>> -> memref<128x32xf32, #tpu.memory_space<vmem>>
        %dma_start3A_343 = arith.constant 0 : i32
        %dma_start3A_344 = arith.constant 0 : i32
        %dma_start3A_345 = tpu.memref_slice %arg4[%add3A_258, %dma_start3A_343, %run_scoped3A_259, %dma_start3A_344] : memref<1600x128x4x32xf32, #tpu.memory_space<hbm>> -> memref<1x128x1x32xf32, #tpu.memory_space<hbm>>
        %dma_start3A_346 = tpu.memref_squeeze %dma_start3A_345 : memref<1x128x1x32xf32, #tpu.memory_space<hbm>> -> memref<128x32xf32, #tpu.memory_space<hbm>>
        %dma_start3A_347 = arith.constant 0 : i32
        %dma_start3A_348 = arith.constant 0 : i32
        %dma_start3A_349 = tpu.memref_slice %arg4[%add3A_258, %dma_start3A_347, %run_scoped3A_259, %dma_start3A_348] : memref<1600x128x4x32xf32, #tpu.memory_space<hbm>> -> memref<1x128x1x32xf32, #tpu.memory_space<hbm>>
        %dma_start3A_350 = tpu.memref_squeeze %dma_start3A_349 : memref<1x128x1x32xf32, #tpu.memory_space<hbm>> -> memref<128x32xf32, #tpu.memory_space<hbm>>
        %dma_start3A_351 = arith.constant 640 : i32
        %dma_start3A_352 = arith.constant 0 : i32
        %dma_start3A_353 = tpu.memref_slice %arg6[%dma_start3A_351, %dma_start3A_352] : memref<1024x32xf32, #tpu.memory_space<vmem>> -> memref<128x32xf32, #tpu.memory_space<vmem>>
        tpu.enqueue_dma source(%dma_start3A_353 : memref<128x32xf32, #tpu.memory_space<vmem>>) target(%dma_start3A_350 : memref<128x32xf32, #tpu.memory_space<hbm>>) target_semaphore(%run_scoped3A_339 : memref<!tpu.dma_semaphore, #tpu.memory_space<semaphore_mem>>)
        %dma_wait3A_354 = arith.constant 640 : i32
        %dma_wait3A_355 = arith.constant 0 : i32
        %dma_wait3A_356 = tpu.memref_slice %arg6[%dma_wait3A_354, %dma_wait3A_355] : memref<1024x32xf32, #tpu.memory_space<vmem>> -> memref<128x32xf32, #tpu.memory_space<vmem>>
        %dma_wait3A_357 = arith.constant 0 : i32
        %dma_wait3A_358 = arith.constant 0 : i32
        %dma_wait3A_359 = tpu.memref_slice %arg4[%add3A_258, %dma_wait3A_357, %run_scoped3A_259, %dma_wait3A_358] : memref<1600x128x4x32xf32, #tpu.memory_space<hbm>> -> memref<1x128x1x32xf32, #tpu.memory_space<hbm>>
        %dma_wait3A_360 = tpu.memref_squeeze %dma_wait3A_359 : memref<1x128x1x32xf32, #tpu.memory_space<hbm>> -> memref<128x32xf32, #tpu.memory_space<hbm>>
        %dma_wait3A_361 = arith.constant 0 : i32
        %dma_wait3A_362 = arith.constant 0 : i32
        %dma_wait3A_363 = tpu.memref_slice %arg4[%add3A_258, %dma_wait3A_361, %run_scoped3A_259, %dma_wait3A_362] : memref<1600x128x4x32xf32, #tpu.memory_space<hbm>> -> memref<1x128x1x32xf32, #tpu.memory_space<hbm>>
        %dma_wait3A_364 = tpu.memref_squeeze %dma_wait3A_363 : memref<1x128x1x32xf32, #tpu.memory_space<hbm>> -> memref<128x32xf32, #tpu.memory_space<hbm>>
        %dma_wait3A_365 = arith.constant 640 : i32
        %dma_wait3A_366 = arith.constant 0 : i32
        %dma_wait3A_367 = tpu.memref_slice %arg6[%dma_wait3A_365, %dma_wait3A_366] : memref<1024x32xf32, #tpu.memory_space<vmem>> -> memref<128x32xf32, #tpu.memory_space<vmem>>
        tpu.wait_dma2 semaphore(%run_scoped3A_339 : memref<!tpu.dma_semaphore, #tpu.memory_space<semaphore_mem>>) src(%dma_wait3A_367 : memref<128x32xf32, #tpu.memory_space<vmem>>) dst(%dma_wait3A_364 : memref<128x32xf32, #tpu.memory_space<hbm>>)
        tpu.yield
      }) : () -> ()
      %mul3A_260 = arith.constant 2 : i32
      %mul3A_261 = arith.muli %add3A_217, %mul3A_260 : i32
      %add3A_262 = arith.addi %mul3A_4, %mul3A_261 : i32
      %add3A_263 = arith.constant 1 : i32
      %add3A_264 = arith.addi %add3A_262, %add3A_263 : i32
      %run_scoped3A_265 = arith.constant 2 : i32
      "tpu.region"() ({
        %run_scoped3A_339 = tpu.sem_alloc : memref<!tpu.dma_semaphore, #tpu.memory_space<semaphore_mem>>
        %dma_start3A_340 = arith.constant 768 : i32
        %dma_start3A_341 = arith.constant 0 : i32
        %dma_start3A_342 = tpu.memref_slice %arg6[%dma_start3A_340, %dma_start3A_341] : memref<1024x32xf32, #tpu.memory_space<vmem>> -> memref<128x32xf32, #tpu.memory_space<vmem>>
        %dma_start3A_343 = arith.constant 0 : i32
        %dma_start3A_344 = arith.constant 0 : i32
        %dma_start3A_345 = tpu.memref_slice %arg4[%add3A_264, %dma_start3A_343, %run_scoped3A_265, %dma_start3A_344] : memref<1600x128x4x32xf32, #tpu.memory_space<hbm>> -> memref<1x128x1x32xf32, #tpu.memory_space<hbm>>
        %dma_start3A_346 = tpu.memref_squeeze %dma_start3A_345 : memref<1x128x1x32xf32, #tpu.memory_space<hbm>> -> memref<128x32xf32, #tpu.memory_space<hbm>>
        %dma_start3A_347 = arith.constant 0 : i32
        %dma_start3A_348 = arith.constant 0 : i32
        %dma_start3A_349 = tpu.memref_slice %arg4[%add3A_264, %dma_start3A_347, %run_scoped3A_265, %dma_start3A_348] : memref<1600x128x4x32xf32, #tpu.memory_space<hbm>> -> memref<1x128x1x32xf32, #tpu.memory_space<hbm>>
        %dma_start3A_350 = tpu.memref_squeeze %dma_start3A_349 : memref<1x128x1x32xf32, #tpu.memory_space<hbm>> -> memref<128x32xf32, #tpu.memory_space<hbm>>
        %dma_start3A_351 = arith.constant 768 : i32
        %dma_start3A_352 = arith.constant 0 : i32
        %dma_start3A_353 = tpu.memref_slice %arg6[%dma_start3A_351, %dma_start3A_352] : memref<1024x32xf32, #tpu.memory_space<vmem>> -> memref<128x32xf32, #tpu.memory_space<vmem>>
        tpu.enqueue_dma source(%dma_start3A_353 : memref<128x32xf32, #tpu.memory_space<vmem>>) target(%dma_start3A_350 : memref<128x32xf32, #tpu.memory_space<hbm>>) target_semaphore(%run_scoped3A_339 : memref<!tpu.dma_semaphore, #tpu.memory_space<semaphore_mem>>)
        %dma_wait3A_354 = arith.constant 768 : i32
        %dma_wait3A_355 = arith.constant 0 : i32
        %dma_wait3A_356 = tpu.memref_slice %arg6[%dma_wait3A_354, %dma_wait3A_355] : memref<1024x32xf32, #tpu.memory_space<vmem>> -> memref<128x32xf32, #tpu.memory_space<vmem>>
        %dma_wait3A_357 = arith.constant 0 : i32
        %dma_wait3A_358 = arith.constant 0 : i32
        %dma_wait3A_359 = tpu.memref_slice %arg4[%add3A_264, %dma_wait3A_357, %run_scoped3A_265, %dma_wait3A_358] : memref<1600x128x4x32xf32, #tpu.memory_space<hbm>> -> memref<1x128x1x32xf32, #tpu.memory_space<hbm>>
        %dma_wait3A_360 = tpu.memref_squeeze %dma_wait3A_359 : memref<1x128x1x32xf32, #tpu.memory_space<hbm>> -> memref<128x32xf32, #tpu.memory_space<hbm>>
        %dma_wait3A_361 = arith.constant 0 : i32
        %dma_wait3A_362 = arith.constant 0 : i32
        %dma_wait3A_363 = tpu.memref_slice %arg4[%add3A_264, %dma_wait3A_361, %run_scoped3A_265, %dma_wait3A_362] : memref<1600x128x4x32xf32, #tpu.memory_space<hbm>> -> memref<1x128x1x32xf32, #tpu.memory_space<hbm>>
        %dma_wait3A_364 = tpu.memref_squeeze %dma_wait3A_363 : memref<1x128x1x32xf32, #tpu.memory_space<hbm>> -> memref<128x32xf32, #tpu.memory_space<hbm>>
        %dma_wait3A_365 = arith.constant 768 : i32
        %dma_wait3A_366 = arith.constant 0 : i32
        %dma_wait3A_367 = tpu.memref_slice %arg6[%dma_wait3A_365, %dma_wait3A_366] : memref<1024x32xf32, #tpu.memory_space<vmem>> -> memref<128x32xf32, #tpu.memory_space<vmem>>
        tpu.wait_dma2 semaphore(%run_scoped3A_339 : memref<!tpu.dma_semaphore, #tpu.memory_space<semaphore_mem>>) src(%dma_wait3A_367 : memref<128x32xf32, #tpu.memory_space<vmem>>) dst(%dma_wait3A_364 : memref<128x32xf32, #tpu.memory_space<hbm>>)
        tpu.yield
      }) : () -> ()
      %mul3A_266 = arith.constant 2 : i32
      %mul3A_267 = arith.muli %add3A_217, %mul3A_266 : i32
      %add3A_268 = arith.addi %mul3A_4, %mul3A_267 : i32
      %add3A_269 = arith.constant 1 : i32
      %add3A_270 = arith.addi %add3A_268, %add3A_269 : i32
      %run_scoped3A_271 = arith.constant 3 : i32
      "tpu.region"() ({
        %run_scoped3A_339 = tpu.sem_alloc : memref<!tpu.dma_semaphore, #tpu.memory_space<semaphore_mem>>
        %dma_start3A_340 = arith.constant 896 : i32
        %dma_start3A_341 = arith.constant 0 : i32
        %dma_start3A_342 = tpu.memref_slice %arg6[%dma_start3A_340, %dma_start3A_341] : memref<1024x32xf32, #tpu.memory_space<vmem>> -> memref<128x32xf32, #tpu.memory_space<vmem>>
        %dma_start3A_343 = arith.constant 0 : i32
        %dma_start3A_344 = arith.constant 0 : i32
        %dma_start3A_345 = tpu.memref_slice %arg4[%add3A_270, %dma_start3A_343, %run_scoped3A_271, %dma_start3A_344] : memref<1600x128x4x32xf32, #tpu.memory_space<hbm>> -> memref<1x128x1x32xf32, #tpu.memory_space<hbm>>
        %dma_start3A_346 = tpu.memref_squeeze %dma_start3A_345 : memref<1x128x1x32xf32, #tpu.memory_space<hbm>> -> memref<128x32xf32, #tpu.memory_space<hbm>>
        %dma_start3A_347 = arith.constant 0 : i32
        %dma_start3A_348 = arith.constant 0 : i32
        %dma_start3A_349 = tpu.memref_slice %arg4[%add3A_270, %dma_start3A_347, %run_scoped3A_271, %dma_start3A_348] : memref<1600x128x4x32xf32, #tpu.memory_space<hbm>> -> memref<1x128x1x32xf32, #tpu.memory_space<hbm>>
        %dma_start3A_350 = tpu.memref_squeeze %dma_start3A_349 : memref<1x128x1x32xf32, #tpu.memory_space<hbm>> -> memref<128x32xf32, #tpu.memory_space<hbm>>
        %dma_start3A_351 = arith.constant 896 : i32
        %dma_start3A_352 = arith.constant 0 : i32
        %dma_start3A_353 = tpu.memref_slice %arg6[%dma_start3A_351, %dma_start3A_352] : memref<1024x32xf32, #tpu.memory_space<vmem>> -> memref<128x32xf32, #tpu.memory_space<vmem>>
        tpu.enqueue_dma source(%dma_start3A_353 : memref<128x32xf32, #tpu.memory_space<vmem>>) target(%dma_start3A_350 : memref<128x32xf32, #tpu.memory_space<hbm>>) target_semaphore(%run_scoped3A_339 : memref<!tpu.dma_semaphore, #tpu.memory_space<semaphore_mem>>)
        %dma_wait3A_354 = arith.constant 896 : i32
        %dma_wait3A_355 = arith.constant 0 : i32
        %dma_wait3A_356 = tpu.memref_slice %arg6[%dma_wait3A_354, %dma_wait3A_355] : memref<1024x32xf32, #tpu.memory_space<vmem>> -> memref<128x32xf32, #tpu.memory_space<vmem>>
        %dma_wait3A_357 = arith.constant 0 : i32
        %dma_wait3A_358 = arith.constant 0 : i32
        %dma_wait3A_359 = tpu.memref_slice %arg4[%add3A_270, %dma_wait3A_357, %run_scoped3A_271, %dma_wait3A_358] : memref<1600x128x4x32xf32, #tpu.memory_space<hbm>> -> memref<1x128x1x32xf32, #tpu.memory_space<hbm>>
        %dma_wait3A_360 = tpu.memref_squeeze %dma_wait3A_359 : memref<1x128x1x32xf32, #tpu.memory_space<hbm>> -> memref<128x32xf32, #tpu.memory_space<hbm>>
        %dma_wait3A_361 = arith.constant 0 : i32
        %dma_wait3A_362 = arith.constant 0 : i32
        %dma_wait3A_363 = tpu.memref_slice %arg4[%add3A_270, %dma_wait3A_361, %run_scoped3A_271, %dma_wait3A_362] : memref<1600x128x4x32xf32, #tpu.memory_space<hbm>> -> memref<1x128x1x32xf32, #tpu.memory_space<hbm>>
        %dma_wait3A_364 = tpu.memref_squeeze %dma_wait3A_363 : memref<1x128x1x32xf32, #tpu.memory_space<hbm>> -> memref<128x32xf32, #tpu.memory_space<hbm>>
        %dma_wait3A_365 = arith.constant 896 : i32
        %dma_wait3A_366 = arith.constant 0 : i32
        %dma_wait3A_367 = tpu.memref_slice %arg6[%dma_wait3A_365, %dma_wait3A_366] : memref<1024x32xf32, #tpu.memory_space<vmem>> -> memref<128x32xf32, #tpu.memory_space<vmem>>
        tpu.wait_dma2 semaphore(%run_scoped3A_339 : memref<!tpu.dma_semaphore, #tpu.memory_space<semaphore_mem>>) src(%dma_wait3A_367 : memref<128x32xf32, #tpu.memory_space<vmem>>) dst(%dma_wait3A_364 : memref<128x32xf32, #tpu.memory_space<hbm>>)
        tpu.yield
      }) : () -> ()
      %add3A_272 = arith.constant 2 : i32
      %add3A_273 = arith.addi %add3A_217, %add3A_272 : i32
      %lt3A = arith.constant 25 : i32
      %lt3A_274 = arith.cmpi slt, %add3A_273, %lt3A : i32
      %convert_element_type3A = arith.extui %lt3A_274 : i1 to i32
      %cond3A = arith.constant 0 : i32
      %cond3A_275 = arith.cmpi ne, %convert_element_type3A, %cond3A : i32
      scf.if %cond3A_275 {
        %add3A_339 = arith.constant 2 : i32
        %add3A_340 = arith.addi %add3A_217, %add3A_339 : i32
        %mul3A_341 = arith.constant 8 : i32
        %mul3A_342 = arith.muli %add3A_340, %mul3A_341 : i32
        %add3A_343 = arith.constant 0 : i32
        %add3A_344 = arith.addi %mul3A_342, %add3A_343 : i32
        %dma_start3A_345 = arith.constant 0 : i32
        %dma_start3A_346 = arith.constant 0 : i32
        %dma_start3A_347 = tpu.memref_slice %arg6[%dma_start3A_345, %dma_start3A_346] : memref<1024x32xf32, #tpu.memory_space<vmem>> -> memref<128x32xf32, #tpu.memory_space<vmem>>
        %dma_start3A_348 = arith.constant 0 : i32
        %dma_start3A_349 = tpu.memref_slice %arg5[%add3A_344, %dma_start3A_348] : memref<200x128xi32, #tpu.memory_space<vmem>> -> memref<1x128xi32, #tpu.memory_space<vmem>>
        %dma_start3A_350 = tpu.memref_squeeze %dma_start3A_349 : memref<1x128xi32, #tpu.memory_space<vmem>> -> memref<128xi32, #tpu.memory_space<vmem>>
        %dma_start3A_351 = arith.constant 0 : i32
        %dma_start3A_352 = arith.constant 0 : i32
        %dma_start3A_353 = tpu.memref_slice %arg3[%dma_start3A_351, %dma_start3A_352] : memref<4000000x32xf32, #tpu.memory_space<hbm>> -> memref<4000000x32xf32, #tpu.memory_space<hbm>>
        tpu.enqueue_indirect_dma source(%dma_start3A_353 : memref<4000000x32xf32, #tpu.memory_space<hbm>>) target(%dma_start3A_347 : memref<128x32xf32, #tpu.memory_space<vmem>>) offsets(%dma_start3A_350 : memref<128xi32, #tpu.memory_space<vmem>>) semaphore(%arg8 : memref<!tpu.dma_semaphore, #tpu.memory_space<semaphore_mem>>)
        %mul3A_354 = arith.constant 8 : i32
        %mul3A_355 = arith.muli %add3A_340, %mul3A_354 : i32
        %add3A_356 = arith.constant 1 : i32
        %add3A_357 = arith.addi %mul3A_355, %add3A_356 : i32
        %dma_start3A_358 = arith.constant 128 : i32
        %dma_start3A_359 = arith.constant 0 : i32
        %dma_start3A_360 = tpu.memref_slice %arg6[%dma_start3A_358, %dma_start3A_359] : memref<1024x32xf32, #tpu.memory_space<vmem>> -> memref<128x32xf32, #tpu.memory_space<vmem>>
        %dma_start3A_361 = arith.constant 0 : i32
        %dma_start3A_362 = tpu.memref_slice %arg5[%add3A_357, %dma_start3A_361] : memref<200x128xi32, #tpu.memory_space<vmem>> -> memref<1x128xi32, #tpu.memory_space<vmem>>
        %dma_start3A_363 = tpu.memref_squeeze %dma_start3A_362 : memref<1x128xi32, #tpu.memory_space<vmem>> -> memref<128xi32, #tpu.memory_space<vmem>>
        %dma_start3A_364 = arith.constant 0 : i32
        %dma_start3A_365 = arith.constant 0 : i32
        %dma_start3A_366 = tpu.memref_slice %arg3[%dma_start3A_364, %dma_start3A_365] : memref<4000000x32xf32, #tpu.memory_space<hbm>> -> memref<4000000x32xf32, #tpu.memory_space<hbm>>
        tpu.enqueue_indirect_dma source(%dma_start3A_366 : memref<4000000x32xf32, #tpu.memory_space<hbm>>) target(%dma_start3A_360 : memref<128x32xf32, #tpu.memory_space<vmem>>) offsets(%dma_start3A_363 : memref<128xi32, #tpu.memory_space<vmem>>) semaphore(%arg8 : memref<!tpu.dma_semaphore, #tpu.memory_space<semaphore_mem>>)
        %mul3A_367 = arith.constant 8 : i32
        %mul3A_368 = arith.muli %add3A_340, %mul3A_367 : i32
        %add3A_369 = arith.constant 2 : i32
        %add3A_370 = arith.addi %mul3A_368, %add3A_369 : i32
        %dma_start3A_371 = arith.constant 256 : i32
        %dma_start3A_372 = arith.constant 0 : i32
        %dma_start3A_373 = tpu.memref_slice %arg6[%dma_start3A_371, %dma_start3A_372] : memref<1024x32xf32, #tpu.memory_space<vmem>> -> memref<128x32xf32, #tpu.memory_space<vmem>>
        %dma_start3A_374 = arith.constant 0 : i32
        %dma_start3A_375 = tpu.memref_slice %arg5[%add3A_370, %dma_start3A_374] : memref<200x128xi32, #tpu.memory_space<vmem>> -> memref<1x128xi32, #tpu.memory_space<vmem>>
        %dma_start3A_376 = tpu.memref_squeeze %dma_start3A_375 : memref<1x128xi32, #tpu.memory_space<vmem>> -> memref<128xi32, #tpu.memory_space<vmem>>
        %dma_start3A_377 = arith.constant 0 : i32
        %dma_start3A_378 = arith.constant 0 : i32
        %dma_start3A_379 = tpu.memref_slice %arg3[%dma_start3A_377, %dma_start3A_378] : memref<4000000x32xf32, #tpu.memory_space<hbm>> -> memref<4000000x32xf32, #tpu.memory_space<hbm>>
        tpu.enqueue_indirect_dma source(%dma_start3A_379 : memref<4000000x32xf32, #tpu.memory_space<hbm>>) target(%dma_start3A_373 : memref<128x32xf32, #tpu.memory_space<vmem>>) offsets(%dma_start3A_376 : memref<128xi32, #tpu.memory_space<vmem>>) semaphore(%arg8 : memref<!tpu.dma_semaphore, #tpu.memory_space<semaphore_mem>>)
        %mul3A_380 = arith.constant 8 : i32
        %mul3A_381 = arith.muli %add3A_340, %mul3A_380 : i32
        %add3A_382 = arith.constant 3 : i32
        %add3A_383 = arith.addi %mul3A_381, %add3A_382 : i32
        %dma_start3A_384 = arith.constant 384 : i32
        %dma_start3A_385 = arith.constant 0 : i32
        %dma_start3A_386 = tpu.memref_slice %arg6[%dma_start3A_384, %dma_start3A_385] : memref<1024x32xf32, #tpu.memory_space<vmem>> -> memref<128x32xf32, #tpu.memory_space<vmem>>
        %dma_start3A_387 = arith.constant 0 : i32
        %dma_start3A_388 = tpu.memref_slice %arg5[%add3A_383, %dma_start3A_387] : memref<200x128xi32, #tpu.memory_space<vmem>> -> memref<1x128xi32, #tpu.memory_space<vmem>>
        %dma_start3A_389 = tpu.memref_squeeze %dma_start3A_388 : memref<1x128xi32, #tpu.memory_space<vmem>> -> memref<128xi32, #tpu.memory_space<vmem>>
        %dma_start3A_390 = arith.constant 0 : i32
        %dma_start3A_391 = arith.constant 0 : i32
        %dma_start3A_392 = tpu.memref_slice %arg3[%dma_start3A_390, %dma_start3A_391] : memref<4000000x32xf32, #tpu.memory_space<hbm>> -> memref<4000000x32xf32, #tpu.memory_space<hbm>>
        tpu.enqueue_indirect_dma source(%dma_start3A_392 : memref<4000000x32xf32, #tpu.memory_space<hbm>>) target(%dma_start3A_386 : memref<128x32xf32, #tpu.memory_space<vmem>>) offsets(%dma_start3A_389 : memref<128xi32, #tpu.memory_space<vmem>>) semaphore(%arg8 : memref<!tpu.dma_semaphore, #tpu.memory_space<semaphore_mem>>)
        %mul3A_393 = arith.constant 8 : i32
        %mul3A_394 = arith.muli %add3A_340, %mul3A_393 : i32
        %add3A_395 = arith.constant 4 : i32
        %add3A_396 = arith.addi %mul3A_394, %add3A_395 : i32
        %dma_start3A_397 = arith.constant 512 : i32
        %dma_start3A_398 = arith.constant 0 : i32
        %dma_start3A_399 = tpu.memref_slice %arg6[%dma_start3A_397, %dma_start3A_398] : memref<1024x32xf32, #tpu.memory_space<vmem>> -> memref<128x32xf32, #tpu.memory_space<vmem>>
        %dma_start3A_400 = arith.constant 0 : i32
        %dma_start3A_401 = tpu.memref_slice %arg5[%add3A_396, %dma_start3A_400] : memref<200x128xi32, #tpu.memory_space<vmem>> -> memref<1x128xi32, #tpu.memory_space<vmem>>
        %dma_start3A_402 = tpu.memref_squeeze %dma_start3A_401 : memref<1x128xi32, #tpu.memory_space<vmem>> -> memref<128xi32, #tpu.memory_space<vmem>>
        %dma_start3A_403 = arith.constant 0 : i32
        %dma_start3A_404 = arith.constant 0 : i32
        %dma_start3A_405 = tpu.memref_slice %arg3[%dma_start3A_403, %dma_start3A_404] : memref<4000000x32xf32, #tpu.memory_space<hbm>> -> memref<4000000x32xf32, #tpu.memory_space<hbm>>
        tpu.enqueue_indirect_dma source(%dma_start3A_405 : memref<4000000x32xf32, #tpu.memory_space<hbm>>) target(%dma_start3A_399 : memref<128x32xf32, #tpu.memory_space<vmem>>) offsets(%dma_start3A_402 : memref<128xi32, #tpu.memory_space<vmem>>) semaphore(%arg8 : memref<!tpu.dma_semaphore, #tpu.memory_space<semaphore_mem>>)
        %mul3A_406 = arith.constant 8 : i32
        %mul3A_407 = arith.muli %add3A_340, %mul3A_406 : i32
        %add3A_408 = arith.constant 5 : i32
        %add3A_409 = arith.addi %mul3A_407, %add3A_408 : i32
        %dma_start3A_410 = arith.constant 640 : i32
        %dma_start3A_411 = arith.constant 0 : i32
        %dma_start3A_412 = tpu.memref_slice %arg6[%dma_start3A_410, %dma_start3A_411] : memref<1024x32xf32, #tpu.memory_space<vmem>> -> memref<128x32xf32, #tpu.memory_space<vmem>>
        %dma_start3A_413 = arith.constant 0 : i32
        %dma_start3A_414 = tpu.memref_slice %arg5[%add3A_409, %dma_start3A_413] : memref<200x128xi32, #tpu.memory_space<vmem>> -> memref<1x128xi32, #tpu.memory_space<vmem>>
        %dma_start3A_415 = tpu.memref_squeeze %dma_start3A_414 : memref<1x128xi32, #tpu.memory_space<vmem>> -> memref<128xi32, #tpu.memory_space<vmem>>
        %dma_start3A_416 = arith.constant 0 : i32
        %dma_start3A_417 = arith.constant 0 : i32
        %dma_start3A_418 = tpu.memref_slice %arg3[%dma_start3A_416, %dma_start3A_417] : memref<4000000x32xf32, #tpu.memory_space<hbm>> -> memref<4000000x32xf32, #tpu.memory_space<hbm>>
        tpu.enqueue_indirect_dma source(%dma_start3A_418 : memref<4000000x32xf32, #tpu.memory_space<hbm>>) target(%dma_start3A_412 : memref<128x32xf32, #tpu.memory_space<vmem>>) offsets(%dma_start3A_415 : memref<128xi32, #tpu.memory_space<vmem>>) semaphore(%arg8 : memref<!tpu.dma_semaphore, #tpu.memory_space<semaphore_mem>>)
        %mul3A_419 = arith.constant 8 : i32
        %mul3A_420 = arith.muli %add3A_340, %mul3A_419 : i32
        %add3A_421 = arith.constant 6 : i32
        %add3A_422 = arith.addi %mul3A_420, %add3A_421 : i32
        %dma_start3A_423 = arith.constant 768 : i32
        %dma_start3A_424 = arith.constant 0 : i32
        %dma_start3A_425 = tpu.memref_slice %arg6[%dma_start3A_423, %dma_start3A_424] : memref<1024x32xf32, #tpu.memory_space<vmem>> -> memref<128x32xf32, #tpu.memory_space<vmem>>
        %dma_start3A_426 = arith.constant 0 : i32
        %dma_start3A_427 = tpu.memref_slice %arg5[%add3A_422, %dma_start3A_426] : memref<200x128xi32, #tpu.memory_space<vmem>> -> memref<1x128xi32, #tpu.memory_space<vmem>>
        %dma_start3A_428 = tpu.memref_squeeze %dma_start3A_427 : memref<1x128xi32, #tpu.memory_space<vmem>> -> memref<128xi32, #tpu.memory_space<vmem>>
        %dma_start3A_429 = arith.constant 0 : i32
        %dma_start3A_430 = arith.constant 0 : i32
        %dma_start3A_431 = tpu.memref_slice %arg3[%dma_start3A_429, %dma_start3A_430] : memref<4000000x32xf32, #tpu.memory_space<hbm>> -> memref<4000000x32xf32, #tpu.memory_space<hbm>>
        tpu.enqueue_indirect_dma source(%dma_start3A_431 : memref<4000000x32xf32, #tpu.memory_space<hbm>>) target(%dma_start3A_425 : memref<128x32xf32, #tpu.memory_space<vmem>>) offsets(%dma_start3A_428 : memref<128xi32, #tpu.memory_space<vmem>>) semaphore(%arg8 : memref<!tpu.dma_semaphore, #tpu.memory_space<semaphore_mem>>)
        %mul3A_432 = arith.constant 8 : i32
        %mul3A_433 = arith.muli %add3A_340, %mul3A_432 : i32
        %add3A_434 = arith.constant 7 : i32
        %add3A_435 = arith.addi %mul3A_433, %add3A_434 : i32
        %dma_start3A_436 = arith.constant 896 : i32
        %dma_start3A_437 = arith.constant 0 : i32
        %dma_start3A_438 = tpu.memref_slice %arg6[%dma_start3A_436, %dma_start3A_437] : memref<1024x32xf32, #tpu.memory_space<vmem>> -> memref<128x32xf32, #tpu.memory_space<vmem>>
        %dma_start3A_439 = arith.constant 0 : i32
        %dma_start3A_440 = tpu.memref_slice %arg5[%add3A_435, %dma_start3A_439] : memref<200x128xi32, #tpu.memory_space<vmem>> -> memref<1x128xi32, #tpu.memory_space<vmem>>
        %dma_start3A_441 = tpu.memref_squeeze %dma_start3A_440 : memref<1x128xi32, #tpu.memory_space<vmem>> -> memref<128xi32, #tpu.memory_space<vmem>>
        %dma_start3A_442 = arith.constant 0 : i32
        %dma_start3A_443 = arith.constant 0 : i32
        %dma_start3A_444 = tpu.memref_slice %arg3[%dma_start3A_442, %dma_start3A_443] : memref<4000000x32xf32, #tpu.memory_space<hbm>> -> memref<4000000x32xf32, #tpu.memory_space<hbm>>
        tpu.enqueue_indirect_dma source(%dma_start3A_444 : memref<4000000x32xf32, #tpu.memory_space<hbm>>) target(%dma_start3A_438 : memref<128x32xf32, #tpu.memory_space<vmem>>) offsets(%dma_start3A_441 : memref<128xi32, #tpu.memory_space<vmem>>) semaphore(%arg8 : memref<!tpu.dma_semaphore, #tpu.memory_space<semaphore_mem>>)
      } else {
      }
      %add3A_276 = arith.constant 1 : i32
      %add3A_277 = arith.addi %mul3A_215, %add3A_276 : i32
      %dma_wait3A_278 = arith.constant 0 : i32
      %dma_wait3A_279 = arith.constant 0 : i32
      %dma_wait3A_280 = tpu.memref_slice %arg3[%dma_wait3A_278, %dma_wait3A_279] : memref<4000000x32xf32, #tpu.memory_space<hbm>> -> memref<1024x32xf32, #tpu.memory_space<hbm>>
      %dma_wait3A_281 = arith.constant 0 : i32
      %dma_wait3A_282 = arith.constant 0 : i32
      %dma_wait3A_283 = tpu.memref_slice %arg3[%dma_wait3A_281, %dma_wait3A_282] : memref<4000000x32xf32, #tpu.memory_space<hbm>> -> memref<1024x32xf32, #tpu.memory_space<hbm>>
      tpu.wait_dma2 semaphore(%arg9 : memref<!tpu.dma_semaphore, #tpu.memory_space<semaphore_mem>>) src(%dma_wait3A_283 : memref<1024x32xf32, #tpu.memory_space<hbm>>) dst(%arg7 : memref<1024x32xf32, #tpu.memory_space<vmem>>)
      %mul3A_284 = arith.constant 2 : i32
      %mul3A_285 = arith.muli %add3A_277, %mul3A_284 : i32
      %add3A_286 = arith.addi %mul3A_4, %mul3A_285 : i32
      %add3A_287 = arith.constant 0 : i32
      %add3A_288 = arith.addi %add3A_286, %add3A_287 : i32
      %run_scoped3A_289 = arith.constant 0 : i32
      "tpu.region"() ({
        %run_scoped3A_339 = tpu.sem_alloc : memref<!tpu.dma_semaphore, #tpu.memory_space<semaphore_mem>>
        %dma_start3A_340 = arith.constant 0 : i32
        %dma_start3A_341 = arith.constant 0 : i32
        %dma_start3A_342 = tpu.memref_slice %arg7[%dma_start3A_340, %dma_start3A_341] : memref<1024x32xf32, #tpu.memory_space<vmem>> -> memref<128x32xf32, #tpu.memory_space<vmem>>
        %dma_start3A_343 = arith.constant 0 : i32
        %dma_start3A_344 = arith.constant 0 : i32
        %dma_start3A_345 = tpu.memref_slice %arg4[%add3A_288, %dma_start3A_343, %run_scoped3A_289, %dma_start3A_344] : memref<1600x128x4x32xf32, #tpu.memory_space<hbm>> -> memref<1x128x1x32xf32, #tpu.memory_space<hbm>>
        %dma_start3A_346 = tpu.memref_squeeze %dma_start3A_345 : memref<1x128x1x32xf32, #tpu.memory_space<hbm>> -> memref<128x32xf32, #tpu.memory_space<hbm>>
        %dma_start3A_347 = arith.constant 0 : i32
        %dma_start3A_348 = arith.constant 0 : i32
        %dma_start3A_349 = tpu.memref_slice %arg4[%add3A_288, %dma_start3A_347, %run_scoped3A_289, %dma_start3A_348] : memref<1600x128x4x32xf32, #tpu.memory_space<hbm>> -> memref<1x128x1x32xf32, #tpu.memory_space<hbm>>
        %dma_start3A_350 = tpu.memref_squeeze %dma_start3A_349 : memref<1x128x1x32xf32, #tpu.memory_space<hbm>> -> memref<128x32xf32, #tpu.memory_space<hbm>>
        %dma_start3A_351 = arith.constant 0 : i32
        %dma_start3A_352 = arith.constant 0 : i32
        %dma_start3A_353 = tpu.memref_slice %arg7[%dma_start3A_351, %dma_start3A_352] : memref<1024x32xf32, #tpu.memory_space<vmem>> -> memref<128x32xf32, #tpu.memory_space<vmem>>
        tpu.enqueue_dma source(%dma_start3A_353 : memref<128x32xf32, #tpu.memory_space<vmem>>) target(%dma_start3A_350 : memref<128x32xf32, #tpu.memory_space<hbm>>) target_semaphore(%run_scoped3A_339 : memref<!tpu.dma_semaphore, #tpu.memory_space<semaphore_mem>>)
        %dma_wait3A_354 = arith.constant 0 : i32
        %dma_wait3A_355 = arith.constant 0 : i32
        %dma_wait3A_356 = tpu.memref_slice %arg7[%dma_wait3A_354, %dma_wait3A_355] : memref<1024x32xf32, #tpu.memory_space<vmem>> -> memref<128x32xf32, #tpu.memory_space<vmem>>
        %dma_wait3A_357 = arith.constant 0 : i32
        %dma_wait3A_358 = arith.constant 0 : i32
        %dma_wait3A_359 = tpu.memref_slice %arg4[%add3A_288, %dma_wait3A_357, %run_scoped3A_289, %dma_wait3A_358] : memref<1600x128x4x32xf32, #tpu.memory_space<hbm>> -> memref<1x128x1x32xf32, #tpu.memory_space<hbm>>
        %dma_wait3A_360 = tpu.memref_squeeze %dma_wait3A_359 : memref<1x128x1x32xf32, #tpu.memory_space<hbm>> -> memref<128x32xf32, #tpu.memory_space<hbm>>
        %dma_wait3A_361 = arith.constant 0 : i32
        %dma_wait3A_362 = arith.constant 0 : i32
        %dma_wait3A_363 = tpu.memref_slice %arg4[%add3A_288, %dma_wait3A_361, %run_scoped3A_289, %dma_wait3A_362] : memref<1600x128x4x32xf32, #tpu.memory_space<hbm>> -> memref<1x128x1x32xf32, #tpu.memory_space<hbm>>
        %dma_wait3A_364 = tpu.memref_squeeze %dma_wait3A_363 : memref<1x128x1x32xf32, #tpu.memory_space<hbm>> -> memref<128x32xf32, #tpu.memory_space<hbm>>
        %dma_wait3A_365 = arith.constant 0 : i32
        %dma_wait3A_366 = arith.constant 0 : i32
        %dma_wait3A_367 = tpu.memref_slice %arg7[%dma_wait3A_365, %dma_wait3A_366] : memref<1024x32xf32, #tpu.memory_space<vmem>> -> memref<128x32xf32, #tpu.memory_space<vmem>>
        tpu.wait_dma2 semaphore(%run_scoped3A_339 : memref<!tpu.dma_semaphore, #tpu.memory_space<semaphore_mem>>) src(%dma_wait3A_367 : memref<128x32xf32, #tpu.memory_space<vmem>>) dst(%dma_wait3A_364 : memref<128x32xf32, #tpu.memory_space<hbm>>)
        tpu.yield
      }) : () -> ()
      %mul3A_290 = arith.constant 2 : i32
      %mul3A_291 = arith.muli %add3A_277, %mul3A_290 : i32
      %add3A_292 = arith.addi %mul3A_4, %mul3A_291 : i32
      %add3A_293 = arith.constant 0 : i32
      %add3A_294 = arith.addi %add3A_292, %add3A_293 : i32
      %run_scoped3A_295 = arith.constant 1 : i32
      "tpu.region"() ({
        %run_scoped3A_339 = tpu.sem_alloc : memref<!tpu.dma_semaphore, #tpu.memory_space<semaphore_mem>>
        %dma_start3A_340 = arith.constant 128 : i32
        %dma_start3A_341 = arith.constant 0 : i32
        %dma_start3A_342 = tpu.memref_slice %arg7[%dma_start3A_340, %dma_start3A_341] : memref<1024x32xf32, #tpu.memory_space<vmem>> -> memref<128x32xf32, #tpu.memory_space<vmem>>
        %dma_start3A_343 = arith.constant 0 : i32
        %dma_start3A_344 = arith.constant 0 : i32
        %dma_start3A_345 = tpu.memref_slice %arg4[%add3A_294, %dma_start3A_343, %run_scoped3A_295, %dma_start3A_344] : memref<1600x128x4x32xf32, #tpu.memory_space<hbm>> -> memref<1x128x1x32xf32, #tpu.memory_space<hbm>>
        %dma_start3A_346 = tpu.memref_squeeze %dma_start3A_345 : memref<1x128x1x32xf32, #tpu.memory_space<hbm>> -> memref<128x32xf32, #tpu.memory_space<hbm>>
        %dma_start3A_347 = arith.constant 0 : i32
        %dma_start3A_348 = arith.constant 0 : i32
        %dma_start3A_349 = tpu.memref_slice %arg4[%add3A_294, %dma_start3A_347, %run_scoped3A_295, %dma_start3A_348] : memref<1600x128x4x32xf32, #tpu.memory_space<hbm>> -> memref<1x128x1x32xf32, #tpu.memory_space<hbm>>
        %dma_start3A_350 = tpu.memref_squeeze %dma_start3A_349 : memref<1x128x1x32xf32, #tpu.memory_space<hbm>> -> memref<128x32xf32, #tpu.memory_space<hbm>>
        %dma_start3A_351 = arith.constant 128 : i32
        %dma_start3A_352 = arith.constant 0 : i32
        %dma_start3A_353 = tpu.memref_slice %arg7[%dma_start3A_351, %dma_start3A_352] : memref<1024x32xf32, #tpu.memory_space<vmem>> -> memref<128x32xf32, #tpu.memory_space<vmem>>
        tpu.enqueue_dma source(%dma_start3A_353 : memref<128x32xf32, #tpu.memory_space<vmem>>) target(%dma_start3A_350 : memref<128x32xf32, #tpu.memory_space<hbm>>) target_semaphore(%run_scoped3A_339 : memref<!tpu.dma_semaphore, #tpu.memory_space<semaphore_mem>>)
        %dma_wait3A_354 = arith.constant 128 : i32
        %dma_wait3A_355 = arith.constant 0 : i32
        %dma_wait3A_356 = tpu.memref_slice %arg7[%dma_wait3A_354, %dma_wait3A_355] : memref<1024x32xf32, #tpu.memory_space<vmem>> -> memref<128x32xf32, #tpu.memory_space<vmem>>
        %dma_wait3A_357 = arith.constant 0 : i32
        %dma_wait3A_358 = arith.constant 0 : i32
        %dma_wait3A_359 = tpu.memref_slice %arg4[%add3A_294, %dma_wait3A_357, %run_scoped3A_295, %dma_wait3A_358] : memref<1600x128x4x32xf32, #tpu.memory_space<hbm>> -> memref<1x128x1x32xf32, #tpu.memory_space<hbm>>
        %dma_wait3A_360 = tpu.memref_squeeze %dma_wait3A_359 : memref<1x128x1x32xf32, #tpu.memory_space<hbm>> -> memref<128x32xf32, #tpu.memory_space<hbm>>
        %dma_wait3A_361 = arith.constant 0 : i32
        %dma_wait3A_362 = arith.constant 0 : i32
        %dma_wait3A_363 = tpu.memref_slice %arg4[%add3A_294, %dma_wait3A_361, %run_scoped3A_295, %dma_wait3A_362] : memref<1600x128x4x32xf32, #tpu.memory_space<hbm>> -> memref<1x128x1x32xf32, #tpu.memory_space<hbm>>
        %dma_wait3A_364 = tpu.memref_squeeze %dma_wait3A_363 : memref<1x128x1x32xf32, #tpu.memory_space<hbm>> -> memref<128x32xf32, #tpu.memory_space<hbm>>
        %dma_wait3A_365 = arith.constant 128 : i32
        %dma_wait3A_366 = arith.constant 0 : i32
        %dma_wait3A_367 = tpu.memref_slice %arg7[%dma_wait3A_365, %dma_wait3A_366] : memref<1024x32xf32, #tpu.memory_space<vmem>> -> memref<128x32xf32, #tpu.memory_space<vmem>>
        tpu.wait_dma2 semaphore(%run_scoped3A_339 : memref<!tpu.dma_semaphore, #tpu.memory_space<semaphore_mem>>) src(%dma_wait3A_367 : memref<128x32xf32, #tpu.memory_space<vmem>>) dst(%dma_wait3A_364 : memref<128x32xf32, #tpu.memory_space<hbm>>)
        tpu.yield
      }) : () -> ()
      %mul3A_296 = arith.constant 2 : i32
      %mul3A_297 = arith.muli %add3A_277, %mul3A_296 : i32
      %add3A_298 = arith.addi %mul3A_4, %mul3A_297 : i32
      %add3A_299 = arith.constant 0 : i32
      %add3A_300 = arith.addi %add3A_298, %add3A_299 : i32
      %run_scoped3A_301 = arith.constant 2 : i32
      "tpu.region"() ({
        %run_scoped3A_339 = tpu.sem_alloc : memref<!tpu.dma_semaphore, #tpu.memory_space<semaphore_mem>>
        %dma_start3A_340 = arith.constant 256 : i32
        %dma_start3A_341 = arith.constant 0 : i32
        %dma_start3A_342 = tpu.memref_slice %arg7[%dma_start3A_340, %dma_start3A_341] : memref<1024x32xf32, #tpu.memory_space<vmem>> -> memref<128x32xf32, #tpu.memory_space<vmem>>
        %dma_start3A_343 = arith.constant 0 : i32
        %dma_start3A_344 = arith.constant 0 : i32
        %dma_start3A_345 = tpu.memref_slice %arg4[%add3A_300, %dma_start3A_343, %run_scoped3A_301, %dma_start3A_344] : memref<1600x128x4x32xf32, #tpu.memory_space<hbm>> -> memref<1x128x1x32xf32, #tpu.memory_space<hbm>>
        %dma_start3A_346 = tpu.memref_squeeze %dma_start3A_345 : memref<1x128x1x32xf32, #tpu.memory_space<hbm>> -> memref<128x32xf32, #tpu.memory_space<hbm>>
        %dma_start3A_347 = arith.constant 0 : i32
        %dma_start3A_348 = arith.constant 0 : i32
        %dma_start3A_349 = tpu.memref_slice %arg4[%add3A_300, %dma_start3A_347, %run_scoped3A_301, %dma_start3A_348] : memref<1600x128x4x32xf32, #tpu.memory_space<hbm>> -> memref<1x128x1x32xf32, #tpu.memory_space<hbm>>
        %dma_start3A_350 = tpu.memref_squeeze %dma_start3A_349 : memref<1x128x1x32xf32, #tpu.memory_space<hbm>> -> memref<128x32xf32, #tpu.memory_space<hbm>>
        %dma_start3A_351 = arith.constant 256 : i32
        %dma_start3A_352 = arith.constant 0 : i32
        %dma_start3A_353 = tpu.memref_slice %arg7[%dma_start3A_351, %dma_start3A_352] : memref<1024x32xf32, #tpu.memory_space<vmem>> -> memref<128x32xf32, #tpu.memory_space<vmem>>
        tpu.enqueue_dma source(%dma_start3A_353 : memref<128x32xf32, #tpu.memory_space<vmem>>) target(%dma_start3A_350 : memref<128x32xf32, #tpu.memory_space<hbm>>) target_semaphore(%run_scoped3A_339 : memref<!tpu.dma_semaphore, #tpu.memory_space<semaphore_mem>>)
        %dma_wait3A_354 = arith.constant 256 : i32
        %dma_wait3A_355 = arith.constant 0 : i32
        %dma_wait3A_356 = tpu.memref_slice %arg7[%dma_wait3A_354, %dma_wait3A_355] : memref<1024x32xf32, #tpu.memory_space<vmem>> -> memref<128x32xf32, #tpu.memory_space<vmem>>
        %dma_wait3A_357 = arith.constant 0 : i32
        %dma_wait3A_358 = arith.constant 0 : i32
        %dma_wait3A_359 = tpu.memref_slice %arg4[%add3A_300, %dma_wait3A_357, %run_scoped3A_301, %dma_wait3A_358] : memref<1600x128x4x32xf32, #tpu.memory_space<hbm>> -> memref<1x128x1x32xf32, #tpu.memory_space<hbm>>
        %dma_wait3A_360 = tpu.memref_squeeze %dma_wait3A_359 : memref<1x128x1x32xf32, #tpu.memory_space<hbm>> -> memref<128x32xf32, #tpu.memory_space<hbm>>
        %dma_wait3A_361 = arith.constant 0 : i32
        %dma_wait3A_362 = arith.constant 0 : i32
        %dma_wait3A_363 = tpu.memref_slice %arg4[%add3A_300, %dma_wait3A_361, %run_scoped3A_301, %dma_wait3A_362] : memref<1600x128x4x32xf32, #tpu.memory_space<hbm>> -> memref<1x128x1x32xf32, #tpu.memory_space<hbm>>
        %dma_wait3A_364 = tpu.memref_squeeze %dma_wait3A_363 : memref<1x128x1x32xf32, #tpu.memory_space<hbm>> -> memref<128x32xf32, #tpu.memory_space<hbm>>
        %dma_wait3A_365 = arith.constant 256 : i32
        %dma_wait3A_366 = arith.constant 0 : i32
        %dma_wait3A_367 = tpu.memref_slice %arg7[%dma_wait3A_365, %dma_wait3A_366] : memref<1024x32xf32, #tpu.memory_space<vmem>> -> memref<128x32xf32, #tpu.memory_space<vmem>>
        tpu.wait_dma2 semaphore(%run_scoped3A_339 : memref<!tpu.dma_semaphore, #tpu.memory_space<semaphore_mem>>) src(%dma_wait3A_367 : memref<128x32xf32, #tpu.memory_space<vmem>>) dst(%dma_wait3A_364 : memref<128x32xf32, #tpu.memory_space<hbm>>)
        tpu.yield
      }) : () -> ()
      %mul3A_302 = arith.constant 2 : i32
      %mul3A_303 = arith.muli %add3A_277, %mul3A_302 : i32
      %add3A_304 = arith.addi %mul3A_4, %mul3A_303 : i32
      %add3A_305 = arith.constant 0 : i32
      %add3A_306 = arith.addi %add3A_304, %add3A_305 : i32
      %run_scoped3A_307 = arith.constant 3 : i32
      "tpu.region"() ({
        %run_scoped3A_339 = tpu.sem_alloc : memref<!tpu.dma_semaphore, #tpu.memory_space<semaphore_mem>>
        %dma_start3A_340 = arith.constant 384 : i32
        %dma_start3A_341 = arith.constant 0 : i32
        %dma_start3A_342 = tpu.memref_slice %arg7[%dma_start3A_340, %dma_start3A_341] : memref<1024x32xf32, #tpu.memory_space<vmem>> -> memref<128x32xf32, #tpu.memory_space<vmem>>
        %dma_start3A_343 = arith.constant 0 : i32
        %dma_start3A_344 = arith.constant 0 : i32
        %dma_start3A_345 = tpu.memref_slice %arg4[%add3A_306, %dma_start3A_343, %run_scoped3A_307, %dma_start3A_344] : memref<1600x128x4x32xf32, #tpu.memory_space<hbm>> -> memref<1x128x1x32xf32, #tpu.memory_space<hbm>>
        %dma_start3A_346 = tpu.memref_squeeze %dma_start3A_345 : memref<1x128x1x32xf32, #tpu.memory_space<hbm>> -> memref<128x32xf32, #tpu.memory_space<hbm>>
        %dma_start3A_347 = arith.constant 0 : i32
        %dma_start3A_348 = arith.constant 0 : i32
        %dma_start3A_349 = tpu.memref_slice %arg4[%add3A_306, %dma_start3A_347, %run_scoped3A_307, %dma_start3A_348] : memref<1600x128x4x32xf32, #tpu.memory_space<hbm>> -> memref<1x128x1x32xf32, #tpu.memory_space<hbm>>
        %dma_start3A_350 = tpu.memref_squeeze %dma_start3A_349 : memref<1x128x1x32xf32, #tpu.memory_space<hbm>> -> memref<128x32xf32, #tpu.memory_space<hbm>>
        %dma_start3A_351 = arith.constant 384 : i32
        %dma_start3A_352 = arith.constant 0 : i32
        %dma_start3A_353 = tpu.memref_slice %arg7[%dma_start3A_351, %dma_start3A_352] : memref<1024x32xf32, #tpu.memory_space<vmem>> -> memref<128x32xf32, #tpu.memory_space<vmem>>
        tpu.enqueue_dma source(%dma_start3A_353 : memref<128x32xf32, #tpu.memory_space<vmem>>) target(%dma_start3A_350 : memref<128x32xf32, #tpu.memory_space<hbm>>) target_semaphore(%run_scoped3A_339 : memref<!tpu.dma_semaphore, #tpu.memory_space<semaphore_mem>>)
        %dma_wait3A_354 = arith.constant 384 : i32
        %dma_wait3A_355 = arith.constant 0 : i32
        %dma_wait3A_356 = tpu.memref_slice %arg7[%dma_wait3A_354, %dma_wait3A_355] : memref<1024x32xf32, #tpu.memory_space<vmem>> -> memref<128x32xf32, #tpu.memory_space<vmem>>
        %dma_wait3A_357 = arith.constant 0 : i32
        %dma_wait3A_358 = arith.constant 0 : i32
        %dma_wait3A_359 = tpu.memref_slice %arg4[%add3A_306, %dma_wait3A_357, %run_scoped3A_307, %dma_wait3A_358] : memref<1600x128x4x32xf32, #tpu.memory_space<hbm>> -> memref<1x128x1x32xf32, #tpu.memory_space<hbm>>
        %dma_wait3A_360 = tpu.memref_squeeze %dma_wait3A_359 : memref<1x128x1x32xf32, #tpu.memory_space<hbm>> -> memref<128x32xf32, #tpu.memory_space<hbm>>
        %dma_wait3A_361 = arith.constant 0 : i32
        %dma_wait3A_362 = arith.constant 0 : i32
        %dma_wait3A_363 = tpu.memref_slice %arg4[%add3A_306, %dma_wait3A_361, %run_scoped3A_307, %dma_wait3A_362] : memref<1600x128x4x32xf32, #tpu.memory_space<hbm>> -> memref<1x128x1x32xf32, #tpu.memory_space<hbm>>
        %dma_wait3A_364 = tpu.memref_squeeze %dma_wait3A_363 : memref<1x128x1x32xf32, #tpu.memory_space<hbm>> -> memref<128x32xf32, #tpu.memory_space<hbm>>
        %dma_wait3A_365 = arith.constant 384 : i32
        %dma_wait3A_366 = arith.constant 0 : i32
        %dma_wait3A_367 = tpu.memref_slice %arg7[%dma_wait3A_365, %dma_wait3A_366] : memref<1024x32xf32, #tpu.memory_space<vmem>> -> memref<128x32xf32, #tpu.memory_space<vmem>>
        tpu.wait_dma2 semaphore(%run_scoped3A_339 : memref<!tpu.dma_semaphore, #tpu.memory_space<semaphore_mem>>) src(%dma_wait3A_367 : memref<128x32xf32, #tpu.memory_space<vmem>>) dst(%dma_wait3A_364 : memref<128x32xf32, #tpu.memory_space<hbm>>)
        tpu.yield
      }) : () -> ()
      %mul3A_308 = arith.constant 2 : i32
      %mul3A_309 = arith.muli %add3A_277, %mul3A_308 : i32
      %add3A_310 = arith.addi %mul3A_4, %mul3A_309 : i32
      %add3A_311 = arith.constant 1 : i32
      %add3A_312 = arith.addi %add3A_310, %add3A_311 : i32
      %run_scoped3A_313 = arith.constant 0 : i32
      "tpu.region"() ({
        %run_scoped3A_339 = tpu.sem_alloc : memref<!tpu.dma_semaphore, #tpu.memory_space<semaphore_mem>>
        %dma_start3A_340 = arith.constant 512 : i32
        %dma_start3A_341 = arith.constant 0 : i32
        %dma_start3A_342 = tpu.memref_slice %arg7[%dma_start3A_340, %dma_start3A_341] : memref<1024x32xf32, #tpu.memory_space<vmem>> -> memref<128x32xf32, #tpu.memory_space<vmem>>
        %dma_start3A_343 = arith.constant 0 : i32
        %dma_start3A_344 = arith.constant 0 : i32
        %dma_start3A_345 = tpu.memref_slice %arg4[%add3A_312, %dma_start3A_343, %run_scoped3A_313, %dma_start3A_344] : memref<1600x128x4x32xf32, #tpu.memory_space<hbm>> -> memref<1x128x1x32xf32, #tpu.memory_space<hbm>>
        %dma_start3A_346 = tpu.memref_squeeze %dma_start3A_345 : memref<1x128x1x32xf32, #tpu.memory_space<hbm>> -> memref<128x32xf32, #tpu.memory_space<hbm>>
        %dma_start3A_347 = arith.constant 0 : i32
        %dma_start3A_348 = arith.constant 0 : i32
        %dma_start3A_349 = tpu.memref_slice %arg4[%add3A_312, %dma_start3A_347, %run_scoped3A_313, %dma_start3A_348] : memref<1600x128x4x32xf32, #tpu.memory_space<hbm>> -> memref<1x128x1x32xf32, #tpu.memory_space<hbm>>
        %dma_start3A_350 = tpu.memref_squeeze %dma_start3A_349 : memref<1x128x1x32xf32, #tpu.memory_space<hbm>> -> memref<128x32xf32, #tpu.memory_space<hbm>>
        %dma_start3A_351 = arith.constant 512 : i32
        %dma_start3A_352 = arith.constant 0 : i32
        %dma_start3A_353 = tpu.memref_slice %arg7[%dma_start3A_351, %dma_start3A_352] : memref<1024x32xf32, #tpu.memory_space<vmem>> -> memref<128x32xf32, #tpu.memory_space<vmem>>
        tpu.enqueue_dma source(%dma_start3A_353 : memref<128x32xf32, #tpu.memory_space<vmem>>) target(%dma_start3A_350 : memref<128x32xf32, #tpu.memory_space<hbm>>) target_semaphore(%run_scoped3A_339 : memref<!tpu.dma_semaphore, #tpu.memory_space<semaphore_mem>>)
        %dma_wait3A_354 = arith.constant 512 : i32
        %dma_wait3A_355 = arith.constant 0 : i32
        %dma_wait3A_356 = tpu.memref_slice %arg7[%dma_wait3A_354, %dma_wait3A_355] : memref<1024x32xf32, #tpu.memory_space<vmem>> -> memref<128x32xf32, #tpu.memory_space<vmem>>
        %dma_wait3A_357 = arith.constant 0 : i32
        %dma_wait3A_358 = arith.constant 0 : i32
        %dma_wait3A_359 = tpu.memref_slice %arg4[%add3A_312, %dma_wait3A_357, %run_scoped3A_313, %dma_wait3A_358] : memref<1600x128x4x32xf32, #tpu.memory_space<hbm>> -> memref<1x128x1x32xf32, #tpu.memory_space<hbm>>
        %dma_wait3A_360 = tpu.memref_squeeze %dma_wait3A_359 : memref<1x128x1x32xf32, #tpu.memory_space<hbm>> -> memref<128x32xf32, #tpu.memory_space<hbm>>
        %dma_wait3A_361 = arith.constant 0 : i32
        %dma_wait3A_362 = arith.constant 0 : i32
        %dma_wait3A_363 = tpu.memref_slice %arg4[%add3A_312, %dma_wait3A_361, %run_scoped3A_313, %dma_wait3A_362] : memref<1600x128x4x32xf32, #tpu.memory_space<hbm>> -> memref<1x128x1x32xf32, #tpu.memory_space<hbm>>
        %dma_wait3A_364 = tpu.memref_squeeze %dma_wait3A_363 : memref<1x128x1x32xf32, #tpu.memory_space<hbm>> -> memref<128x32xf32, #tpu.memory_space<hbm>>
        %dma_wait3A_365 = arith.constant 512 : i32
        %dma_wait3A_366 = arith.constant 0 : i32
        %dma_wait3A_367 = tpu.memref_slice %arg7[%dma_wait3A_365, %dma_wait3A_366] : memref<1024x32xf32, #tpu.memory_space<vmem>> -> memref<128x32xf32, #tpu.memory_space<vmem>>
        tpu.wait_dma2 semaphore(%run_scoped3A_339 : memref<!tpu.dma_semaphore, #tpu.memory_space<semaphore_mem>>) src(%dma_wait3A_367 : memref<128x32xf32, #tpu.memory_space<vmem>>) dst(%dma_wait3A_364 : memref<128x32xf32, #tpu.memory_space<hbm>>)
        tpu.yield
      }) : () -> ()
      %mul3A_314 = arith.constant 2 : i32
      %mul3A_315 = arith.muli %add3A_277, %mul3A_314 : i32
      %add3A_316 = arith.addi %mul3A_4, %mul3A_315 : i32
      %add3A_317 = arith.constant 1 : i32
      %add3A_318 = arith.addi %add3A_316, %add3A_317 : i32
      %run_scoped3A_319 = arith.constant 1 : i32
      "tpu.region"() ({
        %run_scoped3A_339 = tpu.sem_alloc : memref<!tpu.dma_semaphore, #tpu.memory_space<semaphore_mem>>
        %dma_start3A_340 = arith.constant 640 : i32
        %dma_start3A_341 = arith.constant 0 : i32
        %dma_start3A_342 = tpu.memref_slice %arg7[%dma_start3A_340, %dma_start3A_341] : memref<1024x32xf32, #tpu.memory_space<vmem>> -> memref<128x32xf32, #tpu.memory_space<vmem>>
        %dma_start3A_343 = arith.constant 0 : i32
        %dma_start3A_344 = arith.constant 0 : i32
        %dma_start3A_345 = tpu.memref_slice %arg4[%add3A_318, %dma_start3A_343, %run_scoped3A_319, %dma_start3A_344] : memref<1600x128x4x32xf32, #tpu.memory_space<hbm>> -> memref<1x128x1x32xf32, #tpu.memory_space<hbm>>
        %dma_start3A_346 = tpu.memref_squeeze %dma_start3A_345 : memref<1x128x1x32xf32, #tpu.memory_space<hbm>> -> memref<128x32xf32, #tpu.memory_space<hbm>>
        %dma_start3A_347 = arith.constant 0 : i32
        %dma_start3A_348 = arith.constant 0 : i32
        %dma_start3A_349 = tpu.memref_slice %arg4[%add3A_318, %dma_start3A_347, %run_scoped3A_319, %dma_start3A_348] : memref<1600x128x4x32xf32, #tpu.memory_space<hbm>> -> memref<1x128x1x32xf32, #tpu.memory_space<hbm>>
        %dma_start3A_350 = tpu.memref_squeeze %dma_start3A_349 : memref<1x128x1x32xf32, #tpu.memory_space<hbm>> -> memref<128x32xf32, #tpu.memory_space<hbm>>
        %dma_start3A_351 = arith.constant 640 : i32
        %dma_start3A_352 = arith.constant 0 : i32
        %dma_start3A_353 = tpu.memref_slice %arg7[%dma_start3A_351, %dma_start3A_352] : memref<1024x32xf32, #tpu.memory_space<vmem>> -> memref<128x32xf32, #tpu.memory_space<vmem>>
        tpu.enqueue_dma source(%dma_start3A_353 : memref<128x32xf32, #tpu.memory_space<vmem>>) target(%dma_start3A_350 : memref<128x32xf32, #tpu.memory_space<hbm>>) target_semaphore(%run_scoped3A_339 : memref<!tpu.dma_semaphore, #tpu.memory_space<semaphore_mem>>)
        %dma_wait3A_354 = arith.constant 640 : i32
        %dma_wait3A_355 = arith.constant 0 : i32
        %dma_wait3A_356 = tpu.memref_slice %arg7[%dma_wait3A_354, %dma_wait3A_355] : memref<1024x32xf32, #tpu.memory_space<vmem>> -> memref<128x32xf32, #tpu.memory_space<vmem>>
        %dma_wait3A_357 = arith.constant 0 : i32
        %dma_wait3A_358 = arith.constant 0 : i32
        %dma_wait3A_359 = tpu.memref_slice %arg4[%add3A_318, %dma_wait3A_357, %run_scoped3A_319, %dma_wait3A_358] : memref<1600x128x4x32xf32, #tpu.memory_space<hbm>> -> memref<1x128x1x32xf32, #tpu.memory_space<hbm>>
        %dma_wait3A_360 = tpu.memref_squeeze %dma_wait3A_359 : memref<1x128x1x32xf32, #tpu.memory_space<hbm>> -> memref<128x32xf32, #tpu.memory_space<hbm>>
        %dma_wait3A_361 = arith.constant 0 : i32
        %dma_wait3A_362 = arith.constant 0 : i32
        %dma_wait3A_363 = tpu.memref_slice %arg4[%add3A_318, %dma_wait3A_361, %run_scoped3A_319, %dma_wait3A_362] : memref<1600x128x4x32xf32, #tpu.memory_space<hbm>> -> memref<1x128x1x32xf32, #tpu.memory_space<hbm>>
        %dma_wait3A_364 = tpu.memref_squeeze %dma_wait3A_363 : memref<1x128x1x32xf32, #tpu.memory_space<hbm>> -> memref<128x32xf32, #tpu.memory_space<hbm>>
        %dma_wait3A_365 = arith.constant 640 : i32
        %dma_wait3A_366 = arith.constant 0 : i32
        %dma_wait3A_367 = tpu.memref_slice %arg7[%dma_wait3A_365, %dma_wait3A_366] : memref<1024x32xf32, #tpu.memory_space<vmem>> -> memref<128x32xf32, #tpu.memory_space<vmem>>
        tpu.wait_dma2 semaphore(%run_scoped3A_339 : memref<!tpu.dma_semaphore, #tpu.memory_space<semaphore_mem>>) src(%dma_wait3A_367 : memref<128x32xf32, #tpu.memory_space<vmem>>) dst(%dma_wait3A_364 : memref<128x32xf32, #tpu.memory_space<hbm>>)
        tpu.yield
      }) : () -> ()
      %mul3A_320 = arith.constant 2 : i32
      %mul3A_321 = arith.muli %add3A_277, %mul3A_320 : i32
      %add3A_322 = arith.addi %mul3A_4, %mul3A_321 : i32
      %add3A_323 = arith.constant 1 : i32
      %add3A_324 = arith.addi %add3A_322, %add3A_323 : i32
      %run_scoped3A_325 = arith.constant 2 : i32
      "tpu.region"() ({
        %run_scoped3A_339 = tpu.sem_alloc : memref<!tpu.dma_semaphore, #tpu.memory_space<semaphore_mem>>
        %dma_start3A_340 = arith.constant 768 : i32
        %dma_start3A_341 = arith.constant 0 : i32
        %dma_start3A_342 = tpu.memref_slice %arg7[%dma_start3A_340, %dma_start3A_341] : memref<1024x32xf32, #tpu.memory_space<vmem>> -> memref<128x32xf32, #tpu.memory_space<vmem>>
        %dma_start3A_343 = arith.constant 0 : i32
        %dma_start3A_344 = arith.constant 0 : i32
        %dma_start3A_345 = tpu.memref_slice %arg4[%add3A_324, %dma_start3A_343, %run_scoped3A_325, %dma_start3A_344] : memref<1600x128x4x32xf32, #tpu.memory_space<hbm>> -> memref<1x128x1x32xf32, #tpu.memory_space<hbm>>
        %dma_start3A_346 = tpu.memref_squeeze %dma_start3A_345 : memref<1x128x1x32xf32, #tpu.memory_space<hbm>> -> memref<128x32xf32, #tpu.memory_space<hbm>>
        %dma_start3A_347 = arith.constant 0 : i32
        %dma_start3A_348 = arith.constant 0 : i32
        %dma_start3A_349 = tpu.memref_slice %arg4[%add3A_324, %dma_start3A_347, %run_scoped3A_325, %dma_start3A_348] : memref<1600x128x4x32xf32, #tpu.memory_space<hbm>> -> memref<1x128x1x32xf32, #tpu.memory_space<hbm>>
        %dma_start3A_350 = tpu.memref_squeeze %dma_start3A_349 : memref<1x128x1x32xf32, #tpu.memory_space<hbm>> -> memref<128x32xf32, #tpu.memory_space<hbm>>
        %dma_start3A_351 = arith.constant 768 : i32
        %dma_start3A_352 = arith.constant 0 : i32
        %dma_start3A_353 = tpu.memref_slice %arg7[%dma_start3A_351, %dma_start3A_352] : memref<1024x32xf32, #tpu.memory_space<vmem>> -> memref<128x32xf32, #tpu.memory_space<vmem>>
        tpu.enqueue_dma source(%dma_start3A_353 : memref<128x32xf32, #tpu.memory_space<vmem>>) target(%dma_start3A_350 : memref<128x32xf32, #tpu.memory_space<hbm>>) target_semaphore(%run_scoped3A_339 : memref<!tpu.dma_semaphore, #tpu.memory_space<semaphore_mem>>)
        %dma_wait3A_354 = arith.constant 768 : i32
        %dma_wait3A_355 = arith.constant 0 : i32
        %dma_wait3A_356 = tpu.memref_slice %arg7[%dma_wait3A_354, %dma_wait3A_355] : memref<1024x32xf32, #tpu.memory_space<vmem>> -> memref<128x32xf32, #tpu.memory_space<vmem>>
        %dma_wait3A_357 = arith.constant 0 : i32
        %dma_wait3A_358 = arith.constant 0 : i32
        %dma_wait3A_359 = tpu.memref_slice %arg4[%add3A_324, %dma_wait3A_357, %run_scoped3A_325, %dma_wait3A_358] : memref<1600x128x4x32xf32, #tpu.memory_space<hbm>> -> memref<1x128x1x32xf32, #tpu.memory_space<hbm>>
        %dma_wait3A_360 = tpu.memref_squeeze %dma_wait3A_359 : memref<1x128x1x32xf32, #tpu.memory_space<hbm>> -> memref<128x32xf32, #tpu.memory_space<hbm>>
        %dma_wait3A_361 = arith.constant 0 : i32
        %dma_wait3A_362 = arith.constant 0 : i32
        %dma_wait3A_363 = tpu.memref_slice %arg4[%add3A_324, %dma_wait3A_361, %run_scoped3A_325, %dma_wait3A_362] : memref<1600x128x4x32xf32, #tpu.memory_space<hbm>> -> memref<1x128x1x32xf32, #tpu.memory_space<hbm>>
        %dma_wait3A_364 = tpu.memref_squeeze %dma_wait3A_363 : memref<1x128x1x32xf32, #tpu.memory_space<hbm>> -> memref<128x32xf32, #tpu.memory_space<hbm>>
        %dma_wait3A_365 = arith.constant 768 : i32
        %dma_wait3A_366 = arith.constant 0 : i32
        %dma_wait3A_367 = tpu.memref_slice %arg7[%dma_wait3A_365, %dma_wait3A_366] : memref<1024x32xf32, #tpu.memory_space<vmem>> -> memref<128x32xf32, #tpu.memory_space<vmem>>
        tpu.wait_dma2 semaphore(%run_scoped3A_339 : memref<!tpu.dma_semaphore, #tpu.memory_space<semaphore_mem>>) src(%dma_wait3A_367 : memref<128x32xf32, #tpu.memory_space<vmem>>) dst(%dma_wait3A_364 : memref<128x32xf32, #tpu.memory_space<hbm>>)
        tpu.yield
      }) : () -> ()
      %mul3A_326 = arith.constant 2 : i32
      %mul3A_327 = arith.muli %add3A_277, %mul3A_326 : i32
      %add3A_328 = arith.addi %mul3A_4, %mul3A_327 : i32
      %add3A_329 = arith.constant 1 : i32
      %add3A_330 = arith.addi %add3A_328, %add3A_329 : i32
      %run_scoped3A_331 = arith.constant 3 : i32
      "tpu.region"() ({
        %run_scoped3A_339 = tpu.sem_alloc : memref<!tpu.dma_semaphore, #tpu.memory_space<semaphore_mem>>
        %dma_start3A_340 = arith.constant 896 : i32
        %dma_start3A_341 = arith.constant 0 : i32
        %dma_start3A_342 = tpu.memref_slice %arg7[%dma_start3A_340, %dma_start3A_341] : memref<1024x32xf32, #tpu.memory_space<vmem>> -> memref<128x32xf32, #tpu.memory_space<vmem>>
        %dma_start3A_343 = arith.constant 0 : i32
        %dma_start3A_344 = arith.constant 0 : i32
        %dma_start3A_345 = tpu.memref_slice %arg4[%add3A_330, %dma_start3A_343, %run_scoped3A_331, %dma_start3A_344] : memref<1600x128x4x32xf32, #tpu.memory_space<hbm>> -> memref<1x128x1x32xf32, #tpu.memory_space<hbm>>
        %dma_start3A_346 = tpu.memref_squeeze %dma_start3A_345 : memref<1x128x1x32xf32, #tpu.memory_space<hbm>> -> memref<128x32xf32, #tpu.memory_space<hbm>>
        %dma_start3A_347 = arith.constant 0 : i32
        %dma_start3A_348 = arith.constant 0 : i32
        %dma_start3A_349 = tpu.memref_slice %arg4[%add3A_330, %dma_start3A_347, %run_scoped3A_331, %dma_start3A_348] : memref<1600x128x4x32xf32, #tpu.memory_space<hbm>> -> memref<1x128x1x32xf32, #tpu.memory_space<hbm>>
        %dma_start3A_350 = tpu.memref_squeeze %dma_start3A_349 : memref<1x128x1x32xf32, #tpu.memory_space<hbm>> -> memref<128x32xf32, #tpu.memory_space<hbm>>
        %dma_start3A_351 = arith.constant 896 : i32
        %dma_start3A_352 = arith.constant 0 : i32
        %dma_start3A_353 = tpu.memref_slice %arg7[%dma_start3A_351, %dma_start3A_352] : memref<1024x32xf32, #tpu.memory_space<vmem>> -> memref<128x32xf32, #tpu.memory_space<vmem>>
        tpu.enqueue_dma source(%dma_start3A_353 : memref<128x32xf32, #tpu.memory_space<vmem>>) target(%dma_start3A_350 : memref<128x32xf32, #tpu.memory_space<hbm>>) target_semaphore(%run_scoped3A_339 : memref<!tpu.dma_semaphore, #tpu.memory_space<semaphore_mem>>)
        %dma_wait3A_354 = arith.constant 896 : i32
        %dma_wait3A_355 = arith.constant 0 : i32
        %dma_wait3A_356 = tpu.memref_slice %arg7[%dma_wait3A_354, %dma_wait3A_355] : memref<1024x32xf32, #tpu.memory_space<vmem>> -> memref<128x32xf32, #tpu.memory_space<vmem>>
        %dma_wait3A_357 = arith.constant 0 : i32
        %dma_wait3A_358 = arith.constant 0 : i32
        %dma_wait3A_359 = tpu.memref_slice %arg4[%add3A_330, %dma_wait3A_357, %run_scoped3A_331, %dma_wait3A_358] : memref<1600x128x4x32xf32, #tpu.memory_space<hbm>> -> memref<1x128x1x32xf32, #tpu.memory_space<hbm>>
        %dma_wait3A_360 = tpu.memref_squeeze %dma_wait3A_359 : memref<1x128x1x32xf32, #tpu.memory_space<hbm>> -> memref<128x32xf32, #tpu.memory_space<hbm>>
        %dma_wait3A_361 = arith.constant 0 : i32
        %dma_wait3A_362 = arith.constant 0 : i32
        %dma_wait3A_363 = tpu.memref_slice %arg4[%add3A_330, %dma_wait3A_361, %run_scoped3A_331, %dma_wait3A_362] : memref<1600x128x4x32xf32, #tpu.memory_space<hbm>> -> memref<1x128x1x32xf32, #tpu.memory_space<hbm>>
        %dma_wait3A_364 = tpu.memref_squeeze %dma_wait3A_363 : memref<1x128x1x32xf32, #tpu.memory_space<hbm>> -> memref<128x32xf32, #tpu.memory_space<hbm>>
        %dma_wait3A_365 = arith.constant 896 : i32
        %dma_wait3A_366 = arith.constant 0 : i32
        %dma_wait3A_367 = tpu.memref_slice %arg7[%dma_wait3A_365, %dma_wait3A_366] : memref<1024x32xf32, #tpu.memory_space<vmem>> -> memref<128x32xf32, #tpu.memory_space<vmem>>
        tpu.wait_dma2 semaphore(%run_scoped3A_339 : memref<!tpu.dma_semaphore, #tpu.memory_space<semaphore_mem>>) src(%dma_wait3A_367 : memref<128x32xf32, #tpu.memory_space<vmem>>) dst(%dma_wait3A_364 : memref<128x32xf32, #tpu.memory_space<hbm>>)
        tpu.yield
      }) : () -> ()
      %add3A_332 = arith.constant 2 : i32
      %add3A_333 = arith.addi %add3A_277, %add3A_332 : i32
      %lt3A_334 = arith.constant 25 : i32
      %lt3A_335 = arith.cmpi slt, %add3A_333, %lt3A_334 : i32
      %convert_element_type3A_336 = arith.extui %lt3A_335 : i1 to i32
      %cond3A_337 = arith.constant 0 : i32
      %cond3A_338 = arith.cmpi ne, %convert_element_type3A_336, %cond3A_337 : i32
      scf.if %cond3A_338 {
        %add3A_339 = arith.constant 2 : i32
        %add3A_340 = arith.addi %add3A_277, %add3A_339 : i32
        %mul3A_341 = arith.constant 8 : i32
        %mul3A_342 = arith.muli %add3A_340, %mul3A_341 : i32
        %add3A_343 = arith.constant 0 : i32
        %add3A_344 = arith.addi %mul3A_342, %add3A_343 : i32
        %dma_start3A_345 = arith.constant 0 : i32
        %dma_start3A_346 = arith.constant 0 : i32
        %dma_start3A_347 = tpu.memref_slice %arg7[%dma_start3A_345, %dma_start3A_346] : memref<1024x32xf32, #tpu.memory_space<vmem>> -> memref<128x32xf32, #tpu.memory_space<vmem>>
        %dma_start3A_348 = arith.constant 0 : i32
        %dma_start3A_349 = tpu.memref_slice %arg5[%add3A_344, %dma_start3A_348] : memref<200x128xi32, #tpu.memory_space<vmem>> -> memref<1x128xi32, #tpu.memory_space<vmem>>
        %dma_start3A_350 = tpu.memref_squeeze %dma_start3A_349 : memref<1x128xi32, #tpu.memory_space<vmem>> -> memref<128xi32, #tpu.memory_space<vmem>>
        %dma_start3A_351 = arith.constant 0 : i32
        %dma_start3A_352 = arith.constant 0 : i32
        %dma_start3A_353 = tpu.memref_slice %arg3[%dma_start3A_351, %dma_start3A_352] : memref<4000000x32xf32, #tpu.memory_space<hbm>> -> memref<4000000x32xf32, #tpu.memory_space<hbm>>
        tpu.enqueue_indirect_dma source(%dma_start3A_353 : memref<4000000x32xf32, #tpu.memory_space<hbm>>) target(%dma_start3A_347 : memref<128x32xf32, #tpu.memory_space<vmem>>) offsets(%dma_start3A_350 : memref<128xi32, #tpu.memory_space<vmem>>) semaphore(%arg9 : memref<!tpu.dma_semaphore, #tpu.memory_space<semaphore_mem>>)
        %mul3A_354 = arith.constant 8 : i32
        %mul3A_355 = arith.muli %add3A_340, %mul3A_354 : i32
        %add3A_356 = arith.constant 1 : i32
        %add3A_357 = arith.addi %mul3A_355, %add3A_356 : i32
        %dma_start3A_358 = arith.constant 128 : i32
        %dma_start3A_359 = arith.constant 0 : i32
        %dma_start3A_360 = tpu.memref_slice %arg7[%dma_start3A_358, %dma_start3A_359] : memref<1024x32xf32, #tpu.memory_space<vmem>> -> memref<128x32xf32, #tpu.memory_space<vmem>>
        %dma_start3A_361 = arith.constant 0 : i32
        %dma_start3A_362 = tpu.memref_slice %arg5[%add3A_357, %dma_start3A_361] : memref<200x128xi32, #tpu.memory_space<vmem>> -> memref<1x128xi32, #tpu.memory_space<vmem>>
        %dma_start3A_363 = tpu.memref_squeeze %dma_start3A_362 : memref<1x128xi32, #tpu.memory_space<vmem>> -> memref<128xi32, #tpu.memory_space<vmem>>
        %dma_start3A_364 = arith.constant 0 : i32
        %dma_start3A_365 = arith.constant 0 : i32
        %dma_start3A_366 = tpu.memref_slice %arg3[%dma_start3A_364, %dma_start3A_365] : memref<4000000x32xf32, #tpu.memory_space<hbm>> -> memref<4000000x32xf32, #tpu.memory_space<hbm>>
        tpu.enqueue_indirect_dma source(%dma_start3A_366 : memref<4000000x32xf32, #tpu.memory_space<hbm>>) target(%dma_start3A_360 : memref<128x32xf32, #tpu.memory_space<vmem>>) offsets(%dma_start3A_363 : memref<128xi32, #tpu.memory_space<vmem>>) semaphore(%arg9 : memref<!tpu.dma_semaphore, #tpu.memory_space<semaphore_mem>>)
        %mul3A_367 = arith.constant 8 : i32
        %mul3A_368 = arith.muli %add3A_340, %mul3A_367 : i32
        %add3A_369 = arith.constant 2 : i32
        %add3A_370 = arith.addi %mul3A_368, %add3A_369 : i32
        %dma_start3A_371 = arith.constant 256 : i32
        %dma_start3A_372 = arith.constant 0 : i32
        %dma_start3A_373 = tpu.memref_slice %arg7[%dma_start3A_371, %dma_start3A_372] : memref<1024x32xf32, #tpu.memory_space<vmem>> -> memref<128x32xf32, #tpu.memory_space<vmem>>
        %dma_start3A_374 = arith.constant 0 : i32
        %dma_start3A_375 = tpu.memref_slice %arg5[%add3A_370, %dma_start3A_374] : memref<200x128xi32, #tpu.memory_space<vmem>> -> memref<1x128xi32, #tpu.memory_space<vmem>>
        %dma_start3A_376 = tpu.memref_squeeze %dma_start3A_375 : memref<1x128xi32, #tpu.memory_space<vmem>> -> memref<128xi32, #tpu.memory_space<vmem>>
        %dma_start3A_377 = arith.constant 0 : i32
        %dma_start3A_378 = arith.constant 0 : i32
        %dma_start3A_379 = tpu.memref_slice %arg3[%dma_start3A_377, %dma_start3A_378] : memref<4000000x32xf32, #tpu.memory_space<hbm>> -> memref<4000000x32xf32, #tpu.memory_space<hbm>>
        tpu.enqueue_indirect_dma source(%dma_start3A_379 : memref<4000000x32xf32, #tpu.memory_space<hbm>>) target(%dma_start3A_373 : memref<128x32xf32, #tpu.memory_space<vmem>>) offsets(%dma_start3A_376 : memref<128xi32, #tpu.memory_space<vmem>>) semaphore(%arg9 : memref<!tpu.dma_semaphore, #tpu.memory_space<semaphore_mem>>)
        %mul3A_380 = arith.constant 8 : i32
        %mul3A_381 = arith.muli %add3A_340, %mul3A_380 : i32
        %add3A_382 = arith.constant 3 : i32
        %add3A_383 = arith.addi %mul3A_381, %add3A_382 : i32
        %dma_start3A_384 = arith.constant 384 : i32
        %dma_start3A_385 = arith.constant 0 : i32
        %dma_start3A_386 = tpu.memref_slice %arg7[%dma_start3A_384, %dma_start3A_385] : memref<1024x32xf32, #tpu.memory_space<vmem>> -> memref<128x32xf32, #tpu.memory_space<vmem>>
        %dma_start3A_387 = arith.constant 0 : i32
        %dma_start3A_388 = tpu.memref_slice %arg5[%add3A_383, %dma_start3A_387] : memref<200x128xi32, #tpu.memory_space<vmem>> -> memref<1x128xi32, #tpu.memory_space<vmem>>
        %dma_start3A_389 = tpu.memref_squeeze %dma_start3A_388 : memref<1x128xi32, #tpu.memory_space<vmem>> -> memref<128xi32, #tpu.memory_space<vmem>>
        %dma_start3A_390 = arith.constant 0 : i32
        %dma_start3A_391 = arith.constant 0 : i32
        %dma_start3A_392 = tpu.memref_slice %arg3[%dma_start3A_390, %dma_start3A_391] : memref<4000000x32xf32, #tpu.memory_space<hbm>> -> memref<4000000x32xf32, #tpu.memory_space<hbm>>
        tpu.enqueue_indirect_dma source(%dma_start3A_392 : memref<4000000x32xf32, #tpu.memory_space<hbm>>) target(%dma_start3A_386 : memref<128x32xf32, #tpu.memory_space<vmem>>) offsets(%dma_start3A_389 : memref<128xi32, #tpu.memory_space<vmem>>) semaphore(%arg9 : memref<!tpu.dma_semaphore, #tpu.memory_space<semaphore_mem>>)
        %mul3A_393 = arith.constant 8 : i32
        %mul3A_394 = arith.muli %add3A_340, %mul3A_393 : i32
        %add3A_395 = arith.constant 4 : i32
        %add3A_396 = arith.addi %mul3A_394, %add3A_395 : i32
        %dma_start3A_397 = arith.constant 512 : i32
        %dma_start3A_398 = arith.constant 0 : i32
        %dma_start3A_399 = tpu.memref_slice %arg7[%dma_start3A_397, %dma_start3A_398] : memref<1024x32xf32, #tpu.memory_space<vmem>> -> memref<128x32xf32, #tpu.memory_space<vmem>>
        %dma_start3A_400 = arith.constant 0 : i32
        %dma_start3A_401 = tpu.memref_slice %arg5[%add3A_396, %dma_start3A_400] : memref<200x128xi32, #tpu.memory_space<vmem>> -> memref<1x128xi32, #tpu.memory_space<vmem>>
        %dma_start3A_402 = tpu.memref_squeeze %dma_start3A_401 : memref<1x128xi32, #tpu.memory_space<vmem>> -> memref<128xi32, #tpu.memory_space<vmem>>
        %dma_start3A_403 = arith.constant 0 : i32
        %dma_start3A_404 = arith.constant 0 : i32
        %dma_start3A_405 = tpu.memref_slice %arg3[%dma_start3A_403, %dma_start3A_404] : memref<4000000x32xf32, #tpu.memory_space<hbm>> -> memref<4000000x32xf32, #tpu.memory_space<hbm>>
        tpu.enqueue_indirect_dma source(%dma_start3A_405 : memref<4000000x32xf32, #tpu.memory_space<hbm>>) target(%dma_start3A_399 : memref<128x32xf32, #tpu.memory_space<vmem>>) offsets(%dma_start3A_402 : memref<128xi32, #tpu.memory_space<vmem>>) semaphore(%arg9 : memref<!tpu.dma_semaphore, #tpu.memory_space<semaphore_mem>>)
        %mul3A_406 = arith.constant 8 : i32
        %mul3A_407 = arith.muli %add3A_340, %mul3A_406 : i32
        %add3A_408 = arith.constant 5 : i32
        %add3A_409 = arith.addi %mul3A_407, %add3A_408 : i32
        %dma_start3A_410 = arith.constant 640 : i32
        %dma_start3A_411 = arith.constant 0 : i32
        %dma_start3A_412 = tpu.memref_slice %arg7[%dma_start3A_410, %dma_start3A_411] : memref<1024x32xf32, #tpu.memory_space<vmem>> -> memref<128x32xf32, #tpu.memory_space<vmem>>
        %dma_start3A_413 = arith.constant 0 : i32
        %dma_start3A_414 = tpu.memref_slice %arg5[%add3A_409, %dma_start3A_413] : memref<200x128xi32, #tpu.memory_space<vmem>> -> memref<1x128xi32, #tpu.memory_space<vmem>>
        %dma_start3A_415 = tpu.memref_squeeze %dma_start3A_414 : memref<1x128xi32, #tpu.memory_space<vmem>> -> memref<128xi32, #tpu.memory_space<vmem>>
        %dma_start3A_416 = arith.constant 0 : i32
        %dma_start3A_417 = arith.constant 0 : i32
        %dma_start3A_418 = tpu.memref_slice %arg3[%dma_start3A_416, %dma_start3A_417] : memref<4000000x32xf32, #tpu.memory_space<hbm>> -> memref<4000000x32xf32, #tpu.memory_space<hbm>>
        tpu.enqueue_indirect_dma source(%dma_start3A_418 : memref<4000000x32xf32, #tpu.memory_space<hbm>>) target(%dma_start3A_412 : memref<128x32xf32, #tpu.memory_space<vmem>>) offsets(%dma_start3A_415 : memref<128xi32, #tpu.memory_space<vmem>>) semaphore(%arg9 : memref<!tpu.dma_semaphore, #tpu.memory_space<semaphore_mem>>)
        %mul3A_419 = arith.constant 8 : i32
        %mul3A_420 = arith.muli %add3A_340, %mul3A_419 : i32
        %add3A_421 = arith.constant 6 : i32
        %add3A_422 = arith.addi %mul3A_420, %add3A_421 : i32
        %dma_start3A_423 = arith.constant 768 : i32
        %dma_start3A_424 = arith.constant 0 : i32
        %dma_start3A_425 = tpu.memref_slice %arg7[%dma_start3A_423, %dma_start3A_424] : memref<1024x32xf32, #tpu.memory_space<vmem>> -> memref<128x32xf32, #tpu.memory_space<vmem>>
        %dma_start3A_426 = arith.constant 0 : i32
        %dma_start3A_427 = tpu.memref_slice %arg5[%add3A_422, %dma_start3A_426] : memref<200x128xi32, #tpu.memory_space<vmem>> -> memref<1x128xi32, #tpu.memory_space<vmem>>
        %dma_start3A_428 = tpu.memref_squeeze %dma_start3A_427 : memref<1x128xi32, #tpu.memory_space<vmem>> -> memref<128xi32, #tpu.memory_space<vmem>>
        %dma_start3A_429 = arith.constant 0 : i32
        %dma_start3A_430 = arith.constant 0 : i32
        %dma_start3A_431 = tpu.memref_slice %arg3[%dma_start3A_429, %dma_start3A_430] : memref<4000000x32xf32, #tpu.memory_space<hbm>> -> memref<4000000x32xf32, #tpu.memory_space<hbm>>
        tpu.enqueue_indirect_dma source(%dma_start3A_431 : memref<4000000x32xf32, #tpu.memory_space<hbm>>) target(%dma_start3A_425 : memref<128x32xf32, #tpu.memory_space<vmem>>) offsets(%dma_start3A_428 : memref<128xi32, #tpu.memory_space<vmem>>) semaphore(%arg9 : memref<!tpu.dma_semaphore, #tpu.memory_space<semaphore_mem>>)
        %mul3A_432 = arith.constant 8 : i32
        %mul3A_433 = arith.muli %add3A_340, %mul3A_432 : i32
        %add3A_434 = arith.constant 7 : i32
        %add3A_435 = arith.addi %mul3A_433, %add3A_434 : i32
        %dma_start3A_436 = arith.constant 896 : i32
        %dma_start3A_437 = arith.constant 0 : i32
        %dma_start3A_438 = tpu.memref_slice %arg7[%dma_start3A_436, %dma_start3A_437] : memref<1024x32xf32, #tpu.memory_space<vmem>> -> memref<128x32xf32, #tpu.memory_space<vmem>>
        %dma_start3A_439 = arith.constant 0 : i32
        %dma_start3A_440 = tpu.memref_slice %arg5[%add3A_435, %dma_start3A_439] : memref<200x128xi32, #tpu.memory_space<vmem>> -> memref<1x128xi32, #tpu.memory_space<vmem>>
        %dma_start3A_441 = tpu.memref_squeeze %dma_start3A_440 : memref<1x128xi32, #tpu.memory_space<vmem>> -> memref<128xi32, #tpu.memory_space<vmem>>
        %dma_start3A_442 = arith.constant 0 : i32
        %dma_start3A_443 = arith.constant 0 : i32
        %dma_start3A_444 = tpu.memref_slice %arg3[%dma_start3A_442, %dma_start3A_443] : memref<4000000x32xf32, #tpu.memory_space<hbm>> -> memref<4000000x32xf32, #tpu.memory_space<hbm>>
        tpu.enqueue_indirect_dma source(%dma_start3A_444 : memref<4000000x32xf32, #tpu.memory_space<hbm>>) target(%dma_start3A_438 : memref<128x32xf32, #tpu.memory_space<vmem>>) offsets(%dma_start3A_441 : memref<128xi32, #tpu.memory_space<vmem>>) semaphore(%arg9 : memref<!tpu.dma_semaphore, #tpu.memory_space<semaphore_mem>>)
      } else {
      }
    }
    %scan3A_168 = arith.constant 12 : i32
    %dma_wait3A = arith.constant 0 : i32
    %dma_wait3A_169 = arith.constant 0 : i32
    %dma_wait3A_170 = tpu.memref_slice %arg3[%dma_wait3A, %dma_wait3A_169] : memref<4000000x32xf32, #tpu.memory_space<hbm>> -> memref<1024x32xf32, #tpu.memory_space<hbm>>
    %dma_wait3A_171 = arith.constant 0 : i32
    %dma_wait3A_172 = arith.constant 0 : i32
    %dma_wait3A_173 = tpu.memref_slice %arg3[%dma_wait3A_171, %dma_wait3A_172] : memref<4000000x32xf32, #tpu.memory_space<hbm>> -> memref<1024x32xf32, #tpu.memory_space<hbm>>
    tpu.wait_dma2 semaphore(%arg8 : memref<!tpu.dma_semaphore, #tpu.memory_space<semaphore_mem>>) src(%dma_wait3A_173 : memref<1024x32xf32, #tpu.memory_space<hbm>>) dst(%arg6 : memref<1024x32xf32, #tpu.memory_space<vmem>>)
    %add3A_174 = arith.constant 48 : i32
    %add3A_175 = arith.addi %mul3A_4, %add3A_174 : i32
    %add3A_176 = arith.constant 0 : i32
    %add3A_177 = arith.addi %add3A_175, %add3A_176 : i32
    %run_scoped3A = arith.constant 0 : i32
    "tpu.region"() ({
      %run_scoped3A_213 = tpu.sem_alloc : memref<!tpu.dma_semaphore, #tpu.memory_space<semaphore_mem>>
      %dma_start3A_214 = arith.constant 0 : i32
      %dma_start3A_215 = arith.constant 0 : i32
      %dma_start3A_216 = tpu.memref_slice %arg6[%dma_start3A_214, %dma_start3A_215] : memref<1024x32xf32, #tpu.memory_space<vmem>> -> memref<128x32xf32, #tpu.memory_space<vmem>>
      %dma_start3A_217 = arith.constant 0 : i32
      %dma_start3A_218 = arith.constant 0 : i32
      %dma_start3A_219 = tpu.memref_slice %arg4[%add3A_177, %dma_start3A_217, %run_scoped3A, %dma_start3A_218] : memref<1600x128x4x32xf32, #tpu.memory_space<hbm>> -> memref<1x128x1x32xf32, #tpu.memory_space<hbm>>
      %dma_start3A_220 = tpu.memref_squeeze %dma_start3A_219 : memref<1x128x1x32xf32, #tpu.memory_space<hbm>> -> memref<128x32xf32, #tpu.memory_space<hbm>>
      %dma_start3A_221 = arith.constant 0 : i32
      %dma_start3A_222 = arith.constant 0 : i32
      %dma_start3A_223 = tpu.memref_slice %arg4[%add3A_177, %dma_start3A_221, %run_scoped3A, %dma_start3A_222] : memref<1600x128x4x32xf32, #tpu.memory_space<hbm>> -> memref<1x128x1x32xf32, #tpu.memory_space<hbm>>
      %dma_start3A_224 = tpu.memref_squeeze %dma_start3A_223 : memref<1x128x1x32xf32, #tpu.memory_space<hbm>> -> memref<128x32xf32, #tpu.memory_space<hbm>>
      %dma_start3A_225 = arith.constant 0 : i32
      %dma_start3A_226 = arith.constant 0 : i32
      %dma_start3A_227 = tpu.memref_slice %arg6[%dma_start3A_225, %dma_start3A_226] : memref<1024x32xf32, #tpu.memory_space<vmem>> -> memref<128x32xf32, #tpu.memory_space<vmem>>
      tpu.enqueue_dma source(%dma_start3A_227 : memref<128x32xf32, #tpu.memory_space<vmem>>) target(%dma_start3A_224 : memref<128x32xf32, #tpu.memory_space<hbm>>) target_semaphore(%run_scoped3A_213 : memref<!tpu.dma_semaphore, #tpu.memory_space<semaphore_mem>>)
      %dma_wait3A_228 = arith.constant 0 : i32
      %dma_wait3A_229 = arith.constant 0 : i32
      %dma_wait3A_230 = tpu.memref_slice %arg6[%dma_wait3A_228, %dma_wait3A_229] : memref<1024x32xf32, #tpu.memory_space<vmem>> -> memref<128x32xf32, #tpu.memory_space<vmem>>
      %dma_wait3A_231 = arith.constant 0 : i32
      %dma_wait3A_232 = arith.constant 0 : i32
      %dma_wait3A_233 = tpu.memref_slice %arg4[%add3A_177, %dma_wait3A_231, %run_scoped3A, %dma_wait3A_232] : memref<1600x128x4x32xf32, #tpu.memory_space<hbm>> -> memref<1x128x1x32xf32, #tpu.memory_space<hbm>>
      %dma_wait3A_234 = tpu.memref_squeeze %dma_wait3A_233 : memref<1x128x1x32xf32, #tpu.memory_space<hbm>> -> memref<128x32xf32, #tpu.memory_space<hbm>>
      %dma_wait3A_235 = arith.constant 0 : i32
      %dma_wait3A_236 = arith.constant 0 : i32
      %dma_wait3A_237 = tpu.memref_slice %arg4[%add3A_177, %dma_wait3A_235, %run_scoped3A, %dma_wait3A_236] : memref<1600x128x4x32xf32, #tpu.memory_space<hbm>> -> memref<1x128x1x32xf32, #tpu.memory_space<hbm>>
      %dma_wait3A_238 = tpu.memref_squeeze %dma_wait3A_237 : memref<1x128x1x32xf32, #tpu.memory_space<hbm>> -> memref<128x32xf32, #tpu.memory_space<hbm>>
      %dma_wait3A_239 = arith.constant 0 : i32
      %dma_wait3A_240 = arith.constant 0 : i32
      %dma_wait3A_241 = tpu.memref_slice %arg6[%dma_wait3A_239, %dma_wait3A_240] : memref<1024x32xf32, #tpu.memory_space<vmem>> -> memref<128x32xf32, #tpu.memory_space<vmem>>
      tpu.wait_dma2 semaphore(%run_scoped3A_213 : memref<!tpu.dma_semaphore, #tpu.memory_space<semaphore_mem>>) src(%dma_wait3A_241 : memref<128x32xf32, #tpu.memory_space<vmem>>) dst(%dma_wait3A_238 : memref<128x32xf32, #tpu.memory_space<hbm>>)
      tpu.yield
    }) : () -> ()
    %add3A_178 = arith.constant 48 : i32
    %add3A_179 = arith.addi %mul3A_4, %add3A_178 : i32
    %add3A_180 = arith.constant 0 : i32
    %add3A_181 = arith.addi %add3A_179, %add3A_180 : i32
    %run_scoped3A_182 = arith.constant 1 : i32
    "tpu.region"() ({
      %run_scoped3A_213 = tpu.sem_alloc : memref<!tpu.dma_semaphore, #tpu.memory_space<semaphore_mem>>
      %dma_start3A_214 = arith.constant 128 : i32
      %dma_start3A_215 = arith.constant 0 : i32
      %dma_start3A_216 = tpu.memref_slice %arg6[%dma_start3A_214, %dma_start3A_215] : memref<1024x32xf32, #tpu.memory_space<vmem>> -> memref<128x32xf32, #tpu.memory_space<vmem>>
      %dma_start3A_217 = arith.constant 0 : i32
      %dma_start3A_218 = arith.constant 0 : i32
      %dma_start3A_219 = tpu.memref_slice %arg4[%add3A_181, %dma_start3A_217, %run_scoped3A_182, %dma_start3A_218] : memref<1600x128x4x32xf32, #tpu.memory_space<hbm>> -> memref<1x128x1x32xf32, #tpu.memory_space<hbm>>
      %dma_start3A_220 = tpu.memref_squeeze %dma_start3A_219 : memref<1x128x1x32xf32, #tpu.memory_space<hbm>> -> memref<128x32xf32, #tpu.memory_space<hbm>>
      %dma_start3A_221 = arith.constant 0 : i32
      %dma_start3A_222 = arith.constant 0 : i32
      %dma_start3A_223 = tpu.memref_slice %arg4[%add3A_181, %dma_start3A_221, %run_scoped3A_182, %dma_start3A_222] : memref<1600x128x4x32xf32, #tpu.memory_space<hbm>> -> memref<1x128x1x32xf32, #tpu.memory_space<hbm>>
      %dma_start3A_224 = tpu.memref_squeeze %dma_start3A_223 : memref<1x128x1x32xf32, #tpu.memory_space<hbm>> -> memref<128x32xf32, #tpu.memory_space<hbm>>
      %dma_start3A_225 = arith.constant 128 : i32
      %dma_start3A_226 = arith.constant 0 : i32
      %dma_start3A_227 = tpu.memref_slice %arg6[%dma_start3A_225, %dma_start3A_226] : memref<1024x32xf32, #tpu.memory_space<vmem>> -> memref<128x32xf32, #tpu.memory_space<vmem>>
      tpu.enqueue_dma source(%dma_start3A_227 : memref<128x32xf32, #tpu.memory_space<vmem>>) target(%dma_start3A_224 : memref<128x32xf32, #tpu.memory_space<hbm>>) target_semaphore(%run_scoped3A_213 : memref<!tpu.dma_semaphore, #tpu.memory_space<semaphore_mem>>)
      %dma_wait3A_228 = arith.constant 128 : i32
      %dma_wait3A_229 = arith.constant 0 : i32
      %dma_wait3A_230 = tpu.memref_slice %arg6[%dma_wait3A_228, %dma_wait3A_229] : memref<1024x32xf32, #tpu.memory_space<vmem>> -> memref<128x32xf32, #tpu.memory_space<vmem>>
      %dma_wait3A_231 = arith.constant 0 : i32
      %dma_wait3A_232 = arith.constant 0 : i32
      %dma_wait3A_233 = tpu.memref_slice %arg4[%add3A_181, %dma_wait3A_231, %run_scoped3A_182, %dma_wait3A_232] : memref<1600x128x4x32xf32, #tpu.memory_space<hbm>> -> memref<1x128x1x32xf32, #tpu.memory_space<hbm>>
      %dma_wait3A_234 = tpu.memref_squeeze %dma_wait3A_233 : memref<1x128x1x32xf32, #tpu.memory_space<hbm>> -> memref<128x32xf32, #tpu.memory_space<hbm>>
      %dma_wait3A_235 = arith.constant 0 : i32
      %dma_wait3A_236 = arith.constant 0 : i32
      %dma_wait3A_237 = tpu.memref_slice %arg4[%add3A_181, %dma_wait3A_235, %run_scoped3A_182, %dma_wait3A_236] : memref<1600x128x4x32xf32, #tpu.memory_space<hbm>> -> memref<1x128x1x32xf32, #tpu.memory_space<hbm>>
      %dma_wait3A_238 = tpu.memref_squeeze %dma_wait3A_237 : memref<1x128x1x32xf32, #tpu.memory_space<hbm>> -> memref<128x32xf32, #tpu.memory_space<hbm>>
      %dma_wait3A_239 = arith.constant 128 : i32
      %dma_wait3A_240 = arith.constant 0 : i32
      %dma_wait3A_241 = tpu.memref_slice %arg6[%dma_wait3A_239, %dma_wait3A_240] : memref<1024x32xf32, #tpu.memory_space<vmem>> -> memref<128x32xf32, #tpu.memory_space<vmem>>
      tpu.wait_dma2 semaphore(%run_scoped3A_213 : memref<!tpu.dma_semaphore, #tpu.memory_space<semaphore_mem>>) src(%dma_wait3A_241 : memref<128x32xf32, #tpu.memory_space<vmem>>) dst(%dma_wait3A_238 : memref<128x32xf32, #tpu.memory_space<hbm>>)
      tpu.yield
    }) : () -> ()
    %add3A_183 = arith.constant 48 : i32
    %add3A_184 = arith.addi %mul3A_4, %add3A_183 : i32
    %add3A_185 = arith.constant 0 : i32
    %add3A_186 = arith.addi %add3A_184, %add3A_185 : i32
    %run_scoped3A_187 = arith.constant 2 : i32
    "tpu.region"() ({
      %run_scoped3A_213 = tpu.sem_alloc : memref<!tpu.dma_semaphore, #tpu.memory_space<semaphore_mem>>
      %dma_start3A_214 = arith.constant 256 : i32
      %dma_start3A_215 = arith.constant 0 : i32
      %dma_start3A_216 = tpu.memref_slice %arg6[%dma_start3A_214, %dma_start3A_215] : memref<1024x32xf32, #tpu.memory_space<vmem>> -> memref<128x32xf32, #tpu.memory_space<vmem>>
      %dma_start3A_217 = arith.constant 0 : i32
      %dma_start3A_218 = arith.constant 0 : i32
      %dma_start3A_219 = tpu.memref_slice %arg4[%add3A_186, %dma_start3A_217, %run_scoped3A_187, %dma_start3A_218] : memref<1600x128x4x32xf32, #tpu.memory_space<hbm>> -> memref<1x128x1x32xf32, #tpu.memory_space<hbm>>
      %dma_start3A_220 = tpu.memref_squeeze %dma_start3A_219 : memref<1x128x1x32xf32, #tpu.memory_space<hbm>> -> memref<128x32xf32, #tpu.memory_space<hbm>>
      %dma_start3A_221 = arith.constant 0 : i32
      %dma_start3A_222 = arith.constant 0 : i32
      %dma_start3A_223 = tpu.memref_slice %arg4[%add3A_186, %dma_start3A_221, %run_scoped3A_187, %dma_start3A_222] : memref<1600x128x4x32xf32, #tpu.memory_space<hbm>> -> memref<1x128x1x32xf32, #tpu.memory_space<hbm>>
      %dma_start3A_224 = tpu.memref_squeeze %dma_start3A_223 : memref<1x128x1x32xf32, #tpu.memory_space<hbm>> -> memref<128x32xf32, #tpu.memory_space<hbm>>
      %dma_start3A_225 = arith.constant 256 : i32
      %dma_start3A_226 = arith.constant 0 : i32
      %dma_start3A_227 = tpu.memref_slice %arg6[%dma_start3A_225, %dma_start3A_226] : memref<1024x32xf32, #tpu.memory_space<vmem>> -> memref<128x32xf32, #tpu.memory_space<vmem>>
      tpu.enqueue_dma source(%dma_start3A_227 : memref<128x32xf32, #tpu.memory_space<vmem>>) target(%dma_start3A_224 : memref<128x32xf32, #tpu.memory_space<hbm>>) target_semaphore(%run_scoped3A_213 : memref<!tpu.dma_semaphore, #tpu.memory_space<semaphore_mem>>)
      %dma_wait3A_228 = arith.constant 256 : i32
      %dma_wait3A_229 = arith.constant 0 : i32
      %dma_wait3A_230 = tpu.memref_slice %arg6[%dma_wait3A_228, %dma_wait3A_229] : memref<1024x32xf32, #tpu.memory_space<vmem>> -> memref<128x32xf32, #tpu.memory_space<vmem>>
      %dma_wait3A_231 = arith.constant 0 : i32
      %dma_wait3A_232 = arith.constant 0 : i32
      %dma_wait3A_233 = tpu.memref_slice %arg4[%add3A_186, %dma_wait3A_231, %run_scoped3A_187, %dma_wait3A_232] : memref<1600x128x4x32xf32, #tpu.memory_space<hbm>> -> memref<1x128x1x32xf32, #tpu.memory_space<hbm>>
      %dma_wait3A_234 = tpu.memref_squeeze %dma_wait3A_233 : memref<1x128x1x32xf32, #tpu.memory_space<hbm>> -> memref<128x32xf32, #tpu.memory_space<hbm>>
      %dma_wait3A_235 = arith.constant 0 : i32
      %dma_wait3A_236 = arith.constant 0 : i32
      %dma_wait3A_237 = tpu.memref_slice %arg4[%add3A_186, %dma_wait3A_235, %run_scoped3A_187, %dma_wait3A_236] : memref<1600x128x4x32xf32, #tpu.memory_space<hbm>> -> memref<1x128x1x32xf32, #tpu.memory_space<hbm>>
      %dma_wait3A_238 = tpu.memref_squeeze %dma_wait3A_237 : memref<1x128x1x32xf32, #tpu.memory_space<hbm>> -> memref<128x32xf32, #tpu.memory_space<hbm>>
      %dma_wait3A_239 = arith.constant 256 : i32
      %dma_wait3A_240 = arith.constant 0 : i32
      %dma_wait3A_241 = tpu.memref_slice %arg6[%dma_wait3A_239, %dma_wait3A_240] : memref<1024x32xf32, #tpu.memory_space<vmem>> -> memref<128x32xf32, #tpu.memory_space<vmem>>
      tpu.wait_dma2 semaphore(%run_scoped3A_213 : memref<!tpu.dma_semaphore, #tpu.memory_space<semaphore_mem>>) src(%dma_wait3A_241 : memref<128x32xf32, #tpu.memory_space<vmem>>) dst(%dma_wait3A_238 : memref<128x32xf32, #tpu.memory_space<hbm>>)
      tpu.yield
    }) : () -> ()
    %add3A_188 = arith.constant 48 : i32
    %add3A_189 = arith.addi %mul3A_4, %add3A_188 : i32
    %add3A_190 = arith.constant 0 : i32
    %add3A_191 = arith.addi %add3A_189, %add3A_190 : i32
    %run_scoped3A_192 = arith.constant 3 : i32
    "tpu.region"() ({
      %run_scoped3A_213 = tpu.sem_alloc : memref<!tpu.dma_semaphore, #tpu.memory_space<semaphore_mem>>
      %dma_start3A_214 = arith.constant 384 : i32
      %dma_start3A_215 = arith.constant 0 : i32
      %dma_start3A_216 = tpu.memref_slice %arg6[%dma_start3A_214, %dma_start3A_215] : memref<1024x32xf32, #tpu.memory_space<vmem>> -> memref<128x32xf32, #tpu.memory_space<vmem>>
      %dma_start3A_217 = arith.constant 0 : i32
      %dma_start3A_218 = arith.constant 0 : i32
      %dma_start3A_219 = tpu.memref_slice %arg4[%add3A_191, %dma_start3A_217, %run_scoped3A_192, %dma_start3A_218] : memref<1600x128x4x32xf32, #tpu.memory_space<hbm>> -> memref<1x128x1x32xf32, #tpu.memory_space<hbm>>
      %dma_start3A_220 = tpu.memref_squeeze %dma_start3A_219 : memref<1x128x1x32xf32, #tpu.memory_space<hbm>> -> memref<128x32xf32, #tpu.memory_space<hbm>>
      %dma_start3A_221 = arith.constant 0 : i32
      %dma_start3A_222 = arith.constant 0 : i32
      %dma_start3A_223 = tpu.memref_slice %arg4[%add3A_191, %dma_start3A_221, %run_scoped3A_192, %dma_start3A_222] : memref<1600x128x4x32xf32, #tpu.memory_space<hbm>> -> memref<1x128x1x32xf32, #tpu.memory_space<hbm>>
      %dma_start3A_224 = tpu.memref_squeeze %dma_start3A_223 : memref<1x128x1x32xf32, #tpu.memory_space<hbm>> -> memref<128x32xf32, #tpu.memory_space<hbm>>
      %dma_start3A_225 = arith.constant 384 : i32
      %dma_start3A_226 = arith.constant 0 : i32
      %dma_start3A_227 = tpu.memref_slice %arg6[%dma_start3A_225, %dma_start3A_226] : memref<1024x32xf32, #tpu.memory_space<vmem>> -> memref<128x32xf32, #tpu.memory_space<vmem>>
      tpu.enqueue_dma source(%dma_start3A_227 : memref<128x32xf32, #tpu.memory_space<vmem>>) target(%dma_start3A_224 : memref<128x32xf32, #tpu.memory_space<hbm>>) target_semaphore(%run_scoped3A_213 : memref<!tpu.dma_semaphore, #tpu.memory_space<semaphore_mem>>)
      %dma_wait3A_228 = arith.constant 384 : i32
      %dma_wait3A_229 = arith.constant 0 : i32
      %dma_wait3A_230 = tpu.memref_slice %arg6[%dma_wait3A_228, %dma_wait3A_229] : memref<1024x32xf32, #tpu.memory_space<vmem>> -> memref<128x32xf32, #tpu.memory_space<vmem>>
      %dma_wait3A_231 = arith.constant 0 : i32
      %dma_wait3A_232 = arith.constant 0 : i32
      %dma_wait3A_233 = tpu.memref_slice %arg4[%add3A_191, %dma_wait3A_231, %run_scoped3A_192, %dma_wait3A_232] : memref<1600x128x4x32xf32, #tpu.memory_space<hbm>> -> memref<1x128x1x32xf32, #tpu.memory_space<hbm>>
      %dma_wait3A_234 = tpu.memref_squeeze %dma_wait3A_233 : memref<1x128x1x32xf32, #tpu.memory_space<hbm>> -> memref<128x32xf32, #tpu.memory_space<hbm>>
      %dma_wait3A_235 = arith.constant 0 : i32
      %dma_wait3A_236 = arith.constant 0 : i32
      %dma_wait3A_237 = tpu.memref_slice %arg4[%add3A_191, %dma_wait3A_235, %run_scoped3A_192, %dma_wait3A_236] : memref<1600x128x4x32xf32, #tpu.memory_space<hbm>> -> memref<1x128x1x32xf32, #tpu.memory_space<hbm>>
      %dma_wait3A_238 = tpu.memref_squeeze %dma_wait3A_237 : memref<1x128x1x32xf32, #tpu.memory_space<hbm>> -> memref<128x32xf32, #tpu.memory_space<hbm>>
      %dma_wait3A_239 = arith.constant 384 : i32
      %dma_wait3A_240 = arith.constant 0 : i32
      %dma_wait3A_241 = tpu.memref_slice %arg6[%dma_wait3A_239, %dma_wait3A_240] : memref<1024x32xf32, #tpu.memory_space<vmem>> -> memref<128x32xf32, #tpu.memory_space<vmem>>
      tpu.wait_dma2 semaphore(%run_scoped3A_213 : memref<!tpu.dma_semaphore, #tpu.memory_space<semaphore_mem>>) src(%dma_wait3A_241 : memref<128x32xf32, #tpu.memory_space<vmem>>) dst(%dma_wait3A_238 : memref<128x32xf32, #tpu.memory_space<hbm>>)
      tpu.yield
    }) : () -> ()
    %add3A_193 = arith.constant 48 : i32
    %add3A_194 = arith.addi %mul3A_4, %add3A_193 : i32
    %add3A_195 = arith.constant 1 : i32
    %add3A_196 = arith.addi %add3A_194, %add3A_195 : i32
    %run_scoped3A_197 = arith.constant 0 : i32
    "tpu.region"() ({
      %run_scoped3A_213 = tpu.sem_alloc : memref<!tpu.dma_semaphore, #tpu.memory_space<semaphore_mem>>
      %dma_start3A_214 = arith.constant 512 : i32
      %dma_start3A_215 = arith.constant 0 : i32
      %dma_start3A_216 = tpu.memref_slice %arg6[%dma_start3A_214, %dma_start3A_215] : memref<1024x32xf32, #tpu.memory_space<vmem>> -> memref<128x32xf32, #tpu.memory_space<vmem>>
      %dma_start3A_217 = arith.constant 0 : i32
      %dma_start3A_218 = arith.constant 0 : i32
      %dma_start3A_219 = tpu.memref_slice %arg4[%add3A_196, %dma_start3A_217, %run_scoped3A_197, %dma_start3A_218] : memref<1600x128x4x32xf32, #tpu.memory_space<hbm>> -> memref<1x128x1x32xf32, #tpu.memory_space<hbm>>
      %dma_start3A_220 = tpu.memref_squeeze %dma_start3A_219 : memref<1x128x1x32xf32, #tpu.memory_space<hbm>> -> memref<128x32xf32, #tpu.memory_space<hbm>>
      %dma_start3A_221 = arith.constant 0 : i32
      %dma_start3A_222 = arith.constant 0 : i32
      %dma_start3A_223 = tpu.memref_slice %arg4[%add3A_196, %dma_start3A_221, %run_scoped3A_197, %dma_start3A_222] : memref<1600x128x4x32xf32, #tpu.memory_space<hbm>> -> memref<1x128x1x32xf32, #tpu.memory_space<hbm>>
      %dma_start3A_224 = tpu.memref_squeeze %dma_start3A_223 : memref<1x128x1x32xf32, #tpu.memory_space<hbm>> -> memref<128x32xf32, #tpu.memory_space<hbm>>
      %dma_start3A_225 = arith.constant 512 : i32
      %dma_start3A_226 = arith.constant 0 : i32
      %dma_start3A_227 = tpu.memref_slice %arg6[%dma_start3A_225, %dma_start3A_226] : memref<1024x32xf32, #tpu.memory_space<vmem>> -> memref<128x32xf32, #tpu.memory_space<vmem>>
      tpu.enqueue_dma source(%dma_start3A_227 : memref<128x32xf32, #tpu.memory_space<vmem>>) target(%dma_start3A_224 : memref<128x32xf32, #tpu.memory_space<hbm>>) target_semaphore(%run_scoped3A_213 : memref<!tpu.dma_semaphore, #tpu.memory_space<semaphore_mem>>)
      %dma_wait3A_228 = arith.constant 512 : i32
      %dma_wait3A_229 = arith.constant 0 : i32
      %dma_wait3A_230 = tpu.memref_slice %arg6[%dma_wait3A_228, %dma_wait3A_229] : memref<1024x32xf32, #tpu.memory_space<vmem>> -> memref<128x32xf32, #tpu.memory_space<vmem>>
      %dma_wait3A_231 = arith.constant 0 : i32
      %dma_wait3A_232 = arith.constant 0 : i32
      %dma_wait3A_233 = tpu.memref_slice %arg4[%add3A_196, %dma_wait3A_231, %run_scoped3A_197, %dma_wait3A_232] : memref<1600x128x4x32xf32, #tpu.memory_space<hbm>> -> memref<1x128x1x32xf32, #tpu.memory_space<hbm>>
      %dma_wait3A_234 = tpu.memref_squeeze %dma_wait3A_233 : memref<1x128x1x32xf32, #tpu.memory_space<hbm>> -> memref<128x32xf32, #tpu.memory_space<hbm>>
      %dma_wait3A_235 = arith.constant 0 : i32
      %dma_wait3A_236 = arith.constant 0 : i32
      %dma_wait3A_237 = tpu.memref_slice %arg4[%add3A_196, %dma_wait3A_235, %run_scoped3A_197, %dma_wait3A_236] : memref<1600x128x4x32xf32, #tpu.memory_space<hbm>> -> memref<1x128x1x32xf32, #tpu.memory_space<hbm>>
      %dma_wait3A_238 = tpu.memref_squeeze %dma_wait3A_237 : memref<1x128x1x32xf32, #tpu.memory_space<hbm>> -> memref<128x32xf32, #tpu.memory_space<hbm>>
      %dma_wait3A_239 = arith.constant 512 : i32
      %dma_wait3A_240 = arith.constant 0 : i32
      %dma_wait3A_241 = tpu.memref_slice %arg6[%dma_wait3A_239, %dma_wait3A_240] : memref<1024x32xf32, #tpu.memory_space<vmem>> -> memref<128x32xf32, #tpu.memory_space<vmem>>
      tpu.wait_dma2 semaphore(%run_scoped3A_213 : memref<!tpu.dma_semaphore, #tpu.memory_space<semaphore_mem>>) src(%dma_wait3A_241 : memref<128x32xf32, #tpu.memory_space<vmem>>) dst(%dma_wait3A_238 : memref<128x32xf32, #tpu.memory_space<hbm>>)
      tpu.yield
    }) : () -> ()
    %add3A_198 = arith.constant 48 : i32
    %add3A_199 = arith.addi %mul3A_4, %add3A_198 : i32
    %add3A_200 = arith.constant 1 : i32
    %add3A_201 = arith.addi %add3A_199, %add3A_200 : i32
    %run_scoped3A_202 = arith.constant 1 : i32
    "tpu.region"() ({
      %run_scoped3A_213 = tpu.sem_alloc : memref<!tpu.dma_semaphore, #tpu.memory_space<semaphore_mem>>
      %dma_start3A_214 = arith.constant 640 : i32
      %dma_start3A_215 = arith.constant 0 : i32
      %dma_start3A_216 = tpu.memref_slice %arg6[%dma_start3A_214, %dma_start3A_215] : memref<1024x32xf32, #tpu.memory_space<vmem>> -> memref<128x32xf32, #tpu.memory_space<vmem>>
      %dma_start3A_217 = arith.constant 0 : i32
      %dma_start3A_218 = arith.constant 0 : i32
      %dma_start3A_219 = tpu.memref_slice %arg4[%add3A_201, %dma_start3A_217, %run_scoped3A_202, %dma_start3A_218] : memref<1600x128x4x32xf32, #tpu.memory_space<hbm>> -> memref<1x128x1x32xf32, #tpu.memory_space<hbm>>
      %dma_start3A_220 = tpu.memref_squeeze %dma_start3A_219 : memref<1x128x1x32xf32, #tpu.memory_space<hbm>> -> memref<128x32xf32, #tpu.memory_space<hbm>>
      %dma_start3A_221 = arith.constant 0 : i32
      %dma_start3A_222 = arith.constant 0 : i32
      %dma_start3A_223 = tpu.memref_slice %arg4[%add3A_201, %dma_start3A_221, %run_scoped3A_202, %dma_start3A_222] : memref<1600x128x4x32xf32, #tpu.memory_space<hbm>> -> memref<1x128x1x32xf32, #tpu.memory_space<hbm>>
      %dma_start3A_224 = tpu.memref_squeeze %dma_start3A_223 : memref<1x128x1x32xf32, #tpu.memory_space<hbm>> -> memref<128x32xf32, #tpu.memory_space<hbm>>
      %dma_start3A_225 = arith.constant 640 : i32
      %dma_start3A_226 = arith.constant 0 : i32
      %dma_start3A_227 = tpu.memref_slice %arg6[%dma_start3A_225, %dma_start3A_226] : memref<1024x32xf32, #tpu.memory_space<vmem>> -> memref<128x32xf32, #tpu.memory_space<vmem>>
      tpu.enqueue_dma source(%dma_start3A_227 : memref<128x32xf32, #tpu.memory_space<vmem>>) target(%dma_start3A_224 : memref<128x32xf32, #tpu.memory_space<hbm>>) target_semaphore(%run_scoped3A_213 : memref<!tpu.dma_semaphore, #tpu.memory_space<semaphore_mem>>)
      %dma_wait3A_228 = arith.constant 640 : i32
      %dma_wait3A_229 = arith.constant 0 : i32
      %dma_wait3A_230 = tpu.memref_slice %arg6[%dma_wait3A_228, %dma_wait3A_229] : memref<1024x32xf32, #tpu.memory_space<vmem>> -> memref<128x32xf32, #tpu.memory_space<vmem>>
      %dma_wait3A_231 = arith.constant 0 : i32
      %dma_wait3A_232 = arith.constant 0 : i32
      %dma_wait3A_233 = tpu.memref_slice %arg4[%add3A_201, %dma_wait3A_231, %run_scoped3A_202, %dma_wait3A_232] : memref<1600x128x4x32xf32, #tpu.memory_space<hbm>> -> memref<1x128x1x32xf32, #tpu.memory_space<hbm>>
      %dma_wait3A_234 = tpu.memref_squeeze %dma_wait3A_233 : memref<1x128x1x32xf32, #tpu.memory_space<hbm>> -> memref<128x32xf32, #tpu.memory_space<hbm>>
      %dma_wait3A_235 = arith.constant 0 : i32
      %dma_wait3A_236 = arith.constant 0 : i32
      %dma_wait3A_237 = tpu.memref_slice %arg4[%add3A_201, %dma_wait3A_235, %run_scoped3A_202, %dma_wait3A_236] : memref<1600x128x4x32xf32, #tpu.memory_space<hbm>> -> memref<1x128x1x32xf32, #tpu.memory_space<hbm>>
      %dma_wait3A_238 = tpu.memref_squeeze %dma_wait3A_237 : memref<1x128x1x32xf32, #tpu.memory_space<hbm>> -> memref<128x32xf32, #tpu.memory_space<hbm>>
      %dma_wait3A_239 = arith.constant 640 : i32
      %dma_wait3A_240 = arith.constant 0 : i32
      %dma_wait3A_241 = tpu.memref_slice %arg6[%dma_wait3A_239, %dma_wait3A_240] : memref<1024x32xf32, #tpu.memory_space<vmem>> -> memref<128x32xf32, #tpu.memory_space<vmem>>
      tpu.wait_dma2 semaphore(%run_scoped3A_213 : memref<!tpu.dma_semaphore, #tpu.memory_space<semaphore_mem>>) src(%dma_wait3A_241 : memref<128x32xf32, #tpu.memory_space<vmem>>) dst(%dma_wait3A_238 : memref<128x32xf32, #tpu.memory_space<hbm>>)
      tpu.yield
    }) : () -> ()
    %add3A_203 = arith.constant 48 : i32
    %add3A_204 = arith.addi %mul3A_4, %add3A_203 : i32
    %add3A_205 = arith.constant 1 : i32
    %add3A_206 = arith.addi %add3A_204, %add3A_205 : i32
    %run_scoped3A_207 = arith.constant 2 : i32
    "tpu.region"() ({
      %run_scoped3A_213 = tpu.sem_alloc : memref<!tpu.dma_semaphore, #tpu.memory_space<semaphore_mem>>
      %dma_start3A_214 = arith.constant 768 : i32
      %dma_start3A_215 = arith.constant 0 : i32
      %dma_start3A_216 = tpu.memref_slice %arg6[%dma_start3A_214, %dma_start3A_215] : memref<1024x32xf32, #tpu.memory_space<vmem>> -> memref<128x32xf32, #tpu.memory_space<vmem>>
      %dma_start3A_217 = arith.constant 0 : i32
      %dma_start3A_218 = arith.constant 0 : i32
      %dma_start3A_219 = tpu.memref_slice %arg4[%add3A_206, %dma_start3A_217, %run_scoped3A_207, %dma_start3A_218] : memref<1600x128x4x32xf32, #tpu.memory_space<hbm>> -> memref<1x128x1x32xf32, #tpu.memory_space<hbm>>
      %dma_start3A_220 = tpu.memref_squeeze %dma_start3A_219 : memref<1x128x1x32xf32, #tpu.memory_space<hbm>> -> memref<128x32xf32, #tpu.memory_space<hbm>>
      %dma_start3A_221 = arith.constant 0 : i32
      %dma_start3A_222 = arith.constant 0 : i32
      %dma_start3A_223 = tpu.memref_slice %arg4[%add3A_206, %dma_start3A_221, %run_scoped3A_207, %dma_start3A_222] : memref<1600x128x4x32xf32, #tpu.memory_space<hbm>> -> memref<1x128x1x32xf32, #tpu.memory_space<hbm>>
      %dma_start3A_224 = tpu.memref_squeeze %dma_start3A_223 : memref<1x128x1x32xf32, #tpu.memory_space<hbm>> -> memref<128x32xf32, #tpu.memory_space<hbm>>
      %dma_start3A_225 = arith.constant 768 : i32
      %dma_start3A_226 = arith.constant 0 : i32
      %dma_start3A_227 = tpu.memref_slice %arg6[%dma_start3A_225, %dma_start3A_226] : memref<1024x32xf32, #tpu.memory_space<vmem>> -> memref<128x32xf32, #tpu.memory_space<vmem>>
      tpu.enqueue_dma source(%dma_start3A_227 : memref<128x32xf32, #tpu.memory_space<vmem>>) target(%dma_start3A_224 : memref<128x32xf32, #tpu.memory_space<hbm>>) target_semaphore(%run_scoped3A_213 : memref<!tpu.dma_semaphore, #tpu.memory_space<semaphore_mem>>)
      %dma_wait3A_228 = arith.constant 768 : i32
      %dma_wait3A_229 = arith.constant 0 : i32
      %dma_wait3A_230 = tpu.memref_slice %arg6[%dma_wait3A_228, %dma_wait3A_229] : memref<1024x32xf32, #tpu.memory_space<vmem>> -> memref<128x32xf32, #tpu.memory_space<vmem>>
      %dma_wait3A_231 = arith.constant 0 : i32
      %dma_wait3A_232 = arith.constant 0 : i32
      %dma_wait3A_233 = tpu.memref_slice %arg4[%add3A_206, %dma_wait3A_231, %run_scoped3A_207, %dma_wait3A_232] : memref<1600x128x4x32xf32, #tpu.memory_space<hbm>> -> memref<1x128x1x32xf32, #tpu.memory_space<hbm>>
      %dma_wait3A_234 = tpu.memref_squeeze %dma_wait3A_233 : memref<1x128x1x32xf32, #tpu.memory_space<hbm>> -> memref<128x32xf32, #tpu.memory_space<hbm>>
      %dma_wait3A_235 = arith.constant 0 : i32
      %dma_wait3A_236 = arith.constant 0 : i32
      %dma_wait3A_237 = tpu.memref_slice %arg4[%add3A_206, %dma_wait3A_235, %run_scoped3A_207, %dma_wait3A_236] : memref<1600x128x4x32xf32, #tpu.memory_space<hbm>> -> memref<1x128x1x32xf32, #tpu.memory_space<hbm>>
      %dma_wait3A_238 = tpu.memref_squeeze %dma_wait3A_237 : memref<1x128x1x32xf32, #tpu.memory_space<hbm>> -> memref<128x32xf32, #tpu.memory_space<hbm>>
      %dma_wait3A_239 = arith.constant 768 : i32
      %dma_wait3A_240 = arith.constant 0 : i32
      %dma_wait3A_241 = tpu.memref_slice %arg6[%dma_wait3A_239, %dma_wait3A_240] : memref<1024x32xf32, #tpu.memory_space<vmem>> -> memref<128x32xf32, #tpu.memory_space<vmem>>
      tpu.wait_dma2 semaphore(%run_scoped3A_213 : memref<!tpu.dma_semaphore, #tpu.memory_space<semaphore_mem>>) src(%dma_wait3A_241 : memref<128x32xf32, #tpu.memory_space<vmem>>) dst(%dma_wait3A_238 : memref<128x32xf32, #tpu.memory_space<hbm>>)
      tpu.yield
    }) : () -> ()
    %add3A_208 = arith.constant 48 : i32
    %add3A_209 = arith.addi %mul3A_4, %add3A_208 : i32
    %add3A_210 = arith.constant 1 : i32
    %add3A_211 = arith.addi %add3A_209, %add3A_210 : i32
    %run_scoped3A_212 = arith.constant 3 : i32
    "tpu.region"() ({
      %run_scoped3A_213 = tpu.sem_alloc : memref<!tpu.dma_semaphore, #tpu.memory_space<semaphore_mem>>
      %dma_start3A_214 = arith.constant 896 : i32
      %dma_start3A_215 = arith.constant 0 : i32
      %dma_start3A_216 = tpu.memref_slice %arg6[%dma_start3A_214, %dma_start3A_215] : memref<1024x32xf32, #tpu.memory_space<vmem>> -> memref<128x32xf32, #tpu.memory_space<vmem>>
      %dma_start3A_217 = arith.constant 0 : i32
      %dma_start3A_218 = arith.constant 0 : i32
      %dma_start3A_219 = tpu.memref_slice %arg4[%add3A_211, %dma_start3A_217, %run_scoped3A_212, %dma_start3A_218] : memref<1600x128x4x32xf32, #tpu.memory_space<hbm>> -> memref<1x128x1x32xf32, #tpu.memory_space<hbm>>
      %dma_start3A_220 = tpu.memref_squeeze %dma_start3A_219 : memref<1x128x1x32xf32, #tpu.memory_space<hbm>> -> memref<128x32xf32, #tpu.memory_space<hbm>>
      %dma_start3A_221 = arith.constant 0 : i32
      %dma_start3A_222 = arith.constant 0 : i32
      %dma_start3A_223 = tpu.memref_slice %arg4[%add3A_211, %dma_start3A_221, %run_scoped3A_212, %dma_start3A_222] : memref<1600x128x4x32xf32, #tpu.memory_space<hbm>> -> memref<1x128x1x32xf32, #tpu.memory_space<hbm>>
      %dma_start3A_224 = tpu.memref_squeeze %dma_start3A_223 : memref<1x128x1x32xf32, #tpu.memory_space<hbm>> -> memref<128x32xf32, #tpu.memory_space<hbm>>
      %dma_start3A_225 = arith.constant 896 : i32
      %dma_start3A_226 = arith.constant 0 : i32
      %dma_start3A_227 = tpu.memref_slice %arg6[%dma_start3A_225, %dma_start3A_226] : memref<1024x32xf32, #tpu.memory_space<vmem>> -> memref<128x32xf32, #tpu.memory_space<vmem>>
      tpu.enqueue_dma source(%dma_start3A_227 : memref<128x32xf32, #tpu.memory_space<vmem>>) target(%dma_start3A_224 : memref<128x32xf32, #tpu.memory_space<hbm>>) target_semaphore(%run_scoped3A_213 : memref<!tpu.dma_semaphore, #tpu.memory_space<semaphore_mem>>)
      %dma_wait3A_228 = arith.constant 896 : i32
      %dma_wait3A_229 = arith.constant 0 : i32
      %dma_wait3A_230 = tpu.memref_slice %arg6[%dma_wait3A_228, %dma_wait3A_229] : memref<1024x32xf32, #tpu.memory_space<vmem>> -> memref<128x32xf32, #tpu.memory_space<vmem>>
      %dma_wait3A_231 = arith.constant 0 : i32
      %dma_wait3A_232 = arith.constant 0 : i32
      %dma_wait3A_233 = tpu.memref_slice %arg4[%add3A_211, %dma_wait3A_231, %run_scoped3A_212, %dma_wait3A_232] : memref<1600x128x4x32xf32, #tpu.memory_space<hbm>> -> memref<1x128x1x32xf32, #tpu.memory_space<hbm>>
      %dma_wait3A_234 = tpu.memref_squeeze %dma_wait3A_233 : memref<1x128x1x32xf32, #tpu.memory_space<hbm>> -> memref<128x32xf32, #tpu.memory_space<hbm>>
      %dma_wait3A_235 = arith.constant 0 : i32
      %dma_wait3A_236 = arith.constant 0 : i32
      %dma_wait3A_237 = tpu.memref_slice %arg4[%add3A_211, %dma_wait3A_235, %run_scoped3A_212, %dma_wait3A_236] : memref<1600x128x4x32xf32, #tpu.memory_space<hbm>> -> memref<1x128x1x32xf32, #tpu.memory_space<hbm>>
      %dma_wait3A_238 = tpu.memref_squeeze %dma_wait3A_237 : memref<1x128x1x32xf32, #tpu.memory_space<hbm>> -> memref<128x32xf32, #tpu.memory_space<hbm>>
      %dma_wait3A_239 = arith.constant 896 : i32
      %dma_wait3A_240 = arith.constant 0 : i32
      %dma_wait3A_241 = tpu.memref_slice %arg6[%dma_wait3A_239, %dma_wait3A_240] : memref<1024x32xf32, #tpu.memory_space<vmem>> -> memref<128x32xf32, #tpu.memory_space<vmem>>
      tpu.wait_dma2 semaphore(%run_scoped3A_213 : memref<!tpu.dma_semaphore, #tpu.memory_space<semaphore_mem>>) src(%dma_wait3A_241 : memref<128x32xf32, #tpu.memory_space<vmem>>) dst(%dma_wait3A_238 : memref<128x32xf32, #tpu.memory_space<hbm>>)
      tpu.yield
    }) : () -> ()
    return
  }
}

module attributes {stable_mosaic.version = 14 : i64} {
  func.func @_pack_body(%arg0: i32, %arg1: memref<32x16384xf32, #tpu.memory_space<vmem>>, %arg2: memref<16384x128xf32, #tpu.memory_space<vmem>>) attributes {dimension_semantics = [#tpu.dimension_semantics<arbitrary>], iteration_bounds = array<i64: 62>, scalar_prefetch = 0 : i64, scratch_operands = 0 : i64, tpu.core_type = #tpu.core_type<tc>, window_params = [{transform_indices = @transform_0, window_bounds = array<i64: 32, 16384>}, {transform_indices = @transform_1, window_bounds = array<i64: 16384, 128>}]} {
    %get3A = arith.constant 0 : index
    %get3A_0 = arith.constant 0 : index
    %get3A_1 = vector.load %arg1[%get3A, %get3A_0] : memref<32x16384xf32, #tpu.memory_space<vmem>>, vector<32x16384xf32>
    %transpose3A = tpu.transpose %get3A_1, [1, 0] : vector<32x16384xf32> -> vector<16384x32xf32>
    %swap3A = arith.constant 0 : index
    %swap3A_2 = arith.constant 0 : index
    %swap3A_3 = vector.load %arg2[%swap3A, %swap3A_2] : memref<16384x128xf32, #tpu.memory_space<vmem>>, vector<16384x32xf32>
    tpu.vector_store %arg2[%swap3A, %swap3A_2], %transpose3A {strides = array<i32>} : memref<16384x128xf32, #tpu.memory_space<vmem>>, vector<16384x32xf32>,
    return
  }
  func.func @transform_0(%arg0: i32) -> (i32, i32) {
    %c0_i32 = arith.constant 0 : i32
    %c0_i32_0 = arith.constant 0 : i32
    return %c0_i32, %arg0 : i32, i32
  }
  func.func @transform_1(%arg0: i32) -> (i32, i32) {
    %c0_i32 = arith.constant 0 : i32
    %c0_i32_0 = arith.constant 0 : i32
    return %arg0, %c0_i32 : i32, i32
  }
}

module attributes {stable_mosaic.version = 14 : i64} {
  func.func @_tr_body(%arg0: i32, %arg1: i32, %arg2: memref<4096x128xf32, #tpu.memory_space<vmem>>, %arg3: memref<1x32x16384xf32, #tpu.memory_space<vmem>>) attributes {dimension_semantics = [#tpu.dimension_semantics<arbitrary>, #tpu.dimension_semantics<arbitrary>], iteration_bounds = array<i64: 50, 1>, scalar_prefetch = 0 : i64, scratch_operands = 0 : i64, tpu.core_type = #tpu.core_type<tc>, window_params = [{transform_indices = @transform_0, window_bounds = array<i64: 4096, 128>}, {transform_indices = @transform_1, window_bounds = array<i64: 1, 32, 16384>}]} {
    %get3A = arith.constant 0 : index
    %get3A_0 = arith.constant 0 : index
    %get3A_1 = vector.load %arg2[%get3A, %get3A_0] : memref<4096x128xf32, #tpu.memory_space<vmem>>, vector<4096x128xf32>
    %transpose3A = tpu.transpose %get3A_1, [1, 0] : vector<4096x128xf32> -> vector<128x4096xf32>
    %slice3A = vector.extract_strided_slice %transpose3A {offsets = [0, 0], sizes = [32, 128], strides = [1, 1]} : vector<128x4096xf32> to vector<32x128xf32>
    %swap3A = arith.constant 0 : index
    %swap3A_2 = arith.constant 0 : index
    %swap3A_3 = arith.constant 0 : index
    %swap3A_4 = vector.load %arg3[%swap3A, %swap3A_2, %swap3A_3] : memref<1x32x16384xf32, #tpu.memory_space<vmem>>, vector<1x32x128xf32>
    %swap3A_5 = vector.shape_cast %swap3A_4 : vector<1x32x128xf32> to vector<32x128xf32>
    %swap3A_6 = vector.shape_cast %slice3A : vector<32x128xf32> to vector<1x32x128xf32>
    tpu.vector_store %arg3[%swap3A, %swap3A_2, %swap3A_3], %swap3A_6 {strides = array<i32>} : memref<1x32x16384xf32, #tpu.memory_space<vmem>>, vector<1x32x128xf32>,
    %slice3A_7 = vector.extract_strided_slice %transpose3A {offsets = [0, 128], sizes = [32, 128], strides = [1, 1]} : vector<128x4096xf32> to vector<32x128xf32>
    %swap3A_8 = arith.constant 0 : index
    %swap3A_9 = arith.constant 0 : index
    %swap3A_10 = arith.constant 512 : index
    %swap3A_11 = vector.load %arg3[%swap3A_8, %swap3A_9, %swap3A_10] : memref<1x32x16384xf32, #tpu.memory_space<vmem>>, vector<1x32x128xf32>
    %swap3A_12 = vector.shape_cast %swap3A_11 : vector<1x32x128xf32> to vector<32x128xf32>
    %swap3A_13 = vector.shape_cast %slice3A_7 : vector<32x128xf32> to vector<1x32x128xf32>
    tpu.vector_store %arg3[%swap3A_8, %swap3A_9, %swap3A_10], %swap3A_13 {strides = array<i32>} : memref<1x32x16384xf32, #tpu.memory_space<vmem>>, vector<1x32x128xf32>,
    %slice3A_14 = vector.extract_strided_slice %transpose3A {offsets = [0, 256], sizes = [32, 128], strides = [1, 1]} : vector<128x4096xf32> to vector<32x128xf32>
    %swap3A_15 = arith.constant 0 : index
    %swap3A_16 = arith.constant 0 : index
    %swap3A_17 = arith.constant 1024 : index
    %swap3A_18 = vector.load %arg3[%swap3A_15, %swap3A_16, %swap3A_17] : memref<1x32x16384xf32, #tpu.memory_space<vmem>>, vector<1x32x128xf32>
    %swap3A_19 = vector.shape_cast %swap3A_18 : vector<1x32x128xf32> to vector<32x128xf32>
    %swap3A_20 = vector.shape_cast %slice3A_14 : vector<32x128xf32> to vector<1x32x128xf32>
    tpu.vector_store %arg3[%swap3A_15, %swap3A_16, %swap3A_17], %swap3A_20 {strides = array<i32>} : memref<1x32x16384xf32, #tpu.memory_space<vmem>>, vector<1x32x128xf32>,
    %slice3A_21 = vector.extract_strided_slice %transpose3A {offsets = [0, 384], sizes = [32, 128], strides = [1, 1]} : vector<128x4096xf32> to vector<32x128xf32>
    %swap3A_22 = arith.constant 0 : index
    %swap3A_23 = arith.constant 0 : index
    %swap3A_24 = arith.constant 1536 : index
    %swap3A_25 = vector.load %arg3[%swap3A_22, %swap3A_23, %swap3A_24] : memref<1x32x16384xf32, #tpu.memory_space<vmem>>, vector<1x32x128xf32>
    %swap3A_26 = vector.shape_cast %swap3A_25 : vector<1x32x128xf32> to vector<32x128xf32>
    %swap3A_27 = vector.shape_cast %slice3A_21 : vector<32x128xf32> to vector<1x32x128xf32>
    tpu.vector_store %arg3[%swap3A_22, %swap3A_23, %swap3A_24], %swap3A_27 {strides = array<i32>} : memref<1x32x16384xf32, #tpu.memory_space<vmem>>, vector<1x32x128xf32>,
    %slice3A_28 = vector.extract_strided_slice %transpose3A {offsets = [0, 512], sizes = [32, 128], strides = [1, 1]} : vector<128x4096xf32> to vector<32x128xf32>
    %swap3A_29 = arith.constant 0 : index
    %swap3A_30 = arith.constant 0 : index
    %swap3A_31 = arith.constant 2048 : index
    %swap3A_32 = vector.load %arg3[%swap3A_29, %swap3A_30, %swap3A_31] : memref<1x32x16384xf32, #tpu.memory_space<vmem>>, vector<1x32x128xf32>
    %swap3A_33 = vector.shape_cast %swap3A_32 : vector<1x32x128xf32> to vector<32x128xf32>
    %swap3A_34 = vector.shape_cast %slice3A_28 : vector<32x128xf32> to vector<1x32x128xf32>
    tpu.vector_store %arg3[%swap3A_29, %swap3A_30, %swap3A_31], %swap3A_34 {strides = array<i32>} : memref<1x32x16384xf32, #tpu.memory_space<vmem>>, vector<1x32x128xf32>,
    %slice3A_35 = vector.extract_strided_slice %transpose3A {offsets = [0, 640], sizes = [32, 128], strides = [1, 1]} : vector<128x4096xf32> to vector<32x128xf32>
    %swap3A_36 = arith.constant 0 : index
    %swap3A_37 = arith.constant 0 : index
    %swap3A_38 = arith.constant 2560 : index
    %swap3A_39 = vector.load %arg3[%swap3A_36, %swap3A_37, %swap3A_38] : memref<1x32x16384xf32, #tpu.memory_space<vmem>>, vector<1x32x128xf32>
    %swap3A_40 = vector.shape_cast %swap3A_39 : vector<1x32x128xf32> to vector<32x128xf32>
    %swap3A_41 = vector.shape_cast %slice3A_35 : vector<32x128xf32> to vector<1x32x128xf32>
    tpu.vector_store %arg3[%swap3A_36, %swap3A_37, %swap3A_38], %swap3A_41 {strides = array<i32>} : memref<1x32x16384xf32, #tpu.memory_space<vmem>>, vector<1x32x128xf32>,
    %slice3A_42 = vector.extract_strided_slice %transpose3A {offsets = [0, 768], sizes = [32, 128], strides = [1, 1]} : vector<128x4096xf32> to vector<32x128xf32>
    %swap3A_43 = arith.constant 0 : index
    %swap3A_44 = arith.constant 0 : index
    %swap3A_45 = arith.constant 3072 : index
    %swap3A_46 = vector.load %arg3[%swap3A_43, %swap3A_44, %swap3A_45] : memref<1x32x16384xf32, #tpu.memory_space<vmem>>, vector<1x32x128xf32>
    %swap3A_47 = vector.shape_cast %swap3A_46 : vector<1x32x128xf32> to vector<32x128xf32>
    %swap3A_48 = vector.shape_cast %slice3A_42 : vector<32x128xf32> to vector<1x32x128xf32>
    tpu.vector_store %arg3[%swap3A_43, %swap3A_44, %swap3A_45], %swap3A_48 {strides = array<i32>} : memref<1x32x16384xf32, #tpu.memory_space<vmem>>, vector<1x32x128xf32>,
    %slice3A_49 = vector.extract_strided_slice %transpose3A {offsets = [0, 896], sizes = [32, 128], strides = [1, 1]} : vector<128x4096xf32> to vector<32x128xf32>
    %swap3A_50 = arith.constant 0 : index
    %swap3A_51 = arith.constant 0 : index
    %swap3A_52 = arith.constant 3584 : index
    %swap3A_53 = vector.load %arg3[%swap3A_50, %swap3A_51, %swap3A_52] : memref<1x32x16384xf32, #tpu.memory_space<vmem>>, vector<1x32x128xf32>
    %swap3A_54 = vector.shape_cast %swap3A_53 : vector<1x32x128xf32> to vector<32x128xf32>
    %swap3A_55 = vector.shape_cast %slice3A_49 : vector<32x128xf32> to vector<1x32x128xf32>
    tpu.vector_store %arg3[%swap3A_50, %swap3A_51, %swap3A_52], %swap3A_55 {strides = array<i32>} : memref<1x32x16384xf32, #tpu.memory_space<vmem>>, vector<1x32x128xf32>,
    %slice3A_56 = vector.extract_strided_slice %transpose3A {offsets = [0, 1024], sizes = [32, 128], strides = [1, 1]} : vector<128x4096xf32> to vector<32x128xf32>
    %swap3A_57 = arith.constant 0 : index
    %swap3A_58 = arith.constant 0 : index
    %swap3A_59 = arith.constant 4096 : index
    %swap3A_60 = vector.load %arg3[%swap3A_57, %swap3A_58, %swap3A_59] : memref<1x32x16384xf32, #tpu.memory_space<vmem>>, vector<1x32x128xf32>
    %swap3A_61 = vector.shape_cast %swap3A_60 : vector<1x32x128xf32> to vector<32x128xf32>
    %swap3A_62 = vector.shape_cast %slice3A_56 : vector<32x128xf32> to vector<1x32x128xf32>
    tpu.vector_store %arg3[%swap3A_57, %swap3A_58, %swap3A_59], %swap3A_62 {strides = array<i32>} : memref<1x32x16384xf32, #tpu.memory_space<vmem>>, vector<1x32x128xf32>,
    %slice3A_63 = vector.extract_strided_slice %transpose3A {offsets = [0, 1152], sizes = [32, 128], strides = [1, 1]} : vector<128x4096xf32> to vector<32x128xf32>
    %swap3A_64 = arith.constant 0 : index
    %swap3A_65 = arith.constant 0 : index
    %swap3A_66 = arith.constant 4608 : index
    %swap3A_67 = vector.load %arg3[%swap3A_64, %swap3A_65, %swap3A_66] : memref<1x32x16384xf32, #tpu.memory_space<vmem>>, vector<1x32x128xf32>
    %swap3A_68 = vector.shape_cast %swap3A_67 : vector<1x32x128xf32> to vector<32x128xf32>
    %swap3A_69 = vector.shape_cast %slice3A_63 : vector<32x128xf32> to vector<1x32x128xf32>
    tpu.vector_store %arg3[%swap3A_64, %swap3A_65, %swap3A_66], %swap3A_69 {strides = array<i32>} : memref<1x32x16384xf32, #tpu.memory_space<vmem>>, vector<1x32x128xf32>,
    %slice3A_70 = vector.extract_strided_slice %transpose3A {offsets = [0, 1280], sizes = [32, 128], strides = [1, 1]} : vector<128x4096xf32> to vector<32x128xf32>
    %swap3A_71 = arith.constant 0 : index
    %swap3A_72 = arith.constant 0 : index
    %swap3A_73 = arith.constant 5120 : index
    %swap3A_74 = vector.load %arg3[%swap3A_71, %swap3A_72, %swap3A_73] : memref<1x32x16384xf32, #tpu.memory_space<vmem>>, vector<1x32x128xf32>
    %swap3A_75 = vector.shape_cast %swap3A_74 : vector<1x32x128xf32> to vector<32x128xf32>
    %swap3A_76 = vector.shape_cast %slice3A_70 : vector<32x128xf32> to vector<1x32x128xf32>
    tpu.vector_store %arg3[%swap3A_71, %swap3A_72, %swap3A_73], %swap3A_76 {strides = array<i32>} : memref<1x32x16384xf32, #tpu.memory_space<vmem>>, vector<1x32x128xf32>,
    %slice3A_77 = vector.extract_strided_slice %transpose3A {offsets = [0, 1408], sizes = [32, 128], strides = [1, 1]} : vector<128x4096xf32> to vector<32x128xf32>
    %swap3A_78 = arith.constant 0 : index
    %swap3A_79 = arith.constant 0 : index
    %swap3A_80 = arith.constant 5632 : index
    %swap3A_81 = vector.load %arg3[%swap3A_78, %swap3A_79, %swap3A_80] : memref<1x32x16384xf32, #tpu.memory_space<vmem>>, vector<1x32x128xf32>
    %swap3A_82 = vector.shape_cast %swap3A_81 : vector<1x32x128xf32> to vector<32x128xf32>
    %swap3A_83 = vector.shape_cast %slice3A_77 : vector<32x128xf32> to vector<1x32x128xf32>
    tpu.vector_store %arg3[%swap3A_78, %swap3A_79, %swap3A_80], %swap3A_83 {strides = array<i32>} : memref<1x32x16384xf32, #tpu.memory_space<vmem>>, vector<1x32x128xf32>,
    %slice3A_84 = vector.extract_strided_slice %transpose3A {offsets = [0, 1536], sizes = [32, 128], strides = [1, 1]} : vector<128x4096xf32> to vector<32x128xf32>
    %swap3A_85 = arith.constant 0 : index
    %swap3A_86 = arith.constant 0 : index
    %swap3A_87 = arith.constant 6144 : index
    %swap3A_88 = vector.load %arg3[%swap3A_85, %swap3A_86, %swap3A_87] : memref<1x32x16384xf32, #tpu.memory_space<vmem>>, vector<1x32x128xf32>
    %swap3A_89 = vector.shape_cast %swap3A_88 : vector<1x32x128xf32> to vector<32x128xf32>
    %swap3A_90 = vector.shape_cast %slice3A_84 : vector<32x128xf32> to vector<1x32x128xf32>
    tpu.vector_store %arg3[%swap3A_85, %swap3A_86, %swap3A_87], %swap3A_90 {strides = array<i32>} : memref<1x32x16384xf32, #tpu.memory_space<vmem>>, vector<1x32x128xf32>,
    %slice3A_91 = vector.extract_strided_slice %transpose3A {offsets = [0, 1664], sizes = [32, 128], strides = [1, 1]} : vector<128x4096xf32> to vector<32x128xf32>
    %swap3A_92 = arith.constant 0 : index
    %swap3A_93 = arith.constant 0 : index
    %swap3A_94 = arith.constant 6656 : index
    %swap3A_95 = vector.load %arg3[%swap3A_92, %swap3A_93, %swap3A_94] : memref<1x32x16384xf32, #tpu.memory_space<vmem>>, vector<1x32x128xf32>
    %swap3A_96 = vector.shape_cast %swap3A_95 : vector<1x32x128xf32> to vector<32x128xf32>
    %swap3A_97 = vector.shape_cast %slice3A_91 : vector<32x128xf32> to vector<1x32x128xf32>
    tpu.vector_store %arg3[%swap3A_92, %swap3A_93, %swap3A_94], %swap3A_97 {strides = array<i32>} : memref<1x32x16384xf32, #tpu.memory_space<vmem>>, vector<1x32x128xf32>,
    %slice3A_98 = vector.extract_strided_slice %transpose3A {offsets = [0, 1792], sizes = [32, 128], strides = [1, 1]} : vector<128x4096xf32> to vector<32x128xf32>
    %swap3A_99 = arith.constant 0 : index
    %swap3A_100 = arith.constant 0 : index
    %swap3A_101 = arith.constant 7168 : index
    %swap3A_102 = vector.load %arg3[%swap3A_99, %swap3A_100, %swap3A_101] : memref<1x32x16384xf32, #tpu.memory_space<vmem>>, vector<1x32x128xf32>
    %swap3A_103 = vector.shape_cast %swap3A_102 : vector<1x32x128xf32> to vector<32x128xf32>
    %swap3A_104 = vector.shape_cast %slice3A_98 : vector<32x128xf32> to vector<1x32x128xf32>
    tpu.vector_store %arg3[%swap3A_99, %swap3A_100, %swap3A_101], %swap3A_104 {strides = array<i32>} : memref<1x32x16384xf32, #tpu.memory_space<vmem>>, vector<1x32x128xf32>,
    %slice3A_105 = vector.extract_strided_slice %transpose3A {offsets = [0, 1920], sizes = [32, 128], strides = [1, 1]} : vector<128x4096xf32> to vector<32x128xf32>
    %swap3A_106 = arith.constant 0 : index
    %swap3A_107 = arith.constant 0 : index
    %swap3A_108 = arith.constant 7680 : index
    %swap3A_109 = vector.load %arg3[%swap3A_106, %swap3A_107, %swap3A_108] : memref<1x32x16384xf32, #tpu.memory_space<vmem>>, vector<1x32x128xf32>
    %swap3A_110 = vector.shape_cast %swap3A_109 : vector<1x32x128xf32> to vector<32x128xf32>
    %swap3A_111 = vector.shape_cast %slice3A_105 : vector<32x128xf32> to vector<1x32x128xf32>
    tpu.vector_store %arg3[%swap3A_106, %swap3A_107, %swap3A_108], %swap3A_111 {strides = array<i32>} : memref<1x32x16384xf32, #tpu.memory_space<vmem>>, vector<1x32x128xf32>,
    %slice3A_112 = vector.extract_strided_slice %transpose3A {offsets = [0, 2048], sizes = [32, 128], strides = [1, 1]} : vector<128x4096xf32> to vector<32x128xf32>
    %swap3A_113 = arith.constant 0 : index
    %swap3A_114 = arith.constant 0 : index
    %swap3A_115 = arith.constant 8192 : index
    %swap3A_116 = vector.load %arg3[%swap3A_113, %swap3A_114, %swap3A_115] : memref<1x32x16384xf32, #tpu.memory_space<vmem>>, vector<1x32x128xf32>
    %swap3A_117 = vector.shape_cast %swap3A_116 : vector<1x32x128xf32> to vector<32x128xf32>
    %swap3A_118 = vector.shape_cast %slice3A_112 : vector<32x128xf32> to vector<1x32x128xf32>
    tpu.vector_store %arg3[%swap3A_113, %swap3A_114, %swap3A_115], %swap3A_118 {strides = array<i32>} : memref<1x32x16384xf32, #tpu.memory_space<vmem>>, vector<1x32x128xf32>,
    %slice3A_119 = vector.extract_strided_slice %transpose3A {offsets = [0, 2176], sizes = [32, 128], strides = [1, 1]} : vector<128x4096xf32> to vector<32x128xf32>
    %swap3A_120 = arith.constant 0 : index
    %swap3A_121 = arith.constant 0 : index
    %swap3A_122 = arith.constant 8704 : index
    %swap3A_123 = vector.load %arg3[%swap3A_120, %swap3A_121, %swap3A_122] : memref<1x32x16384xf32, #tpu.memory_space<vmem>>, vector<1x32x128xf32>
    %swap3A_124 = vector.shape_cast %swap3A_123 : vector<1x32x128xf32> to vector<32x128xf32>
    %swap3A_125 = vector.shape_cast %slice3A_119 : vector<32x128xf32> to vector<1x32x128xf32>
    tpu.vector_store %arg3[%swap3A_120, %swap3A_121, %swap3A_122], %swap3A_125 {strides = array<i32>} : memref<1x32x16384xf32, #tpu.memory_space<vmem>>, vector<1x32x128xf32>,
    %slice3A_126 = vector.extract_strided_slice %transpose3A {offsets = [0, 2304], sizes = [32, 128], strides = [1, 1]} : vector<128x4096xf32> to vector<32x128xf32>
    %swap3A_127 = arith.constant 0 : index
    %swap3A_128 = arith.constant 0 : index
    %swap3A_129 = arith.constant 9216 : index
    %swap3A_130 = vector.load %arg3[%swap3A_127, %swap3A_128, %swap3A_129] : memref<1x32x16384xf32, #tpu.memory_space<vmem>>, vector<1x32x128xf32>
    %swap3A_131 = vector.shape_cast %swap3A_130 : vector<1x32x128xf32> to vector<32x128xf32>
    %swap3A_132 = vector.shape_cast %slice3A_126 : vector<32x128xf32> to vector<1x32x128xf32>
    tpu.vector_store %arg3[%swap3A_127, %swap3A_128, %swap3A_129], %swap3A_132 {strides = array<i32>} : memref<1x32x16384xf32, #tpu.memory_space<vmem>>, vector<1x32x128xf32>,
    %slice3A_133 = vector.extract_strided_slice %transpose3A {offsets = [0, 2432], sizes = [32, 128], strides = [1, 1]} : vector<128x4096xf32> to vector<32x128xf32>
    %swap3A_134 = arith.constant 0 : index
    %swap3A_135 = arith.constant 0 : index
    %swap3A_136 = arith.constant 9728 : index
    %swap3A_137 = vector.load %arg3[%swap3A_134, %swap3A_135, %swap3A_136] : memref<1x32x16384xf32, #tpu.memory_space<vmem>>, vector<1x32x128xf32>
    %swap3A_138 = vector.shape_cast %swap3A_137 : vector<1x32x128xf32> to vector<32x128xf32>
    %swap3A_139 = vector.shape_cast %slice3A_133 : vector<32x128xf32> to vector<1x32x128xf32>
    tpu.vector_store %arg3[%swap3A_134, %swap3A_135, %swap3A_136], %swap3A_139 {strides = array<i32>} : memref<1x32x16384xf32, #tpu.memory_space<vmem>>, vector<1x32x128xf32>,
    %slice3A_140 = vector.extract_strided_slice %transpose3A {offsets = [0, 2560], sizes = [32, 128], strides = [1, 1]} : vector<128x4096xf32> to vector<32x128xf32>
    %swap3A_141 = arith.constant 0 : index
    %swap3A_142 = arith.constant 0 : index
    %swap3A_143 = arith.constant 10240 : index
    %swap3A_144 = vector.load %arg3[%swap3A_141, %swap3A_142, %swap3A_143] : memref<1x32x16384xf32, #tpu.memory_space<vmem>>, vector<1x32x128xf32>
    %swap3A_145 = vector.shape_cast %swap3A_144 : vector<1x32x128xf32> to vector<32x128xf32>
    %swap3A_146 = vector.shape_cast %slice3A_140 : vector<32x128xf32> to vector<1x32x128xf32>
    tpu.vector_store %arg3[%swap3A_141, %swap3A_142, %swap3A_143], %swap3A_146 {strides = array<i32>} : memref<1x32x16384xf32, #tpu.memory_space<vmem>>, vector<1x32x128xf32>,
    %slice3A_147 = vector.extract_strided_slice %transpose3A {offsets = [0, 2688], sizes = [32, 128], strides = [1, 1]} : vector<128x4096xf32> to vector<32x128xf32>
    %swap3A_148 = arith.constant 0 : index
    %swap3A_149 = arith.constant 0 : index
    %swap3A_150 = arith.constant 10752 : index
    %swap3A_151 = vector.load %arg3[%swap3A_148, %swap3A_149, %swap3A_150] : memref<1x32x16384xf32, #tpu.memory_space<vmem>>, vector<1x32x128xf32>
    %swap3A_152 = vector.shape_cast %swap3A_151 : vector<1x32x128xf32> to vector<32x128xf32>
    %swap3A_153 = vector.shape_cast %slice3A_147 : vector<32x128xf32> to vector<1x32x128xf32>
    tpu.vector_store %arg3[%swap3A_148, %swap3A_149, %swap3A_150], %swap3A_153 {strides = array<i32>} : memref<1x32x16384xf32, #tpu.memory_space<vmem>>, vector<1x32x128xf32>,
    %slice3A_154 = vector.extract_strided_slice %transpose3A {offsets = [0, 2816], sizes = [32, 128], strides = [1, 1]} : vector<128x4096xf32> to vector<32x128xf32>
    %swap3A_155 = arith.constant 0 : index
    %swap3A_156 = arith.constant 0 : index
    %swap3A_157 = arith.constant 11264 : index
    %swap3A_158 = vector.load %arg3[%swap3A_155, %swap3A_156, %swap3A_157] : memref<1x32x16384xf32, #tpu.memory_space<vmem>>, vector<1x32x128xf32>
    %swap3A_159 = vector.shape_cast %swap3A_158 : vector<1x32x128xf32> to vector<32x128xf32>
    %swap3A_160 = vector.shape_cast %slice3A_154 : vector<32x128xf32> to vector<1x32x128xf32>
    tpu.vector_store %arg3[%swap3A_155, %swap3A_156, %swap3A_157], %swap3A_160 {strides = array<i32>} : memref<1x32x16384xf32, #tpu.memory_space<vmem>>, vector<1x32x128xf32>,
    %slice3A_161 = vector.extract_strided_slice %transpose3A {offsets = [0, 2944], sizes = [32, 128], strides = [1, 1]} : vector<128x4096xf32> to vector<32x128xf32>
    %swap3A_162 = arith.constant 0 : index
    %swap3A_163 = arith.constant 0 : index
    %swap3A_164 = arith.constant 11776 : index
    %swap3A_165 = vector.load %arg3[%swap3A_162, %swap3A_163, %swap3A_164] : memref<1x32x16384xf32, #tpu.memory_space<vmem>>, vector<1x32x128xf32>
    %swap3A_166 = vector.shape_cast %swap3A_165 : vector<1x32x128xf32> to vector<32x128xf32>
    %swap3A_167 = vector.shape_cast %slice3A_161 : vector<32x128xf32> to vector<1x32x128xf32>
    tpu.vector_store %arg3[%swap3A_162, %swap3A_163, %swap3A_164], %swap3A_167 {strides = array<i32>} : memref<1x32x16384xf32, #tpu.memory_space<vmem>>, vector<1x32x128xf32>,
    %slice3A_168 = vector.extract_strided_slice %transpose3A {offsets = [0, 3072], sizes = [32, 128], strides = [1, 1]} : vector<128x4096xf32> to vector<32x128xf32>
    %swap3A_169 = arith.constant 0 : index
    %swap3A_170 = arith.constant 0 : index
    %swap3A_171 = arith.constant 12288 : index
    %swap3A_172 = vector.load %arg3[%swap3A_169, %swap3A_170, %swap3A_171] : memref<1x32x16384xf32, #tpu.memory_space<vmem>>, vector<1x32x128xf32>
    %swap3A_173 = vector.shape_cast %swap3A_172 : vector<1x32x128xf32> to vector<32x128xf32>
    %swap3A_174 = vector.shape_cast %slice3A_168 : vector<32x128xf32> to vector<1x32x128xf32>
    tpu.vector_store %arg3[%swap3A_169, %swap3A_170, %swap3A_171], %swap3A_174 {strides = array<i32>} : memref<1x32x16384xf32, #tpu.memory_space<vmem>>, vector<1x32x128xf32>,
    %slice3A_175 = vector.extract_strided_slice %transpose3A {offsets = [0, 3200], sizes = [32, 128], strides = [1, 1]} : vector<128x4096xf32> to vector<32x128xf32>
    %swap3A_176 = arith.constant 0 : index
    %swap3A_177 = arith.constant 0 : index
    %swap3A_178 = arith.constant 12800 : index
    %swap3A_179 = vector.load %arg3[%swap3A_176, %swap3A_177, %swap3A_178] : memref<1x32x16384xf32, #tpu.memory_space<vmem>>, vector<1x32x128xf32>
    %swap3A_180 = vector.shape_cast %swap3A_179 : vector<1x32x128xf32> to vector<32x128xf32>
    %swap3A_181 = vector.shape_cast %slice3A_175 : vector<32x128xf32> to vector<1x32x128xf32>
    tpu.vector_store %arg3[%swap3A_176, %swap3A_177, %swap3A_178], %swap3A_181 {strides = array<i32>} : memref<1x32x16384xf32, #tpu.memory_space<vmem>>, vector<1x32x128xf32>,
    %slice3A_182 = vector.extract_strided_slice %transpose3A {offsets = [0, 3328], sizes = [32, 128], strides = [1, 1]} : vector<128x4096xf32> to vector<32x128xf32>
    %swap3A_183 = arith.constant 0 : index
    %swap3A_184 = arith.constant 0 : index
    %swap3A_185 = arith.constant 13312 : index
    %swap3A_186 = vector.load %arg3[%swap3A_183, %swap3A_184, %swap3A_185] : memref<1x32x16384xf32, #tpu.memory_space<vmem>>, vector<1x32x128xf32>
    %swap3A_187 = vector.shape_cast %swap3A_186 : vector<1x32x128xf32> to vector<32x128xf32>
    %swap3A_188 = vector.shape_cast %slice3A_182 : vector<32x128xf32> to vector<1x32x128xf32>
    tpu.vector_store %arg3[%swap3A_183, %swap3A_184, %swap3A_185], %swap3A_188 {strides = array<i32>} : memref<1x32x16384xf32, #tpu.memory_space<vmem>>, vector<1x32x128xf32>,
    %slice3A_189 = vector.extract_strided_slice %transpose3A {offsets = [0, 3456], sizes = [32, 128], strides = [1, 1]} : vector<128x4096xf32> to vector<32x128xf32>
    %swap3A_190 = arith.constant 0 : index
    %swap3A_191 = arith.constant 0 : index
    %swap3A_192 = arith.constant 13824 : index
    %swap3A_193 = vector.load %arg3[%swap3A_190, %swap3A_191, %swap3A_192] : memref<1x32x16384xf32, #tpu.memory_space<vmem>>, vector<1x32x128xf32>
    %swap3A_194 = vector.shape_cast %swap3A_193 : vector<1x32x128xf32> to vector<32x128xf32>
    %swap3A_195 = vector.shape_cast %slice3A_189 : vector<32x128xf32> to vector<1x32x128xf32>
    tpu.vector_store %arg3[%swap3A_190, %swap3A_191, %swap3A_192], %swap3A_195 {strides = array<i32>} : memref<1x32x16384xf32, #tpu.memory_space<vmem>>, vector<1x32x128xf32>,
    %slice3A_196 = vector.extract_strided_slice %transpose3A {offsets = [0, 3584], sizes = [32, 128], strides = [1, 1]} : vector<128x4096xf32> to vector<32x128xf32>
    %swap3A_197 = arith.constant 0 : index
    %swap3A_198 = arith.constant 0 : index
    %swap3A_199 = arith.constant 14336 : index
    %swap3A_200 = vector.load %arg3[%swap3A_197, %swap3A_198, %swap3A_199] : memref<1x32x16384xf32, #tpu.memory_space<vmem>>, vector<1x32x128xf32>
    %swap3A_201 = vector.shape_cast %swap3A_200 : vector<1x32x128xf32> to vector<32x128xf32>
    %swap3A_202 = vector.shape_cast %slice3A_196 : vector<32x128xf32> to vector<1x32x128xf32>
    tpu.vector_store %arg3[%swap3A_197, %swap3A_198, %swap3A_199], %swap3A_202 {strides = array<i32>} : memref<1x32x16384xf32, #tpu.memory_space<vmem>>, vector<1x32x128xf32>,
    %slice3A_203 = vector.extract_strided_slice %transpose3A {offsets = [0, 3712], sizes = [32, 128], strides = [1, 1]} : vector<128x4096xf32> to vector<32x128xf32>
    %swap3A_204 = arith.constant 0 : index
    %swap3A_205 = arith.constant 0 : index
    %swap3A_206 = arith.constant 14848 : index
    %swap3A_207 = vector.load %arg3[%swap3A_204, %swap3A_205, %swap3A_206] : memref<1x32x16384xf32, #tpu.memory_space<vmem>>, vector<1x32x128xf32>
    %swap3A_208 = vector.shape_cast %swap3A_207 : vector<1x32x128xf32> to vector<32x128xf32>
    %swap3A_209 = vector.shape_cast %slice3A_203 : vector<32x128xf32> to vector<1x32x128xf32>
    tpu.vector_store %arg3[%swap3A_204, %swap3A_205, %swap3A_206], %swap3A_209 {strides = array<i32>} : memref<1x32x16384xf32, #tpu.memory_space<vmem>>, vector<1x32x128xf32>,
    %slice3A_210 = vector.extract_strided_slice %transpose3A {offsets = [0, 3840], sizes = [32, 128], strides = [1, 1]} : vector<128x4096xf32> to vector<32x128xf32>
    %swap3A_211 = arith.constant 0 : index
    %swap3A_212 = arith.constant 0 : index
    %swap3A_213 = arith.constant 15360 : index
    %swap3A_214 = vector.load %arg3[%swap3A_211, %swap3A_212, %swap3A_213] : memref<1x32x16384xf32, #tpu.memory_space<vmem>>, vector<1x32x128xf32>
    %swap3A_215 = vector.shape_cast %swap3A_214 : vector<1x32x128xf32> to vector<32x128xf32>
    %swap3A_216 = vector.shape_cast %slice3A_210 : vector<32x128xf32> to vector<1x32x128xf32>
    tpu.vector_store %arg3[%swap3A_211, %swap3A_212, %swap3A_213], %swap3A_216 {strides = array<i32>} : memref<1x32x16384xf32, #tpu.memory_space<vmem>>, vector<1x32x128xf32>,
    %slice3A_217 = vector.extract_strided_slice %transpose3A {offsets = [0, 3968], sizes = [32, 128], strides = [1, 1]} : vector<128x4096xf32> to vector<32x128xf32>
    %swap3A_218 = arith.constant 0 : index
    %swap3A_219 = arith.constant 0 : index
    %swap3A_220 = arith.constant 15872 : index
    %swap3A_221 = vector.load %arg3[%swap3A_218, %swap3A_219, %swap3A_220] : memref<1x32x16384xf32, #tpu.memory_space<vmem>>, vector<1x32x128xf32>
    %swap3A_222 = vector.shape_cast %swap3A_221 : vector<1x32x128xf32> to vector<32x128xf32>
    %swap3A_223 = vector.shape_cast %slice3A_217 : vector<32x128xf32> to vector<1x32x128xf32>
    tpu.vector_store %arg3[%swap3A_218, %swap3A_219, %swap3A_220], %swap3A_223 {strides = array<i32>} : memref<1x32x16384xf32, #tpu.memory_space<vmem>>, vector<1x32x128xf32>,
    %slice3A_224 = vector.extract_strided_slice %transpose3A {offsets = [32, 0], sizes = [32, 128], strides = [1, 1]} : vector<128x4096xf32> to vector<32x128xf32>
    %swap3A_225 = arith.constant 0 : index
    %swap3A_226 = arith.constant 0 : index
    %swap3A_227 = arith.constant 128 : index
    %swap3A_228 = vector.load %arg3[%swap3A_225, %swap3A_226, %swap3A_227] : memref<1x32x16384xf32, #tpu.memory_space<vmem>>, vector<1x32x128xf32>
    %swap3A_229 = vector.shape_cast %swap3A_228 : vector<1x32x128xf32> to vector<32x128xf32>
    %swap3A_230 = vector.shape_cast %slice3A_224 : vector<32x128xf32> to vector<1x32x128xf32>
    tpu.vector_store %arg3[%swap3A_225, %swap3A_226, %swap3A_227], %swap3A_230 {strides = array<i32>} : memref<1x32x16384xf32, #tpu.memory_space<vmem>>, vector<1x32x128xf32>,
    %slice3A_231 = vector.extract_strided_slice %transpose3A {offsets = [32, 128], sizes = [32, 128], strides = [1, 1]} : vector<128x4096xf32> to vector<32x128xf32>
    %swap3A_232 = arith.constant 0 : index
    %swap3A_233 = arith.constant 0 : index
    %swap3A_234 = arith.constant 640 : index
    %swap3A_235 = vector.load %arg3[%swap3A_232, %swap3A_233, %swap3A_234] : memref<1x32x16384xf32, #tpu.memory_space<vmem>>, vector<1x32x128xf32>
    %swap3A_236 = vector.shape_cast %swap3A_235 : vector<1x32x128xf32> to vector<32x128xf32>
    %swap3A_237 = vector.shape_cast %slice3A_231 : vector<32x128xf32> to vector<1x32x128xf32>
    tpu.vector_store %arg3[%swap3A_232, %swap3A_233, %swap3A_234], %swap3A_237 {strides = array<i32>} : memref<1x32x16384xf32, #tpu.memory_space<vmem>>, vector<1x32x128xf32>,
    %slice3A_238 = vector.extract_strided_slice %transpose3A {offsets = [32, 256], sizes = [32, 128], strides = [1, 1]} : vector<128x4096xf32> to vector<32x128xf32>
    %swap3A_239 = arith.constant 0 : index
    %swap3A_240 = arith.constant 0 : index
    %swap3A_241 = arith.constant 1152 : index
    %swap3A_242 = vector.load %arg3[%swap3A_239, %swap3A_240, %swap3A_241] : memref<1x32x16384xf32, #tpu.memory_space<vmem>>, vector<1x32x128xf32>
    %swap3A_243 = vector.shape_cast %swap3A_242 : vector<1x32x128xf32> to vector<32x128xf32>
    %swap3A_244 = vector.shape_cast %slice3A_238 : vector<32x128xf32> to vector<1x32x128xf32>
    tpu.vector_store %arg3[%swap3A_239, %swap3A_240, %swap3A_241], %swap3A_244 {strides = array<i32>} : memref<1x32x16384xf32, #tpu.memory_space<vmem>>, vector<1x32x128xf32>,
    %slice3A_245 = vector.extract_strided_slice %transpose3A {offsets = [32, 384], sizes = [32, 128], strides = [1, 1]} : vector<128x4096xf32> to vector<32x128xf32>
    %swap3A_246 = arith.constant 0 : index
    %swap3A_247 = arith.constant 0 : index
    %swap3A_248 = arith.constant 1664 : index
    %swap3A_249 = vector.load %arg3[%swap3A_246, %swap3A_247, %swap3A_248] : memref<1x32x16384xf32, #tpu.memory_space<vmem>>, vector<1x32x128xf32>
    %swap3A_250 = vector.shape_cast %swap3A_249 : vector<1x32x128xf32> to vector<32x128xf32>
    %swap3A_251 = vector.shape_cast %slice3A_245 : vector<32x128xf32> to vector<1x32x128xf32>
    tpu.vector_store %arg3[%swap3A_246, %swap3A_247, %swap3A_248], %swap3A_251 {strides = array<i32>} : memref<1x32x16384xf32, #tpu.memory_space<vmem>>, vector<1x32x128xf32>,
    %slice3A_252 = vector.extract_strided_slice %transpose3A {offsets = [32, 512], sizes = [32, 128], strides = [1, 1]} : vector<128x4096xf32> to vector<32x128xf32>
    %swap3A_253 = arith.constant 0 : index
    %swap3A_254 = arith.constant 0 : index
    %swap3A_255 = arith.constant 2176 : index
    %swap3A_256 = vector.load %arg3[%swap3A_253, %swap3A_254, %swap3A_255] : memref<1x32x16384xf32, #tpu.memory_space<vmem>>, vector<1x32x128xf32>
    %swap3A_257 = vector.shape_cast %swap3A_256 : vector<1x32x128xf32> to vector<32x128xf32>
    %swap3A_258 = vector.shape_cast %slice3A_252 : vector<32x128xf32> to vector<1x32x128xf32>
    tpu.vector_store %arg3[%swap3A_253, %swap3A_254, %swap3A_255], %swap3A_258 {strides = array<i32>} : memref<1x32x16384xf32, #tpu.memory_space<vmem>>, vector<1x32x128xf32>,
    %slice3A_259 = vector.extract_strided_slice %transpose3A {offsets = [32, 640], sizes = [32, 128], strides = [1, 1]} : vector<128x4096xf32> to vector<32x128xf32>
    %swap3A_260 = arith.constant 0 : index
    %swap3A_261 = arith.constant 0 : index
    %swap3A_262 = arith.constant 2688 : index
    %swap3A_263 = vector.load %arg3[%swap3A_260, %swap3A_261, %swap3A_262] : memref<1x32x16384xf32, #tpu.memory_space<vmem>>, vector<1x32x128xf32>
    %swap3A_264 = vector.shape_cast %swap3A_263 : vector<1x32x128xf32> to vector<32x128xf32>
    %swap3A_265 = vector.shape_cast %slice3A_259 : vector<32x128xf32> to vector<1x32x128xf32>
    tpu.vector_store %arg3[%swap3A_260, %swap3A_261, %swap3A_262], %swap3A_265 {strides = array<i32>} : memref<1x32x16384xf32, #tpu.memory_space<vmem>>, vector<1x32x128xf32>,
    %slice3A_266 = vector.extract_strided_slice %transpose3A {offsets = [32, 768], sizes = [32, 128], strides = [1, 1]} : vector<128x4096xf32> to vector<32x128xf32>
    %swap3A_267 = arith.constant 0 : index
    %swap3A_268 = arith.constant 0 : index
    %swap3A_269 = arith.constant 3200 : index
    %swap3A_270 = vector.load %arg3[%swap3A_267, %swap3A_268, %swap3A_269] : memref<1x32x16384xf32, #tpu.memory_space<vmem>>, vector<1x32x128xf32>
    %swap3A_271 = vector.shape_cast %swap3A_270 : vector<1x32x128xf32> to vector<32x128xf32>
    %swap3A_272 = vector.shape_cast %slice3A_266 : vector<32x128xf32> to vector<1x32x128xf32>
    tpu.vector_store %arg3[%swap3A_267, %swap3A_268, %swap3A_269], %swap3A_272 {strides = array<i32>} : memref<1x32x16384xf32, #tpu.memory_space<vmem>>, vector<1x32x128xf32>,
    %slice3A_273 = vector.extract_strided_slice %transpose3A {offsets = [32, 896], sizes = [32, 128], strides = [1, 1]} : vector<128x4096xf32> to vector<32x128xf32>
    %swap3A_274 = arith.constant 0 : index
    %swap3A_275 = arith.constant 0 : index
    %swap3A_276 = arith.constant 3712 : index
    %swap3A_277 = vector.load %arg3[%swap3A_274, %swap3A_275, %swap3A_276] : memref<1x32x16384xf32, #tpu.memory_space<vmem>>, vector<1x32x128xf32>
    %swap3A_278 = vector.shape_cast %swap3A_277 : vector<1x32x128xf32> to vector<32x128xf32>
    %swap3A_279 = vector.shape_cast %slice3A_273 : vector<32x128xf32> to vector<1x32x128xf32>
    tpu.vector_store %arg3[%swap3A_274, %swap3A_275, %swap3A_276], %swap3A_279 {strides = array<i32>} : memref<1x32x16384xf32, #tpu.memory_space<vmem>>, vector<1x32x128xf32>,
    %slice3A_280 = vector.extract_strided_slice %transpose3A {offsets = [32, 1024], sizes = [32, 128], strides = [1, 1]} : vector<128x4096xf32> to vector<32x128xf32>
    %swap3A_281 = arith.constant 0 : index
    %swap3A_282 = arith.constant 0 : index
    %swap3A_283 = arith.constant 4224 : index
    %swap3A_284 = vector.load %arg3[%swap3A_281, %swap3A_282, %swap3A_283] : memref<1x32x16384xf32, #tpu.memory_space<vmem>>, vector<1x32x128xf32>
    %swap3A_285 = vector.shape_cast %swap3A_284 : vector<1x32x128xf32> to vector<32x128xf32>
    %swap3A_286 = vector.shape_cast %slice3A_280 : vector<32x128xf32> to vector<1x32x128xf32>
    tpu.vector_store %arg3[%swap3A_281, %swap3A_282, %swap3A_283], %swap3A_286 {strides = array<i32>} : memref<1x32x16384xf32, #tpu.memory_space<vmem>>, vector<1x32x128xf32>,
    %slice3A_287 = vector.extract_strided_slice %transpose3A {offsets = [32, 1152], sizes = [32, 128], strides = [1, 1]} : vector<128x4096xf32> to vector<32x128xf32>
    %swap3A_288 = arith.constant 0 : index
    %swap3A_289 = arith.constant 0 : index
    %swap3A_290 = arith.constant 4736 : index
    %swap3A_291 = vector.load %arg3[%swap3A_288, %swap3A_289, %swap3A_290] : memref<1x32x16384xf32, #tpu.memory_space<vmem>>, vector<1x32x128xf32>
    %swap3A_292 = vector.shape_cast %swap3A_291 : vector<1x32x128xf32> to vector<32x128xf32>
    %swap3A_293 = vector.shape_cast %slice3A_287 : vector<32x128xf32> to vector<1x32x128xf32>
    tpu.vector_store %arg3[%swap3A_288, %swap3A_289, %swap3A_290], %swap3A_293 {strides = array<i32>} : memref<1x32x16384xf32, #tpu.memory_space<vmem>>, vector<1x32x128xf32>,
    %slice3A_294 = vector.extract_strided_slice %transpose3A {offsets = [32, 1280], sizes = [32, 128], strides = [1, 1]} : vector<128x4096xf32> to vector<32x128xf32>
    %swap3A_295 = arith.constant 0 : index
    %swap3A_296 = arith.constant 0 : index
    %swap3A_297 = arith.constant 5248 : index
    %swap3A_298 = vector.load %arg3[%swap3A_295, %swap3A_296, %swap3A_297] : memref<1x32x16384xf32, #tpu.memory_space<vmem>>, vector<1x32x128xf32>
    %swap3A_299 = vector.shape_cast %swap3A_298 : vector<1x32x128xf32> to vector<32x128xf32>
    %swap3A_300 = vector.shape_cast %slice3A_294 : vector<32x128xf32> to vector<1x32x128xf32>
    tpu.vector_store %arg3[%swap3A_295, %swap3A_296, %swap3A_297], %swap3A_300 {strides = array<i32>} : memref<1x32x16384xf32, #tpu.memory_space<vmem>>, vector<1x32x128xf32>,
    %slice3A_301 = vector.extract_strided_slice %transpose3A {offsets = [32, 1408], sizes = [32, 128], strides = [1, 1]} : vector<128x4096xf32> to vector<32x128xf32>
    %swap3A_302 = arith.constant 0 : index
    %swap3A_303 = arith.constant 0 : index
    %swap3A_304 = arith.constant 5760 : index
    %swap3A_305 = vector.load %arg3[%swap3A_302, %swap3A_303, %swap3A_304] : memref<1x32x16384xf32, #tpu.memory_space<vmem>>, vector<1x32x128xf32>
    %swap3A_306 = vector.shape_cast %swap3A_305 : vector<1x32x128xf32> to vector<32x128xf32>
    %swap3A_307 = vector.shape_cast %slice3A_301 : vector<32x128xf32> to vector<1x32x128xf32>
    tpu.vector_store %arg3[%swap3A_302, %swap3A_303, %swap3A_304], %swap3A_307 {strides = array<i32>} : memref<1x32x16384xf32, #tpu.memory_space<vmem>>, vector<1x32x128xf32>,
    %slice3A_308 = vector.extract_strided_slice %transpose3A {offsets = [32, 1536], sizes = [32, 128], strides = [1, 1]} : vector<128x4096xf32> to vector<32x128xf32>
    %swap3A_309 = arith.constant 0 : index
    %swap3A_310 = arith.constant 0 : index
    %swap3A_311 = arith.constant 6272 : index
    %swap3A_312 = vector.load %arg3[%swap3A_309, %swap3A_310, %swap3A_311] : memref<1x32x16384xf32, #tpu.memory_space<vmem>>, vector<1x32x128xf32>
    %swap3A_313 = vector.shape_cast %swap3A_312 : vector<1x32x128xf32> to vector<32x128xf32>
    %swap3A_314 = vector.shape_cast %slice3A_308 : vector<32x128xf32> to vector<1x32x128xf32>
    tpu.vector_store %arg3[%swap3A_309, %swap3A_310, %swap3A_311], %swap3A_314 {strides = array<i32>} : memref<1x32x16384xf32, #tpu.memory_space<vmem>>, vector<1x32x128xf32>,
    %slice3A_315 = vector.extract_strided_slice %transpose3A {offsets = [32, 1664], sizes = [32, 128], strides = [1, 1]} : vector<128x4096xf32> to vector<32x128xf32>
    %swap3A_316 = arith.constant 0 : index
    %swap3A_317 = arith.constant 0 : index
    %swap3A_318 = arith.constant 6784 : index
    %swap3A_319 = vector.load %arg3[%swap3A_316, %swap3A_317, %swap3A_318] : memref<1x32x16384xf32, #tpu.memory_space<vmem>>, vector<1x32x128xf32>
    %swap3A_320 = vector.shape_cast %swap3A_319 : vector<1x32x128xf32> to vector<32x128xf32>
    %swap3A_321 = vector.shape_cast %slice3A_315 : vector<32x128xf32> to vector<1x32x128xf32>
    tpu.vector_store %arg3[%swap3A_316, %swap3A_317, %swap3A_318], %swap3A_321 {strides = array<i32>} : memref<1x32x16384xf32, #tpu.memory_space<vmem>>, vector<1x32x128xf32>,
    %slice3A_322 = vector.extract_strided_slice %transpose3A {offsets = [32, 1792], sizes = [32, 128], strides = [1, 1]} : vector<128x4096xf32> to vector<32x128xf32>
    %swap3A_323 = arith.constant 0 : index
    %swap3A_324 = arith.constant 0 : index
    %swap3A_325 = arith.constant 7296 : index
    %swap3A_326 = vector.load %arg3[%swap3A_323, %swap3A_324, %swap3A_325] : memref<1x32x16384xf32, #tpu.memory_space<vmem>>, vector<1x32x128xf32>
    %swap3A_327 = vector.shape_cast %swap3A_326 : vector<1x32x128xf32> to vector<32x128xf32>
    %swap3A_328 = vector.shape_cast %slice3A_322 : vector<32x128xf32> to vector<1x32x128xf32>
    tpu.vector_store %arg3[%swap3A_323, %swap3A_324, %swap3A_325], %swap3A_328 {strides = array<i32>} : memref<1x32x16384xf32, #tpu.memory_space<vmem>>, vector<1x32x128xf32>,
    %slice3A_329 = vector.extract_strided_slice %transpose3A {offsets = [32, 1920], sizes = [32, 128], strides = [1, 1]} : vector<128x4096xf32> to vector<32x128xf32>
    %swap3A_330 = arith.constant 0 : index
    %swap3A_331 = arith.constant 0 : index
    %swap3A_332 = arith.constant 7808 : index
    %swap3A_333 = vector.load %arg3[%swap3A_330, %swap3A_331, %swap3A_332] : memref<1x32x16384xf32, #tpu.memory_space<vmem>>, vector<1x32x128xf32>
    %swap3A_334 = vector.shape_cast %swap3A_333 : vector<1x32x128xf32> to vector<32x128xf32>
    %swap3A_335 = vector.shape_cast %slice3A_329 : vector<32x128xf32> to vector<1x32x128xf32>
    tpu.vector_store %arg3[%swap3A_330, %swap3A_331, %swap3A_332], %swap3A_335 {strides = array<i32>} : memref<1x32x16384xf32, #tpu.memory_space<vmem>>, vector<1x32x128xf32>,
    %slice3A_336 = vector.extract_strided_slice %transpose3A {offsets = [32, 2048], sizes = [32, 128], strides = [1, 1]} : vector<128x4096xf32> to vector<32x128xf32>
    %swap3A_337 = arith.constant 0 : index
    %swap3A_338 = arith.constant 0 : index
    %swap3A_339 = arith.constant 8320 : index
    %swap3A_340 = vector.load %arg3[%swap3A_337, %swap3A_338, %swap3A_339] : memref<1x32x16384xf32, #tpu.memory_space<vmem>>, vector<1x32x128xf32>
    %swap3A_341 = vector.shape_cast %swap3A_340 : vector<1x32x128xf32> to vector<32x128xf32>
    %swap3A_342 = vector.shape_cast %slice3A_336 : vector<32x128xf32> to vector<1x32x128xf32>
    tpu.vector_store %arg3[%swap3A_337, %swap3A_338, %swap3A_339], %swap3A_342 {strides = array<i32>} : memref<1x32x16384xf32, #tpu.memory_space<vmem>>, vector<1x32x128xf32>,
    %slice3A_343 = vector.extract_strided_slice %transpose3A {offsets = [32, 2176], sizes = [32, 128], strides = [1, 1]} : vector<128x4096xf32> to vector<32x128xf32>
    %swap3A_344 = arith.constant 0 : index
    %swap3A_345 = arith.constant 0 : index
    %swap3A_346 = arith.constant 8832 : index
    %swap3A_347 = vector.load %arg3[%swap3A_344, %swap3A_345, %swap3A_346] : memref<1x32x16384xf32, #tpu.memory_space<vmem>>, vector<1x32x128xf32>
    %swap3A_348 = vector.shape_cast %swap3A_347 : vector<1x32x128xf32> to vector<32x128xf32>
    %swap3A_349 = vector.shape_cast %slice3A_343 : vector<32x128xf32> to vector<1x32x128xf32>
    tpu.vector_store %arg3[%swap3A_344, %swap3A_345, %swap3A_346], %swap3A_349 {strides = array<i32>} : memref<1x32x16384xf32, #tpu.memory_space<vmem>>, vector<1x32x128xf32>,
    %slice3A_350 = vector.extract_strided_slice %transpose3A {offsets = [32, 2304], sizes = [32, 128], strides = [1, 1]} : vector<128x4096xf32> to vector<32x128xf32>
    %swap3A_351 = arith.constant 0 : index
    %swap3A_352 = arith.constant 0 : index
    %swap3A_353 = arith.constant 9344 : index
    %swap3A_354 = vector.load %arg3[%swap3A_351, %swap3A_352, %swap3A_353] : memref<1x32x16384xf32, #tpu.memory_space<vmem>>, vector<1x32x128xf32>
    %swap3A_355 = vector.shape_cast %swap3A_354 : vector<1x32x128xf32> to vector<32x128xf32>
    %swap3A_356 = vector.shape_cast %slice3A_350 : vector<32x128xf32> to vector<1x32x128xf32>
    tpu.vector_store %arg3[%swap3A_351, %swap3A_352, %swap3A_353], %swap3A_356 {strides = array<i32>} : memref<1x32x16384xf32, #tpu.memory_space<vmem>>, vector<1x32x128xf32>,
    %slice3A_357 = vector.extract_strided_slice %transpose3A {offsets = [32, 2432], sizes = [32, 128], strides = [1, 1]} : vector<128x4096xf32> to vector<32x128xf32>
    %swap3A_358 = arith.constant 0 : index
    %swap3A_359 = arith.constant 0 : index
    %swap3A_360 = arith.constant 9856 : index
    %swap3A_361 = vector.load %arg3[%swap3A_358, %swap3A_359, %swap3A_360] : memref<1x32x16384xf32, #tpu.memory_space<vmem>>, vector<1x32x128xf32>
    %swap3A_362 = vector.shape_cast %swap3A_361 : vector<1x32x128xf32> to vector<32x128xf32>
    %swap3A_363 = vector.shape_cast %slice3A_357 : vector<32x128xf32> to vector<1x32x128xf32>
    tpu.vector_store %arg3[%swap3A_358, %swap3A_359, %swap3A_360], %swap3A_363 {strides = array<i32>} : memref<1x32x16384xf32, #tpu.memory_space<vmem>>, vector<1x32x128xf32>,
    %slice3A_364 = vector.extract_strided_slice %transpose3A {offsets = [32, 2560], sizes = [32, 128], strides = [1, 1]} : vector<128x4096xf32> to vector<32x128xf32>
    %swap3A_365 = arith.constant 0 : index
    %swap3A_366 = arith.constant 0 : index
    %swap3A_367 = arith.constant 10368 : index
    %swap3A_368 = vector.load %arg3[%swap3A_365, %swap3A_366, %swap3A_367] : memref<1x32x16384xf32, #tpu.memory_space<vmem>>, vector<1x32x128xf32>
    %swap3A_369 = vector.shape_cast %swap3A_368 : vector<1x32x128xf32> to vector<32x128xf32>
    %swap3A_370 = vector.shape_cast %slice3A_364 : vector<32x128xf32> to vector<1x32x128xf32>
    tpu.vector_store %arg3[%swap3A_365, %swap3A_366, %swap3A_367], %swap3A_370 {strides = array<i32>} : memref<1x32x16384xf32, #tpu.memory_space<vmem>>, vector<1x32x128xf32>,
    %slice3A_371 = vector.extract_strided_slice %transpose3A {offsets = [32, 2688], sizes = [32, 128], strides = [1, 1]} : vector<128x4096xf32> to vector<32x128xf32>
    %swap3A_372 = arith.constant 0 : index
    %swap3A_373 = arith.constant 0 : index
    %swap3A_374 = arith.constant 10880 : index
    %swap3A_375 = vector.load %arg3[%swap3A_372, %swap3A_373, %swap3A_374] : memref<1x32x16384xf32, #tpu.memory_space<vmem>>, vector<1x32x128xf32>
    %swap3A_376 = vector.shape_cast %swap3A_375 : vector<1x32x128xf32> to vector<32x128xf32>
    %swap3A_377 = vector.shape_cast %slice3A_371 : vector<32x128xf32> to vector<1x32x128xf32>
    tpu.vector_store %arg3[%swap3A_372, %swap3A_373, %swap3A_374], %swap3A_377 {strides = array<i32>} : memref<1x32x16384xf32, #tpu.memory_space<vmem>>, vector<1x32x128xf32>,
    %slice3A_378 = vector.extract_strided_slice %transpose3A {offsets = [32, 2816], sizes = [32, 128], strides = [1, 1]} : vector<128x4096xf32> to vector<32x128xf32>
    %swap3A_379 = arith.constant 0 : index
    %swap3A_380 = arith.constant 0 : index
    %swap3A_381 = arith.constant 11392 : index
    %swap3A_382 = vector.load %arg3[%swap3A_379, %swap3A_380, %swap3A_381] : memref<1x32x16384xf32, #tpu.memory_space<vmem>>, vector<1x32x128xf32>
    %swap3A_383 = vector.shape_cast %swap3A_382 : vector<1x32x128xf32> to vector<32x128xf32>
    %swap3A_384 = vector.shape_cast %slice3A_378 : vector<32x128xf32> to vector<1x32x128xf32>
    tpu.vector_store %arg3[%swap3A_379, %swap3A_380, %swap3A_381], %swap3A_384 {strides = array<i32>} : memref<1x32x16384xf32, #tpu.memory_space<vmem>>, vector<1x32x128xf32>,
    %slice3A_385 = vector.extract_strided_slice %transpose3A {offsets = [32, 2944], sizes = [32, 128], strides = [1, 1]} : vector<128x4096xf32> to vector<32x128xf32>
    %swap3A_386 = arith.constant 0 : index
    %swap3A_387 = arith.constant 0 : index
    %swap3A_388 = arith.constant 11904 : index
    %swap3A_389 = vector.load %arg3[%swap3A_386, %swap3A_387, %swap3A_388] : memref<1x32x16384xf32, #tpu.memory_space<vmem>>, vector<1x32x128xf32>
    %swap3A_390 = vector.shape_cast %swap3A_389 : vector<1x32x128xf32> to vector<32x128xf32>
    %swap3A_391 = vector.shape_cast %slice3A_385 : vector<32x128xf32> to vector<1x32x128xf32>
    tpu.vector_store %arg3[%swap3A_386, %swap3A_387, %swap3A_388], %swap3A_391 {strides = array<i32>} : memref<1x32x16384xf32, #tpu.memory_space<vmem>>, vector<1x32x128xf32>,
    %slice3A_392 = vector.extract_strided_slice %transpose3A {offsets = [32, 3072], sizes = [32, 128], strides = [1, 1]} : vector<128x4096xf32> to vector<32x128xf32>
    %swap3A_393 = arith.constant 0 : index
    %swap3A_394 = arith.constant 0 : index
    %swap3A_395 = arith.constant 12416 : index
    %swap3A_396 = vector.load %arg3[%swap3A_393, %swap3A_394, %swap3A_395] : memref<1x32x16384xf32, #tpu.memory_space<vmem>>, vector<1x32x128xf32>
    %swap3A_397 = vector.shape_cast %swap3A_396 : vector<1x32x128xf32> to vector<32x128xf32>
    %swap3A_398 = vector.shape_cast %slice3A_392 : vector<32x128xf32> to vector<1x32x128xf32>
    tpu.vector_store %arg3[%swap3A_393, %swap3A_394, %swap3A_395], %swap3A_398 {strides = array<i32>} : memref<1x32x16384xf32, #tpu.memory_space<vmem>>, vector<1x32x128xf32>,
    %slice3A_399 = vector.extract_strided_slice %transpose3A {offsets = [32, 3200], sizes = [32, 128], strides = [1, 1]} : vector<128x4096xf32> to vector<32x128xf32>
    %swap3A_400 = arith.constant 0 : index
    %swap3A_401 = arith.constant 0 : index
    %swap3A_402 = arith.constant 12928 : index
    %swap3A_403 = vector.load %arg3[%swap3A_400, %swap3A_401, %swap3A_402] : memref<1x32x16384xf32, #tpu.memory_space<vmem>>, vector<1x32x128xf32>
    %swap3A_404 = vector.shape_cast %swap3A_403 : vector<1x32x128xf32> to vector<32x128xf32>
    %swap3A_405 = vector.shape_cast %slice3A_399 : vector<32x128xf32> to vector<1x32x128xf32>
    tpu.vector_store %arg3[%swap3A_400, %swap3A_401, %swap3A_402], %swap3A_405 {strides = array<i32>} : memref<1x32x16384xf32, #tpu.memory_space<vmem>>, vector<1x32x128xf32>,
    %slice3A_406 = vector.extract_strided_slice %transpose3A {offsets = [32, 3328], sizes = [32, 128], strides = [1, 1]} : vector<128x4096xf32> to vector<32x128xf32>
    %swap3A_407 = arith.constant 0 : index
    %swap3A_408 = arith.constant 0 : index
    %swap3A_409 = arith.constant 13440 : index
    %swap3A_410 = vector.load %arg3[%swap3A_407, %swap3A_408, %swap3A_409] : memref<1x32x16384xf32, #tpu.memory_space<vmem>>, vector<1x32x128xf32>
    %swap3A_411 = vector.shape_cast %swap3A_410 : vector<1x32x128xf32> to vector<32x128xf32>
    %swap3A_412 = vector.shape_cast %slice3A_406 : vector<32x128xf32> to vector<1x32x128xf32>
    tpu.vector_store %arg3[%swap3A_407, %swap3A_408, %swap3A_409], %swap3A_412 {strides = array<i32>} : memref<1x32x16384xf32, #tpu.memory_space<vmem>>, vector<1x32x128xf32>,
    %slice3A_413 = vector.extract_strided_slice %transpose3A {offsets = [32, 3456], sizes = [32, 128], strides = [1, 1]} : vector<128x4096xf32> to vector<32x128xf32>
    %swap3A_414 = arith.constant 0 : index
    %swap3A_415 = arith.constant 0 : index
    %swap3A_416 = arith.constant 13952 : index
    %swap3A_417 = vector.load %arg3[%swap3A_414, %swap3A_415, %swap3A_416] : memref<1x32x16384xf32, #tpu.memory_space<vmem>>, vector<1x32x128xf32>
    %swap3A_418 = vector.shape_cast %swap3A_417 : vector<1x32x128xf32> to vector<32x128xf32>
    %swap3A_419 = vector.shape_cast %slice3A_413 : vector<32x128xf32> to vector<1x32x128xf32>
    tpu.vector_store %arg3[%swap3A_414, %swap3A_415, %swap3A_416], %swap3A_419 {strides = array<i32>} : memref<1x32x16384xf32, #tpu.memory_space<vmem>>, vector<1x32x128xf32>,
    %slice3A_420 = vector.extract_strided_slice %transpose3A {offsets = [32, 3584], sizes = [32, 128], strides = [1, 1]} : vector<128x4096xf32> to vector<32x128xf32>
    %swap3A_421 = arith.constant 0 : index
    %swap3A_422 = arith.constant 0 : index
    %swap3A_423 = arith.constant 14464 : index
    %swap3A_424 = vector.load %arg3[%swap3A_421, %swap3A_422, %swap3A_423] : memref<1x32x16384xf32, #tpu.memory_space<vmem>>, vector<1x32x128xf32>
    %swap3A_425 = vector.shape_cast %swap3A_424 : vector<1x32x128xf32> to vector<32x128xf32>
    %swap3A_426 = vector.shape_cast %slice3A_420 : vector<32x128xf32> to vector<1x32x128xf32>
    tpu.vector_store %arg3[%swap3A_421, %swap3A_422, %swap3A_423], %swap3A_426 {strides = array<i32>} : memref<1x32x16384xf32, #tpu.memory_space<vmem>>, vector<1x32x128xf32>,
    %slice3A_427 = vector.extract_strided_slice %transpose3A {offsets = [32, 3712], sizes = [32, 128], strides = [1, 1]} : vector<128x4096xf32> to vector<32x128xf32>
    %swap3A_428 = arith.constant 0 : index
    %swap3A_429 = arith.constant 0 : index
    %swap3A_430 = arith.constant 14976 : index
    %swap3A_431 = vector.load %arg3[%swap3A_428, %swap3A_429, %swap3A_430] : memref<1x32x16384xf32, #tpu.memory_space<vmem>>, vector<1x32x128xf32>
    %swap3A_432 = vector.shape_cast %swap3A_431 : vector<1x32x128xf32> to vector<32x128xf32>
    %swap3A_433 = vector.shape_cast %slice3A_427 : vector<32x128xf32> to vector<1x32x128xf32>
    tpu.vector_store %arg3[%swap3A_428, %swap3A_429, %swap3A_430], %swap3A_433 {strides = array<i32>} : memref<1x32x16384xf32, #tpu.memory_space<vmem>>, vector<1x32x128xf32>,
    %slice3A_434 = vector.extract_strided_slice %transpose3A {offsets = [32, 3840], sizes = [32, 128], strides = [1, 1]} : vector<128x4096xf32> to vector<32x128xf32>
    %swap3A_435 = arith.constant 0 : index
    %swap3A_436 = arith.constant 0 : index
    %swap3A_437 = arith.constant 15488 : index
    %swap3A_438 = vector.load %arg3[%swap3A_435, %swap3A_436, %swap3A_437] : memref<1x32x16384xf32, #tpu.memory_space<vmem>>, vector<1x32x128xf32>
    %swap3A_439 = vector.shape_cast %swap3A_438 : vector<1x32x128xf32> to vector<32x128xf32>
    %swap3A_440 = vector.shape_cast %slice3A_434 : vector<32x128xf32> to vector<1x32x128xf32>
    tpu.vector_store %arg3[%swap3A_435, %swap3A_436, %swap3A_437], %swap3A_440 {strides = array<i32>} : memref<1x32x16384xf32, #tpu.memory_space<vmem>>, vector<1x32x128xf32>,
    %slice3A_441 = vector.extract_strided_slice %transpose3A {offsets = [32, 3968], sizes = [32, 128], strides = [1, 1]} : vector<128x4096xf32> to vector<32x128xf32>
    %swap3A_442 = arith.constant 0 : index
    %swap3A_443 = arith.constant 0 : index
    %swap3A_444 = arith.constant 16000 : index
    %swap3A_445 = vector.load %arg3[%swap3A_442, %swap3A_443, %swap3A_444] : memref<1x32x16384xf32, #tpu.memory_space<vmem>>, vector<1x32x128xf32>
    %swap3A_446 = vector.shape_cast %swap3A_445 : vector<1x32x128xf32> to vector<32x128xf32>
    %swap3A_447 = vector.shape_cast %slice3A_441 : vector<32x128xf32> to vector<1x32x128xf32>
    tpu.vector_store %arg3[%swap3A_442, %swap3A_443, %swap3A_444], %swap3A_447 {strides = array<i32>} : memref<1x32x16384xf32, #tpu.memory_space<vmem>>, vector<1x32x128xf32>,
    %slice3A_448 = vector.extract_strided_slice %transpose3A {offsets = [64, 0], sizes = [32, 128], strides = [1, 1]} : vector<128x4096xf32> to vector<32x128xf32>
    %swap3A_449 = arith.constant 0 : index
    %swap3A_450 = arith.constant 0 : index
    %swap3A_451 = arith.constant 256 : index
    %swap3A_452 = vector.load %arg3[%swap3A_449, %swap3A_450, %swap3A_451] : memref<1x32x16384xf32, #tpu.memory_space<vmem>>, vector<1x32x128xf32>
    %swap3A_453 = vector.shape_cast %swap3A_452 : vector<1x32x128xf32> to vector<32x128xf32>
    %swap3A_454 = vector.shape_cast %slice3A_448 : vector<32x128xf32> to vector<1x32x128xf32>
    tpu.vector_store %arg3[%swap3A_449, %swap3A_450, %swap3A_451], %swap3A_454 {strides = array<i32>} : memref<1x32x16384xf32, #tpu.memory_space<vmem>>, vector<1x32x128xf32>,
    %slice3A_455 = vector.extract_strided_slice %transpose3A {offsets = [64, 128], sizes = [32, 128], strides = [1, 1]} : vector<128x4096xf32> to vector<32x128xf32>
    %swap3A_456 = arith.constant 0 : index
    %swap3A_457 = arith.constant 0 : index
    %swap3A_458 = arith.constant 768 : index
    %swap3A_459 = vector.load %arg3[%swap3A_456, %swap3A_457, %swap3A_458] : memref<1x32x16384xf32, #tpu.memory_space<vmem>>, vector<1x32x128xf32>
    %swap3A_460 = vector.shape_cast %swap3A_459 : vector<1x32x128xf32> to vector<32x128xf32>
    %swap3A_461 = vector.shape_cast %slice3A_455 : vector<32x128xf32> to vector<1x32x128xf32>
    tpu.vector_store %arg3[%swap3A_456, %swap3A_457, %swap3A_458], %swap3A_461 {strides = array<i32>} : memref<1x32x16384xf32, #tpu.memory_space<vmem>>, vector<1x32x128xf32>,
    %slice3A_462 = vector.extract_strided_slice %transpose3A {offsets = [64, 256], sizes = [32, 128], strides = [1, 1]} : vector<128x4096xf32> to vector<32x128xf32>
    %swap3A_463 = arith.constant 0 : index
    %swap3A_464 = arith.constant 0 : index
    %swap3A_465 = arith.constant 1280 : index
    %swap3A_466 = vector.load %arg3[%swap3A_463, %swap3A_464, %swap3A_465] : memref<1x32x16384xf32, #tpu.memory_space<vmem>>, vector<1x32x128xf32>
    %swap3A_467 = vector.shape_cast %swap3A_466 : vector<1x32x128xf32> to vector<32x128xf32>
    %swap3A_468 = vector.shape_cast %slice3A_462 : vector<32x128xf32> to vector<1x32x128xf32>
    tpu.vector_store %arg3[%swap3A_463, %swap3A_464, %swap3A_465], %swap3A_468 {strides = array<i32>} : memref<1x32x16384xf32, #tpu.memory_space<vmem>>, vector<1x32x128xf32>,
    %slice3A_469 = vector.extract_strided_slice %transpose3A {offsets = [64, 384], sizes = [32, 128], strides = [1, 1]} : vector<128x4096xf32> to vector<32x128xf32>
    %swap3A_470 = arith.constant 0 : index
    %swap3A_471 = arith.constant 0 : index
    %swap3A_472 = arith.constant 1792 : index
    %swap3A_473 = vector.load %arg3[%swap3A_470, %swap3A_471, %swap3A_472] : memref<1x32x16384xf32, #tpu.memory_space<vmem>>, vector<1x32x128xf32>
    %swap3A_474 = vector.shape_cast %swap3A_473 : vector<1x32x128xf32> to vector<32x128xf32>
    %swap3A_475 = vector.shape_cast %slice3A_469 : vector<32x128xf32> to vector<1x32x128xf32>
    tpu.vector_store %arg3[%swap3A_470, %swap3A_471, %swap3A_472], %swap3A_475 {strides = array<i32>} : memref<1x32x16384xf32, #tpu.memory_space<vmem>>, vector<1x32x128xf32>,
    %slice3A_476 = vector.extract_strided_slice %transpose3A {offsets = [64, 512], sizes = [32, 128], strides = [1, 1]} : vector<128x4096xf32> to vector<32x128xf32>
    %swap3A_477 = arith.constant 0 : index
    %swap3A_478 = arith.constant 0 : index
    %swap3A_479 = arith.constant 2304 : index
    %swap3A_480 = vector.load %arg3[%swap3A_477, %swap3A_478, %swap3A_479] : memref<1x32x16384xf32, #tpu.memory_space<vmem>>, vector<1x32x128xf32>
    %swap3A_481 = vector.shape_cast %swap3A_480 : vector<1x32x128xf32> to vector<32x128xf32>
    %swap3A_482 = vector.shape_cast %slice3A_476 : vector<32x128xf32> to vector<1x32x128xf32>
    tpu.vector_store %arg3[%swap3A_477, %swap3A_478, %swap3A_479], %swap3A_482 {strides = array<i32>} : memref<1x32x16384xf32, #tpu.memory_space<vmem>>, vector<1x32x128xf32>,
    %slice3A_483 = vector.extract_strided_slice %transpose3A {offsets = [64, 640], sizes = [32, 128], strides = [1, 1]} : vector<128x4096xf32> to vector<32x128xf32>
    %swap3A_484 = arith.constant 0 : index
    %swap3A_485 = arith.constant 0 : index
    %swap3A_486 = arith.constant 2816 : index
    %swap3A_487 = vector.load %arg3[%swap3A_484, %swap3A_485, %swap3A_486] : memref<1x32x16384xf32, #tpu.memory_space<vmem>>, vector<1x32x128xf32>
    %swap3A_488 = vector.shape_cast %swap3A_487 : vector<1x32x128xf32> to vector<32x128xf32>
    %swap3A_489 = vector.shape_cast %slice3A_483 : vector<32x128xf32> to vector<1x32x128xf32>
    tpu.vector_store %arg3[%swap3A_484, %swap3A_485, %swap3A_486], %swap3A_489 {strides = array<i32>} : memref<1x32x16384xf32, #tpu.memory_space<vmem>>, vector<1x32x128xf32>,
    %slice3A_490 = vector.extract_strided_slice %transpose3A {offsets = [64, 768], sizes = [32, 128], strides = [1, 1]} : vector<128x4096xf32> to vector<32x128xf32>
    %swap3A_491 = arith.constant 0 : index
    %swap3A_492 = arith.constant 0 : index
    %swap3A_493 = arith.constant 3328 : index
    %swap3A_494 = vector.load %arg3[%swap3A_491, %swap3A_492, %swap3A_493] : memref<1x32x16384xf32, #tpu.memory_space<vmem>>, vector<1x32x128xf32>
    %swap3A_495 = vector.shape_cast %swap3A_494 : vector<1x32x128xf32> to vector<32x128xf32>
    %swap3A_496 = vector.shape_cast %slice3A_490 : vector<32x128xf32> to vector<1x32x128xf32>
    tpu.vector_store %arg3[%swap3A_491, %swap3A_492, %swap3A_493], %swap3A_496 {strides = array<i32>} : memref<1x32x16384xf32, #tpu.memory_space<vmem>>, vector<1x32x128xf32>,
    %slice3A_497 = vector.extract_strided_slice %transpose3A {offsets = [64, 896], sizes = [32, 128], strides = [1, 1]} : vector<128x4096xf32> to vector<32x128xf32>
    %swap3A_498 = arith.constant 0 : index
    %swap3A_499 = arith.constant 0 : index
    %swap3A_500 = arith.constant 3840 : index
    %swap3A_501 = vector.load %arg3[%swap3A_498, %swap3A_499, %swap3A_500] : memref<1x32x16384xf32, #tpu.memory_space<vmem>>, vector<1x32x128xf32>
    %swap3A_502 = vector.shape_cast %swap3A_501 : vector<1x32x128xf32> to vector<32x128xf32>
    %swap3A_503 = vector.shape_cast %slice3A_497 : vector<32x128xf32> to vector<1x32x128xf32>
    tpu.vector_store %arg3[%swap3A_498, %swap3A_499, %swap3A_500], %swap3A_503 {strides = array<i32>} : memref<1x32x16384xf32, #tpu.memory_space<vmem>>, vector<1x32x128xf32>,
    %slice3A_504 = vector.extract_strided_slice %transpose3A {offsets = [64, 1024], sizes = [32, 128], strides = [1, 1]} : vector<128x4096xf32> to vector<32x128xf32>
    %swap3A_505 = arith.constant 0 : index
    %swap3A_506 = arith.constant 0 : index
    %swap3A_507 = arith.constant 4352 : index
    %swap3A_508 = vector.load %arg3[%swap3A_505, %swap3A_506, %swap3A_507] : memref<1x32x16384xf32, #tpu.memory_space<vmem>>, vector<1x32x128xf32>
    %swap3A_509 = vector.shape_cast %swap3A_508 : vector<1x32x128xf32> to vector<32x128xf32>
    %swap3A_510 = vector.shape_cast %slice3A_504 : vector<32x128xf32> to vector<1x32x128xf32>
    tpu.vector_store %arg3[%swap3A_505, %swap3A_506, %swap3A_507], %swap3A_510 {strides = array<i32>} : memref<1x32x16384xf32, #tpu.memory_space<vmem>>, vector<1x32x128xf32>,
    %slice3A_511 = vector.extract_strided_slice %transpose3A {offsets = [64, 1152], sizes = [32, 128], strides = [1, 1]} : vector<128x4096xf32> to vector<32x128xf32>
    %swap3A_512 = arith.constant 0 : index
    %swap3A_513 = arith.constant 0 : index
    %swap3A_514 = arith.constant 4864 : index
    %swap3A_515 = vector.load %arg3[%swap3A_512, %swap3A_513, %swap3A_514] : memref<1x32x16384xf32, #tpu.memory_space<vmem>>, vector<1x32x128xf32>
    %swap3A_516 = vector.shape_cast %swap3A_515 : vector<1x32x128xf32> to vector<32x128xf32>
    %swap3A_517 = vector.shape_cast %slice3A_511 : vector<32x128xf32> to vector<1x32x128xf32>
    tpu.vector_store %arg3[%swap3A_512, %swap3A_513, %swap3A_514], %swap3A_517 {strides = array<i32>} : memref<1x32x16384xf32, #tpu.memory_space<vmem>>, vector<1x32x128xf32>,
    %slice3A_518 = vector.extract_strided_slice %transpose3A {offsets = [64, 1280], sizes = [32, 128], strides = [1, 1]} : vector<128x4096xf32> to vector<32x128xf32>
    %swap3A_519 = arith.constant 0 : index
    %swap3A_520 = arith.constant 0 : index
    %swap3A_521 = arith.constant 5376 : index
    %swap3A_522 = vector.load %arg3[%swap3A_519, %swap3A_520, %swap3A_521] : memref<1x32x16384xf32, #tpu.memory_space<vmem>>, vector<1x32x128xf32>
    %swap3A_523 = vector.shape_cast %swap3A_522 : vector<1x32x128xf32> to vector<32x128xf32>
    %swap3A_524 = vector.shape_cast %slice3A_518 : vector<32x128xf32> to vector<1x32x128xf32>
    tpu.vector_store %arg3[%swap3A_519, %swap3A_520, %swap3A_521], %swap3A_524 {strides = array<i32>} : memref<1x32x16384xf32, #tpu.memory_space<vmem>>, vector<1x32x128xf32>,
    %slice3A_525 = vector.extract_strided_slice %transpose3A {offsets = [64, 1408], sizes = [32, 128], strides = [1, 1]} : vector<128x4096xf32> to vector<32x128xf32>
    %swap3A_526 = arith.constant 0 : index
    %swap3A_527 = arith.constant 0 : index
    %swap3A_528 = arith.constant 5888 : index
    %swap3A_529 = vector.load %arg3[%swap3A_526, %swap3A_527, %swap3A_528] : memref<1x32x16384xf32, #tpu.memory_space<vmem>>, vector<1x32x128xf32>
    %swap3A_530 = vector.shape_cast %swap3A_529 : vector<1x32x128xf32> to vector<32x128xf32>
    %swap3A_531 = vector.shape_cast %slice3A_525 : vector<32x128xf32> to vector<1x32x128xf32>
    tpu.vector_store %arg3[%swap3A_526, %swap3A_527, %swap3A_528], %swap3A_531 {strides = array<i32>} : memref<1x32x16384xf32, #tpu.memory_space<vmem>>, vector<1x32x128xf32>,
    %slice3A_532 = vector.extract_strided_slice %transpose3A {offsets = [64, 1536], sizes = [32, 128], strides = [1, 1]} : vector<128x4096xf32> to vector<32x128xf32>
    %swap3A_533 = arith.constant 0 : index
    %swap3A_534 = arith.constant 0 : index
    %swap3A_535 = arith.constant 6400 : index
    %swap3A_536 = vector.load %arg3[%swap3A_533, %swap3A_534, %swap3A_535] : memref<1x32x16384xf32, #tpu.memory_space<vmem>>, vector<1x32x128xf32>
    %swap3A_537 = vector.shape_cast %swap3A_536 : vector<1x32x128xf32> to vector<32x128xf32>
    %swap3A_538 = vector.shape_cast %slice3A_532 : vector<32x128xf32> to vector<1x32x128xf32>
    tpu.vector_store %arg3[%swap3A_533, %swap3A_534, %swap3A_535], %swap3A_538 {strides = array<i32>} : memref<1x32x16384xf32, #tpu.memory_space<vmem>>, vector<1x32x128xf32>,
    %slice3A_539 = vector.extract_strided_slice %transpose3A {offsets = [64, 1664], sizes = [32, 128], strides = [1, 1]} : vector<128x4096xf32> to vector<32x128xf32>
    %swap3A_540 = arith.constant 0 : index
    %swap3A_541 = arith.constant 0 : index
    %swap3A_542 = arith.constant 6912 : index
    %swap3A_543 = vector.load %arg3[%swap3A_540, %swap3A_541, %swap3A_542] : memref<1x32x16384xf32, #tpu.memory_space<vmem>>, vector<1x32x128xf32>
    %swap3A_544 = vector.shape_cast %swap3A_543 : vector<1x32x128xf32> to vector<32x128xf32>
    %swap3A_545 = vector.shape_cast %slice3A_539 : vector<32x128xf32> to vector<1x32x128xf32>
    tpu.vector_store %arg3[%swap3A_540, %swap3A_541, %swap3A_542], %swap3A_545 {strides = array<i32>} : memref<1x32x16384xf32, #tpu.memory_space<vmem>>, vector<1x32x128xf32>,
    %slice3A_546 = vector.extract_strided_slice %transpose3A {offsets = [64, 1792], sizes = [32, 128], strides = [1, 1]} : vector<128x4096xf32> to vector<32x128xf32>
    %swap3A_547 = arith.constant 0 : index
    %swap3A_548 = arith.constant 0 : index
    %swap3A_549 = arith.constant 7424 : index
    %swap3A_550 = vector.load %arg3[%swap3A_547, %swap3A_548, %swap3A_549] : memref<1x32x16384xf32, #tpu.memory_space<vmem>>, vector<1x32x128xf32>
    %swap3A_551 = vector.shape_cast %swap3A_550 : vector<1x32x128xf32> to vector<32x128xf32>
    %swap3A_552 = vector.shape_cast %slice3A_546 : vector<32x128xf32> to vector<1x32x128xf32>
    tpu.vector_store %arg3[%swap3A_547, %swap3A_548, %swap3A_549], %swap3A_552 {strides = array<i32>} : memref<1x32x16384xf32, #tpu.memory_space<vmem>>, vector<1x32x128xf32>,
    %slice3A_553 = vector.extract_strided_slice %transpose3A {offsets = [64, 1920], sizes = [32, 128], strides = [1, 1]} : vector<128x4096xf32> to vector<32x128xf32>
    %swap3A_554 = arith.constant 0 : index
    %swap3A_555 = arith.constant 0 : index
    %swap3A_556 = arith.constant 7936 : index
    %swap3A_557 = vector.load %arg3[%swap3A_554, %swap3A_555, %swap3A_556] : memref<1x32x16384xf32, #tpu.memory_space<vmem>>, vector<1x32x128xf32>
    %swap3A_558 = vector.shape_cast %swap3A_557 : vector<1x32x128xf32> to vector<32x128xf32>
    %swap3A_559 = vector.shape_cast %slice3A_553 : vector<32x128xf32> to vector<1x32x128xf32>
    tpu.vector_store %arg3[%swap3A_554, %swap3A_555, %swap3A_556], %swap3A_559 {strides = array<i32>} : memref<1x32x16384xf32, #tpu.memory_space<vmem>>, vector<1x32x128xf32>,
    %slice3A_560 = vector.extract_strided_slice %transpose3A {offsets = [64, 2048], sizes = [32, 128], strides = [1, 1]} : vector<128x4096xf32> to vector<32x128xf32>
    %swap3A_561 = arith.constant 0 : index
    %swap3A_562 = arith.constant 0 : index
    %swap3A_563 = arith.constant 8448 : index
    %swap3A_564 = vector.load %arg3[%swap3A_561, %swap3A_562, %swap3A_563] : memref<1x32x16384xf32, #tpu.memory_space<vmem>>, vector<1x32x128xf32>
    %swap3A_565 = vector.shape_cast %swap3A_564 : vector<1x32x128xf32> to vector<32x128xf32>
    %swap3A_566 = vector.shape_cast %slice3A_560 : vector<32x128xf32> to vector<1x32x128xf32>
    tpu.vector_store %arg3[%swap3A_561, %swap3A_562, %swap3A_563], %swap3A_566 {strides = array<i32>} : memref<1x32x16384xf32, #tpu.memory_space<vmem>>, vector<1x32x128xf32>,
    %slice3A_567 = vector.extract_strided_slice %transpose3A {offsets = [64, 2176], sizes = [32, 128], strides = [1, 1]} : vector<128x4096xf32> to vector<32x128xf32>
    %swap3A_568 = arith.constant 0 : index
    %swap3A_569 = arith.constant 0 : index
    %swap3A_570 = arith.constant 8960 : index
    %swap3A_571 = vector.load %arg3[%swap3A_568, %swap3A_569, %swap3A_570] : memref<1x32x16384xf32, #tpu.memory_space<vmem>>, vector<1x32x128xf32>
    %swap3A_572 = vector.shape_cast %swap3A_571 : vector<1x32x128xf32> to vector<32x128xf32>
    %swap3A_573 = vector.shape_cast %slice3A_567 : vector<32x128xf32> to vector<1x32x128xf32>
    tpu.vector_store %arg3[%swap3A_568, %swap3A_569, %swap3A_570], %swap3A_573 {strides = array<i32>} : memref<1x32x16384xf32, #tpu.memory_space<vmem>>, vector<1x32x128xf32>,
    %slice3A_574 = vector.extract_strided_slice %transpose3A {offsets = [64, 2304], sizes = [32, 128], strides = [1, 1]} : vector<128x4096xf32> to vector<32x128xf32>
    %swap3A_575 = arith.constant 0 : index
    %swap3A_576 = arith.constant 0 : index
    %swap3A_577 = arith.constant 9472 : index
    %swap3A_578 = vector.load %arg3[%swap3A_575, %swap3A_576, %swap3A_577] : memref<1x32x16384xf32, #tpu.memory_space<vmem>>, vector<1x32x128xf32>
    %swap3A_579 = vector.shape_cast %swap3A_578 : vector<1x32x128xf32> to vector<32x128xf32>
    %swap3A_580 = vector.shape_cast %slice3A_574 : vector<32x128xf32> to vector<1x32x128xf32>
    tpu.vector_store %arg3[%swap3A_575, %swap3A_576, %swap3A_577], %swap3A_580 {strides = array<i32>} : memref<1x32x16384xf32, #tpu.memory_space<vmem>>, vector<1x32x128xf32>,
    %slice3A_581 = vector.extract_strided_slice %transpose3A {offsets = [64, 2432], sizes = [32, 128], strides = [1, 1]} : vector<128x4096xf32> to vector<32x128xf32>
    %swap3A_582 = arith.constant 0 : index
    %swap3A_583 = arith.constant 0 : index
    %swap3A_584 = arith.constant 9984 : index
    %swap3A_585 = vector.load %arg3[%swap3A_582, %swap3A_583, %swap3A_584] : memref<1x32x16384xf32, #tpu.memory_space<vmem>>, vector<1x32x128xf32>
    %swap3A_586 = vector.shape_cast %swap3A_585 : vector<1x32x128xf32> to vector<32x128xf32>
    %swap3A_587 = vector.shape_cast %slice3A_581 : vector<32x128xf32> to vector<1x32x128xf32>
    tpu.vector_store %arg3[%swap3A_582, %swap3A_583, %swap3A_584], %swap3A_587 {strides = array<i32>} : memref<1x32x16384xf32, #tpu.memory_space<vmem>>, vector<1x32x128xf32>,
    %slice3A_588 = vector.extract_strided_slice %transpose3A {offsets = [64, 2560], sizes = [32, 128], strides = [1, 1]} : vector<128x4096xf32> to vector<32x128xf32>
    %swap3A_589 = arith.constant 0 : index
    %swap3A_590 = arith.constant 0 : index
    %swap3A_591 = arith.constant 10496 : index
    %swap3A_592 = vector.load %arg3[%swap3A_589, %swap3A_590, %swap3A_591] : memref<1x32x16384xf32, #tpu.memory_space<vmem>>, vector<1x32x128xf32>
    %swap3A_593 = vector.shape_cast %swap3A_592 : vector<1x32x128xf32> to vector<32x128xf32>
    %swap3A_594 = vector.shape_cast %slice3A_588 : vector<32x128xf32> to vector<1x32x128xf32>
    tpu.vector_store %arg3[%swap3A_589, %swap3A_590, %swap3A_591], %swap3A_594 {strides = array<i32>} : memref<1x32x16384xf32, #tpu.memory_space<vmem>>, vector<1x32x128xf32>,
    %slice3A_595 = vector.extract_strided_slice %transpose3A {offsets = [64, 2688], sizes = [32, 128], strides = [1, 1]} : vector<128x4096xf32> to vector<32x128xf32>
    %swap3A_596 = arith.constant 0 : index
    %swap3A_597 = arith.constant 0 : index
    %swap3A_598 = arith.constant 11008 : index
    %swap3A_599 = vector.load %arg3[%swap3A_596, %swap3A_597, %swap3A_598] : memref<1x32x16384xf32, #tpu.memory_space<vmem>>, vector<1x32x128xf32>
    %swap3A_600 = vector.shape_cast %swap3A_599 : vector<1x32x128xf32> to vector<32x128xf32>
    %swap3A_601 = vector.shape_cast %slice3A_595 : vector<32x128xf32> to vector<1x32x128xf32>
    tpu.vector_store %arg3[%swap3A_596, %swap3A_597, %swap3A_598], %swap3A_601 {strides = array<i32>} : memref<1x32x16384xf32, #tpu.memory_space<vmem>>, vector<1x32x128xf32>,
    %slice3A_602 = vector.extract_strided_slice %transpose3A {offsets = [64, 2816], sizes = [32, 128], strides = [1, 1]} : vector<128x4096xf32> to vector<32x128xf32>
    %swap3A_603 = arith.constant 0 : index
    %swap3A_604 = arith.constant 0 : index
    %swap3A_605 = arith.constant 11520 : index
    %swap3A_606 = vector.load %arg3[%swap3A_603, %swap3A_604, %swap3A_605] : memref<1x32x16384xf32, #tpu.memory_space<vmem>>, vector<1x32x128xf32>
    %swap3A_607 = vector.shape_cast %swap3A_606 : vector<1x32x128xf32> to vector<32x128xf32>
    %swap3A_608 = vector.shape_cast %slice3A_602 : vector<32x128xf32> to vector<1x32x128xf32>
    tpu.vector_store %arg3[%swap3A_603, %swap3A_604, %swap3A_605], %swap3A_608 {strides = array<i32>} : memref<1x32x16384xf32, #tpu.memory_space<vmem>>, vector<1x32x128xf32>,
    %slice3A_609 = vector.extract_strided_slice %transpose3A {offsets = [64, 2944], sizes = [32, 128], strides = [1, 1]} : vector<128x4096xf32> to vector<32x128xf32>
    %swap3A_610 = arith.constant 0 : index
    %swap3A_611 = arith.constant 0 : index
    %swap3A_612 = arith.constant 12032 : index
    %swap3A_613 = vector.load %arg3[%swap3A_610, %swap3A_611, %swap3A_612] : memref<1x32x16384xf32, #tpu.memory_space<vmem>>, vector<1x32x128xf32>
    %swap3A_614 = vector.shape_cast %swap3A_613 : vector<1x32x128xf32> to vector<32x128xf32>
    %swap3A_615 = vector.shape_cast %slice3A_609 : vector<32x128xf32> to vector<1x32x128xf32>
    tpu.vector_store %arg3[%swap3A_610, %swap3A_611, %swap3A_612], %swap3A_615 {strides = array<i32>} : memref<1x32x16384xf32, #tpu.memory_space<vmem>>, vector<1x32x128xf32>,
    %slice3A_616 = vector.extract_strided_slice %transpose3A {offsets = [64, 3072], sizes = [32, 128], strides = [1, 1]} : vector<128x4096xf32> to vector<32x128xf32>
    %swap3A_617 = arith.constant 0 : index
    %swap3A_618 = arith.constant 0 : index
    %swap3A_619 = arith.constant 12544 : index
    %swap3A_620 = vector.load %arg3[%swap3A_617, %swap3A_618, %swap3A_619] : memref<1x32x16384xf32, #tpu.memory_space<vmem>>, vector<1x32x128xf32>
    %swap3A_621 = vector.shape_cast %swap3A_620 : vector<1x32x128xf32> to vector<32x128xf32>
    %swap3A_622 = vector.shape_cast %slice3A_616 : vector<32x128xf32> to vector<1x32x128xf32>
    tpu.vector_store %arg3[%swap3A_617, %swap3A_618, %swap3A_619], %swap3A_622 {strides = array<i32>} : memref<1x32x16384xf32, #tpu.memory_space<vmem>>, vector<1x32x128xf32>,
    %slice3A_623 = vector.extract_strided_slice %transpose3A {offsets = [64, 3200], sizes = [32, 128], strides = [1, 1]} : vector<128x4096xf32> to vector<32x128xf32>
    %swap3A_624 = arith.constant 0 : index
    %swap3A_625 = arith.constant 0 : index
    %swap3A_626 = arith.constant 13056 : index
    %swap3A_627 = vector.load %arg3[%swap3A_624, %swap3A_625, %swap3A_626] : memref<1x32x16384xf32, #tpu.memory_space<vmem>>, vector<1x32x128xf32>
    %swap3A_628 = vector.shape_cast %swap3A_627 : vector<1x32x128xf32> to vector<32x128xf32>
    %swap3A_629 = vector.shape_cast %slice3A_623 : vector<32x128xf32> to vector<1x32x128xf32>
    tpu.vector_store %arg3[%swap3A_624, %swap3A_625, %swap3A_626], %swap3A_629 {strides = array<i32>} : memref<1x32x16384xf32, #tpu.memory_space<vmem>>, vector<1x32x128xf32>,
    %slice3A_630 = vector.extract_strided_slice %transpose3A {offsets = [64, 3328], sizes = [32, 128], strides = [1, 1]} : vector<128x4096xf32> to vector<32x128xf32>
    %swap3A_631 = arith.constant 0 : index
    %swap3A_632 = arith.constant 0 : index
    %swap3A_633 = arith.constant 13568 : index
    %swap3A_634 = vector.load %arg3[%swap3A_631, %swap3A_632, %swap3A_633] : memref<1x32x16384xf32, #tpu.memory_space<vmem>>, vector<1x32x128xf32>
    %swap3A_635 = vector.shape_cast %swap3A_634 : vector<1x32x128xf32> to vector<32x128xf32>
    %swap3A_636 = vector.shape_cast %slice3A_630 : vector<32x128xf32> to vector<1x32x128xf32>
    tpu.vector_store %arg3[%swap3A_631, %swap3A_632, %swap3A_633], %swap3A_636 {strides = array<i32>} : memref<1x32x16384xf32, #tpu.memory_space<vmem>>, vector<1x32x128xf32>,
    %slice3A_637 = vector.extract_strided_slice %transpose3A {offsets = [64, 3456], sizes = [32, 128], strides = [1, 1]} : vector<128x4096xf32> to vector<32x128xf32>
    %swap3A_638 = arith.constant 0 : index
    %swap3A_639 = arith.constant 0 : index
    %swap3A_640 = arith.constant 14080 : index
    %swap3A_641 = vector.load %arg3[%swap3A_638, %swap3A_639, %swap3A_640] : memref<1x32x16384xf32, #tpu.memory_space<vmem>>, vector<1x32x128xf32>
    %swap3A_642 = vector.shape_cast %swap3A_641 : vector<1x32x128xf32> to vector<32x128xf32>
    %swap3A_643 = vector.shape_cast %slice3A_637 : vector<32x128xf32> to vector<1x32x128xf32>
    tpu.vector_store %arg3[%swap3A_638, %swap3A_639, %swap3A_640], %swap3A_643 {strides = array<i32>} : memref<1x32x16384xf32, #tpu.memory_space<vmem>>, vector<1x32x128xf32>,
    %slice3A_644 = vector.extract_strided_slice %transpose3A {offsets = [64, 3584], sizes = [32, 128], strides = [1, 1]} : vector<128x4096xf32> to vector<32x128xf32>
    %swap3A_645 = arith.constant 0 : index
    %swap3A_646 = arith.constant 0 : index
    %swap3A_647 = arith.constant 14592 : index
    %swap3A_648 = vector.load %arg3[%swap3A_645, %swap3A_646, %swap3A_647] : memref<1x32x16384xf32, #tpu.memory_space<vmem>>, vector<1x32x128xf32>
    %swap3A_649 = vector.shape_cast %swap3A_648 : vector<1x32x128xf32> to vector<32x128xf32>
    %swap3A_650 = vector.shape_cast %slice3A_644 : vector<32x128xf32> to vector<1x32x128xf32>
    tpu.vector_store %arg3[%swap3A_645, %swap3A_646, %swap3A_647], %swap3A_650 {strides = array<i32>} : memref<1x32x16384xf32, #tpu.memory_space<vmem>>, vector<1x32x128xf32>,
    %slice3A_651 = vector.extract_strided_slice %transpose3A {offsets = [64, 3712], sizes = [32, 128], strides = [1, 1]} : vector<128x4096xf32> to vector<32x128xf32>
    %swap3A_652 = arith.constant 0 : index
    %swap3A_653 = arith.constant 0 : index
    %swap3A_654 = arith.constant 15104 : index
    %swap3A_655 = vector.load %arg3[%swap3A_652, %swap3A_653, %swap3A_654] : memref<1x32x16384xf32, #tpu.memory_space<vmem>>, vector<1x32x128xf32>
    %swap3A_656 = vector.shape_cast %swap3A_655 : vector<1x32x128xf32> to vector<32x128xf32>
    %swap3A_657 = vector.shape_cast %slice3A_651 : vector<32x128xf32> to vector<1x32x128xf32>
    tpu.vector_store %arg3[%swap3A_652, %swap3A_653, %swap3A_654], %swap3A_657 {strides = array<i32>} : memref<1x32x16384xf32, #tpu.memory_space<vmem>>, vector<1x32x128xf32>,
    %slice3A_658 = vector.extract_strided_slice %transpose3A {offsets = [64, 3840], sizes = [32, 128], strides = [1, 1]} : vector<128x4096xf32> to vector<32x128xf32>
    %swap3A_659 = arith.constant 0 : index
    %swap3A_660 = arith.constant 0 : index
    %swap3A_661 = arith.constant 15616 : index
    %swap3A_662 = vector.load %arg3[%swap3A_659, %swap3A_660, %swap3A_661] : memref<1x32x16384xf32, #tpu.memory_space<vmem>>, vector<1x32x128xf32>
    %swap3A_663 = vector.shape_cast %swap3A_662 : vector<1x32x128xf32> to vector<32x128xf32>
    %swap3A_664 = vector.shape_cast %slice3A_658 : vector<32x128xf32> to vector<1x32x128xf32>
    tpu.vector_store %arg3[%swap3A_659, %swap3A_660, %swap3A_661], %swap3A_664 {strides = array<i32>} : memref<1x32x16384xf32, #tpu.memory_space<vmem>>, vector<1x32x128xf32>,
    %slice3A_665 = vector.extract_strided_slice %transpose3A {offsets = [64, 3968], sizes = [32, 128], strides = [1, 1]} : vector<128x4096xf32> to vector<32x128xf32>
    %swap3A_666 = arith.constant 0 : index
    %swap3A_667 = arith.constant 0 : index
    %swap3A_668 = arith.constant 16128 : index
    %swap3A_669 = vector.load %arg3[%swap3A_666, %swap3A_667, %swap3A_668] : memref<1x32x16384xf32, #tpu.memory_space<vmem>>, vector<1x32x128xf32>
    %swap3A_670 = vector.shape_cast %swap3A_669 : vector<1x32x128xf32> to vector<32x128xf32>
    %swap3A_671 = vector.shape_cast %slice3A_665 : vector<32x128xf32> to vector<1x32x128xf32>
    tpu.vector_store %arg3[%swap3A_666, %swap3A_667, %swap3A_668], %swap3A_671 {strides = array<i32>} : memref<1x32x16384xf32, #tpu.memory_space<vmem>>, vector<1x32x128xf32>,
    %slice3A_672 = vector.extract_strided_slice %transpose3A {offsets = [96, 0], sizes = [32, 128], strides = [1, 1]} : vector<128x4096xf32> to vector<32x128xf32>
    %swap3A_673 = arith.constant 0 : index
    %swap3A_674 = arith.constant 0 : index
    %swap3A_675 = arith.constant 384 : index
    %swap3A_676 = vector.load %arg3[%swap3A_673, %swap3A_674, %swap3A_675] : memref<1x32x16384xf32, #tpu.memory_space<vmem>>, vector<1x32x128xf32>
    %swap3A_677 = vector.shape_cast %swap3A_676 : vector<1x32x128xf32> to vector<32x128xf32>
    %swap3A_678 = vector.shape_cast %slice3A_672 : vector<32x128xf32> to vector<1x32x128xf32>
    tpu.vector_store %arg3[%swap3A_673, %swap3A_674, %swap3A_675], %swap3A_678 {strides = array<i32>} : memref<1x32x16384xf32, #tpu.memory_space<vmem>>, vector<1x32x128xf32>,
    %slice3A_679 = vector.extract_strided_slice %transpose3A {offsets = [96, 128], sizes = [32, 128], strides = [1, 1]} : vector<128x4096xf32> to vector<32x128xf32>
    %swap3A_680 = arith.constant 0 : index
    %swap3A_681 = arith.constant 0 : index
    %swap3A_682 = arith.constant 896 : index
    %swap3A_683 = vector.load %arg3[%swap3A_680, %swap3A_681, %swap3A_682] : memref<1x32x16384xf32, #tpu.memory_space<vmem>>, vector<1x32x128xf32>
    %swap3A_684 = vector.shape_cast %swap3A_683 : vector<1x32x128xf32> to vector<32x128xf32>
    %swap3A_685 = vector.shape_cast %slice3A_679 : vector<32x128xf32> to vector<1x32x128xf32>
    tpu.vector_store %arg3[%swap3A_680, %swap3A_681, %swap3A_682], %swap3A_685 {strides = array<i32>} : memref<1x32x16384xf32, #tpu.memory_space<vmem>>, vector<1x32x128xf32>,
    %slice3A_686 = vector.extract_strided_slice %transpose3A {offsets = [96, 256], sizes = [32, 128], strides = [1, 1]} : vector<128x4096xf32> to vector<32x128xf32>
    %swap3A_687 = arith.constant 0 : index
    %swap3A_688 = arith.constant 0 : index
    %swap3A_689 = arith.constant 1408 : index
    %swap3A_690 = vector.load %arg3[%swap3A_687, %swap3A_688, %swap3A_689] : memref<1x32x16384xf32, #tpu.memory_space<vmem>>, vector<1x32x128xf32>
    %swap3A_691 = vector.shape_cast %swap3A_690 : vector<1x32x128xf32> to vector<32x128xf32>
    %swap3A_692 = vector.shape_cast %slice3A_686 : vector<32x128xf32> to vector<1x32x128xf32>
    tpu.vector_store %arg3[%swap3A_687, %swap3A_688, %swap3A_689], %swap3A_692 {strides = array<i32>} : memref<1x32x16384xf32, #tpu.memory_space<vmem>>, vector<1x32x128xf32>,
    %slice3A_693 = vector.extract_strided_slice %transpose3A {offsets = [96, 384], sizes = [32, 128], strides = [1, 1]} : vector<128x4096xf32> to vector<32x128xf32>
    %swap3A_694 = arith.constant 0 : index
    %swap3A_695 = arith.constant 0 : index
    %swap3A_696 = arith.constant 1920 : index
    %swap3A_697 = vector.load %arg3[%swap3A_694, %swap3A_695, %swap3A_696] : memref<1x32x16384xf32, #tpu.memory_space<vmem>>, vector<1x32x128xf32>
    %swap3A_698 = vector.shape_cast %swap3A_697 : vector<1x32x128xf32> to vector<32x128xf32>
    %swap3A_699 = vector.shape_cast %slice3A_693 : vector<32x128xf32> to vector<1x32x128xf32>
    tpu.vector_store %arg3[%swap3A_694, %swap3A_695, %swap3A_696], %swap3A_699 {strides = array<i32>} : memref<1x32x16384xf32, #tpu.memory_space<vmem>>, vector<1x32x128xf32>,
    %slice3A_700 = vector.extract_strided_slice %transpose3A {offsets = [96, 512], sizes = [32, 128], strides = [1, 1]} : vector<128x4096xf32> to vector<32x128xf32>
    %swap3A_701 = arith.constant 0 : index
    %swap3A_702 = arith.constant 0 : index
    %swap3A_703 = arith.constant 2432 : index
    %swap3A_704 = vector.load %arg3[%swap3A_701, %swap3A_702, %swap3A_703] : memref<1x32x16384xf32, #tpu.memory_space<vmem>>, vector<1x32x128xf32>
    %swap3A_705 = vector.shape_cast %swap3A_704 : vector<1x32x128xf32> to vector<32x128xf32>
    %swap3A_706 = vector.shape_cast %slice3A_700 : vector<32x128xf32> to vector<1x32x128xf32>
    tpu.vector_store %arg3[%swap3A_701, %swap3A_702, %swap3A_703], %swap3A_706 {strides = array<i32>} : memref<1x32x16384xf32, #tpu.memory_space<vmem>>, vector<1x32x128xf32>,
    %slice3A_707 = vector.extract_strided_slice %transpose3A {offsets = [96, 640], sizes = [32, 128], strides = [1, 1]} : vector<128x4096xf32> to vector<32x128xf32>
    %swap3A_708 = arith.constant 0 : index
    %swap3A_709 = arith.constant 0 : index
    %swap3A_710 = arith.constant 2944 : index
    %swap3A_711 = vector.load %arg3[%swap3A_708, %swap3A_709, %swap3A_710] : memref<1x32x16384xf32, #tpu.memory_space<vmem>>, vector<1x32x128xf32>
    %swap3A_712 = vector.shape_cast %swap3A_711 : vector<1x32x128xf32> to vector<32x128xf32>
    %swap3A_713 = vector.shape_cast %slice3A_707 : vector<32x128xf32> to vector<1x32x128xf32>
    tpu.vector_store %arg3[%swap3A_708, %swap3A_709, %swap3A_710], %swap3A_713 {strides = array<i32>} : memref<1x32x16384xf32, #tpu.memory_space<vmem>>, vector<1x32x128xf32>,
    %slice3A_714 = vector.extract_strided_slice %transpose3A {offsets = [96, 768], sizes = [32, 128], strides = [1, 1]} : vector<128x4096xf32> to vector<32x128xf32>
    %swap3A_715 = arith.constant 0 : index
    %swap3A_716 = arith.constant 0 : index
    %swap3A_717 = arith.constant 3456 : index
    %swap3A_718 = vector.load %arg3[%swap3A_715, %swap3A_716, %swap3A_717] : memref<1x32x16384xf32, #tpu.memory_space<vmem>>, vector<1x32x128xf32>
    %swap3A_719 = vector.shape_cast %swap3A_718 : vector<1x32x128xf32> to vector<32x128xf32>
    %swap3A_720 = vector.shape_cast %slice3A_714 : vector<32x128xf32> to vector<1x32x128xf32>
    tpu.vector_store %arg3[%swap3A_715, %swap3A_716, %swap3A_717], %swap3A_720 {strides = array<i32>} : memref<1x32x16384xf32, #tpu.memory_space<vmem>>, vector<1x32x128xf32>,
    %slice3A_721 = vector.extract_strided_slice %transpose3A {offsets = [96, 896], sizes = [32, 128], strides = [1, 1]} : vector<128x4096xf32> to vector<32x128xf32>
    %swap3A_722 = arith.constant 0 : index
    %swap3A_723 = arith.constant 0 : index
    %swap3A_724 = arith.constant 3968 : index
    %swap3A_725 = vector.load %arg3[%swap3A_722, %swap3A_723, %swap3A_724] : memref<1x32x16384xf32, #tpu.memory_space<vmem>>, vector<1x32x128xf32>
    %swap3A_726 = vector.shape_cast %swap3A_725 : vector<1x32x128xf32> to vector<32x128xf32>
    %swap3A_727 = vector.shape_cast %slice3A_721 : vector<32x128xf32> to vector<1x32x128xf32>
    tpu.vector_store %arg3[%swap3A_722, %swap3A_723, %swap3A_724], %swap3A_727 {strides = array<i32>} : memref<1x32x16384xf32, #tpu.memory_space<vmem>>, vector<1x32x128xf32>,
    %slice3A_728 = vector.extract_strided_slice %transpose3A {offsets = [96, 1024], sizes = [32, 128], strides = [1, 1]} : vector<128x4096xf32> to vector<32x128xf32>
    %swap3A_729 = arith.constant 0 : index
    %swap3A_730 = arith.constant 0 : index
    %swap3A_731 = arith.constant 4480 : index
    %swap3A_732 = vector.load %arg3[%swap3A_729, %swap3A_730, %swap3A_731] : memref<1x32x16384xf32, #tpu.memory_space<vmem>>, vector<1x32x128xf32>
    %swap3A_733 = vector.shape_cast %swap3A_732 : vector<1x32x128xf32> to vector<32x128xf32>
    %swap3A_734 = vector.shape_cast %slice3A_728 : vector<32x128xf32> to vector<1x32x128xf32>
    tpu.vector_store %arg3[%swap3A_729, %swap3A_730, %swap3A_731], %swap3A_734 {strides = array<i32>} : memref<1x32x16384xf32, #tpu.memory_space<vmem>>, vector<1x32x128xf32>,
    %slice3A_735 = vector.extract_strided_slice %transpose3A {offsets = [96, 1152], sizes = [32, 128], strides = [1, 1]} : vector<128x4096xf32> to vector<32x128xf32>
    %swap3A_736 = arith.constant 0 : index
    %swap3A_737 = arith.constant 0 : index
    %swap3A_738 = arith.constant 4992 : index
    %swap3A_739 = vector.load %arg3[%swap3A_736, %swap3A_737, %swap3A_738] : memref<1x32x16384xf32, #tpu.memory_space<vmem>>, vector<1x32x128xf32>
    %swap3A_740 = vector.shape_cast %swap3A_739 : vector<1x32x128xf32> to vector<32x128xf32>
    %swap3A_741 = vector.shape_cast %slice3A_735 : vector<32x128xf32> to vector<1x32x128xf32>
    tpu.vector_store %arg3[%swap3A_736, %swap3A_737, %swap3A_738], %swap3A_741 {strides = array<i32>} : memref<1x32x16384xf32, #tpu.memory_space<vmem>>, vector<1x32x128xf32>,
    %slice3A_742 = vector.extract_strided_slice %transpose3A {offsets = [96, 1280], sizes = [32, 128], strides = [1, 1]} : vector<128x4096xf32> to vector<32x128xf32>
    %swap3A_743 = arith.constant 0 : index
    %swap3A_744 = arith.constant 0 : index
    %swap3A_745 = arith.constant 5504 : index
    %swap3A_746 = vector.load %arg3[%swap3A_743, %swap3A_744, %swap3A_745] : memref<1x32x16384xf32, #tpu.memory_space<vmem>>, vector<1x32x128xf32>
    %swap3A_747 = vector.shape_cast %swap3A_746 : vector<1x32x128xf32> to vector<32x128xf32>
    %swap3A_748 = vector.shape_cast %slice3A_742 : vector<32x128xf32> to vector<1x32x128xf32>
    tpu.vector_store %arg3[%swap3A_743, %swap3A_744, %swap3A_745], %swap3A_748 {strides = array<i32>} : memref<1x32x16384xf32, #tpu.memory_space<vmem>>, vector<1x32x128xf32>,
    %slice3A_749 = vector.extract_strided_slice %transpose3A {offsets = [96, 1408], sizes = [32, 128], strides = [1, 1]} : vector<128x4096xf32> to vector<32x128xf32>
    %swap3A_750 = arith.constant 0 : index
    %swap3A_751 = arith.constant 0 : index
    %swap3A_752 = arith.constant 6016 : index
    %swap3A_753 = vector.load %arg3[%swap3A_750, %swap3A_751, %swap3A_752] : memref<1x32x16384xf32, #tpu.memory_space<vmem>>, vector<1x32x128xf32>
    %swap3A_754 = vector.shape_cast %swap3A_753 : vector<1x32x128xf32> to vector<32x128xf32>
    %swap3A_755 = vector.shape_cast %slice3A_749 : vector<32x128xf32> to vector<1x32x128xf32>
    tpu.vector_store %arg3[%swap3A_750, %swap3A_751, %swap3A_752], %swap3A_755 {strides = array<i32>} : memref<1x32x16384xf32, #tpu.memory_space<vmem>>, vector<1x32x128xf32>,
    %slice3A_756 = vector.extract_strided_slice %transpose3A {offsets = [96, 1536], sizes = [32, 128], strides = [1, 1]} : vector<128x4096xf32> to vector<32x128xf32>
    %swap3A_757 = arith.constant 0 : index
    %swap3A_758 = arith.constant 0 : index
    %swap3A_759 = arith.constant 6528 : index
    %swap3A_760 = vector.load %arg3[%swap3A_757, %swap3A_758, %swap3A_759] : memref<1x32x16384xf32, #tpu.memory_space<vmem>>, vector<1x32x128xf32>
    %swap3A_761 = vector.shape_cast %swap3A_760 : vector<1x32x128xf32> to vector<32x128xf32>
    %swap3A_762 = vector.shape_cast %slice3A_756 : vector<32x128xf32> to vector<1x32x128xf32>
    tpu.vector_store %arg3[%swap3A_757, %swap3A_758, %swap3A_759], %swap3A_762 {strides = array<i32>} : memref<1x32x16384xf32, #tpu.memory_space<vmem>>, vector<1x32x128xf32>,
    %slice3A_763 = vector.extract_strided_slice %transpose3A {offsets = [96, 1664], sizes = [32, 128], strides = [1, 1]} : vector<128x4096xf32> to vector<32x128xf32>
    %swap3A_764 = arith.constant 0 : index
    %swap3A_765 = arith.constant 0 : index
    %swap3A_766 = arith.constant 7040 : index
    %swap3A_767 = vector.load %arg3[%swap3A_764, %swap3A_765, %swap3A_766] : memref<1x32x16384xf32, #tpu.memory_space<vmem>>, vector<1x32x128xf32>
    %swap3A_768 = vector.shape_cast %swap3A_767 : vector<1x32x128xf32> to vector<32x128xf32>
    %swap3A_769 = vector.shape_cast %slice3A_763 : vector<32x128xf32> to vector<1x32x128xf32>
    tpu.vector_store %arg3[%swap3A_764, %swap3A_765, %swap3A_766], %swap3A_769 {strides = array<i32>} : memref<1x32x16384xf32, #tpu.memory_space<vmem>>, vector<1x32x128xf32>,
    %slice3A_770 = vector.extract_strided_slice %transpose3A {offsets = [96, 1792], sizes = [32, 128], strides = [1, 1]} : vector<128x4096xf32> to vector<32x128xf32>
    %swap3A_771 = arith.constant 0 : index
    %swap3A_772 = arith.constant 0 : index
    %swap3A_773 = arith.constant 7552 : index
    %swap3A_774 = vector.load %arg3[%swap3A_771, %swap3A_772, %swap3A_773] : memref<1x32x16384xf32, #tpu.memory_space<vmem>>, vector<1x32x128xf32>
    %swap3A_775 = vector.shape_cast %swap3A_774 : vector<1x32x128xf32> to vector<32x128xf32>
    %swap3A_776 = vector.shape_cast %slice3A_770 : vector<32x128xf32> to vector<1x32x128xf32>
    tpu.vector_store %arg3[%swap3A_771, %swap3A_772, %swap3A_773], %swap3A_776 {strides = array<i32>} : memref<1x32x16384xf32, #tpu.memory_space<vmem>>, vector<1x32x128xf32>,
    %slice3A_777 = vector.extract_strided_slice %transpose3A {offsets = [96, 1920], sizes = [32, 128], strides = [1, 1]} : vector<128x4096xf32> to vector<32x128xf32>
    %swap3A_778 = arith.constant 0 : index
    %swap3A_779 = arith.constant 0 : index
    %swap3A_780 = arith.constant 8064 : index
    %swap3A_781 = vector.load %arg3[%swap3A_778, %swap3A_779, %swap3A_780] : memref<1x32x16384xf32, #tpu.memory_space<vmem>>, vector<1x32x128xf32>
    %swap3A_782 = vector.shape_cast %swap3A_781 : vector<1x32x128xf32> to vector<32x128xf32>
    %swap3A_783 = vector.shape_cast %slice3A_777 : vector<32x128xf32> to vector<1x32x128xf32>
    tpu.vector_store %arg3[%swap3A_778, %swap3A_779, %swap3A_780], %swap3A_783 {strides = array<i32>} : memref<1x32x16384xf32, #tpu.memory_space<vmem>>, vector<1x32x128xf32>,
    %slice3A_784 = vector.extract_strided_slice %transpose3A {offsets = [96, 2048], sizes = [32, 128], strides = [1, 1]} : vector<128x4096xf32> to vector<32x128xf32>
    %swap3A_785 = arith.constant 0 : index
    %swap3A_786 = arith.constant 0 : index
    %swap3A_787 = arith.constant 8576 : index
    %swap3A_788 = vector.load %arg3[%swap3A_785, %swap3A_786, %swap3A_787] : memref<1x32x16384xf32, #tpu.memory_space<vmem>>, vector<1x32x128xf32>
    %swap3A_789 = vector.shape_cast %swap3A_788 : vector<1x32x128xf32> to vector<32x128xf32>
    %swap3A_790 = vector.shape_cast %slice3A_784 : vector<32x128xf32> to vector<1x32x128xf32>
    tpu.vector_store %arg3[%swap3A_785, %swap3A_786, %swap3A_787], %swap3A_790 {strides = array<i32>} : memref<1x32x16384xf32, #tpu.memory_space<vmem>>, vector<1x32x128xf32>,
    %slice3A_791 = vector.extract_strided_slice %transpose3A {offsets = [96, 2176], sizes = [32, 128], strides = [1, 1]} : vector<128x4096xf32> to vector<32x128xf32>
    %swap3A_792 = arith.constant 0 : index
    %swap3A_793 = arith.constant 0 : index
    %swap3A_794 = arith.constant 9088 : index
    %swap3A_795 = vector.load %arg3[%swap3A_792, %swap3A_793, %swap3A_794] : memref<1x32x16384xf32, #tpu.memory_space<vmem>>, vector<1x32x128xf32>
    %swap3A_796 = vector.shape_cast %swap3A_795 : vector<1x32x128xf32> to vector<32x128xf32>
    %swap3A_797 = vector.shape_cast %slice3A_791 : vector<32x128xf32> to vector<1x32x128xf32>
    tpu.vector_store %arg3[%swap3A_792, %swap3A_793, %swap3A_794], %swap3A_797 {strides = array<i32>} : memref<1x32x16384xf32, #tpu.memory_space<vmem>>, vector<1x32x128xf32>,
    %slice3A_798 = vector.extract_strided_slice %transpose3A {offsets = [96, 2304], sizes = [32, 128], strides = [1, 1]} : vector<128x4096xf32> to vector<32x128xf32>
    %swap3A_799 = arith.constant 0 : index
    %swap3A_800 = arith.constant 0 : index
    %swap3A_801 = arith.constant 9600 : index
    %swap3A_802 = vector.load %arg3[%swap3A_799, %swap3A_800, %swap3A_801] : memref<1x32x16384xf32, #tpu.memory_space<vmem>>, vector<1x32x128xf32>
    %swap3A_803 = vector.shape_cast %swap3A_802 : vector<1x32x128xf32> to vector<32x128xf32>
    %swap3A_804 = vector.shape_cast %slice3A_798 : vector<32x128xf32> to vector<1x32x128xf32>
    tpu.vector_store %arg3[%swap3A_799, %swap3A_800, %swap3A_801], %swap3A_804 {strides = array<i32>} : memref<1x32x16384xf32, #tpu.memory_space<vmem>>, vector<1x32x128xf32>,
    %slice3A_805 = vector.extract_strided_slice %transpose3A {offsets = [96, 2432], sizes = [32, 128], strides = [1, 1]} : vector<128x4096xf32> to vector<32x128xf32>
    %swap3A_806 = arith.constant 0 : index
    %swap3A_807 = arith.constant 0 : index
    %swap3A_808 = arith.constant 10112 : index
    %swap3A_809 = vector.load %arg3[%swap3A_806, %swap3A_807, %swap3A_808] : memref<1x32x16384xf32, #tpu.memory_space<vmem>>, vector<1x32x128xf32>
    %swap3A_810 = vector.shape_cast %swap3A_809 : vector<1x32x128xf32> to vector<32x128xf32>
    %swap3A_811 = vector.shape_cast %slice3A_805 : vector<32x128xf32> to vector<1x32x128xf32>
    tpu.vector_store %arg3[%swap3A_806, %swap3A_807, %swap3A_808], %swap3A_811 {strides = array<i32>} : memref<1x32x16384xf32, #tpu.memory_space<vmem>>, vector<1x32x128xf32>,
    %slice3A_812 = vector.extract_strided_slice %transpose3A {offsets = [96, 2560], sizes = [32, 128], strides = [1, 1]} : vector<128x4096xf32> to vector<32x128xf32>
    %swap3A_813 = arith.constant 0 : index
    %swap3A_814 = arith.constant 0 : index
    %swap3A_815 = arith.constant 10624 : index
    %swap3A_816 = vector.load %arg3[%swap3A_813, %swap3A_814, %swap3A_815] : memref<1x32x16384xf32, #tpu.memory_space<vmem>>, vector<1x32x128xf32>
    %swap3A_817 = vector.shape_cast %swap3A_816 : vector<1x32x128xf32> to vector<32x128xf32>
    %swap3A_818 = vector.shape_cast %slice3A_812 : vector<32x128xf32> to vector<1x32x128xf32>
    tpu.vector_store %arg3[%swap3A_813, %swap3A_814, %swap3A_815], %swap3A_818 {strides = array<i32>} : memref<1x32x16384xf32, #tpu.memory_space<vmem>>, vector<1x32x128xf32>,
    %slice3A_819 = vector.extract_strided_slice %transpose3A {offsets = [96, 2688], sizes = [32, 128], strides = [1, 1]} : vector<128x4096xf32> to vector<32x128xf32>
    %swap3A_820 = arith.constant 0 : index
    %swap3A_821 = arith.constant 0 : index
    %swap3A_822 = arith.constant 11136 : index
    %swap3A_823 = vector.load %arg3[%swap3A_820, %swap3A_821, %swap3A_822] : memref<1x32x16384xf32, #tpu.memory_space<vmem>>, vector<1x32x128xf32>
    %swap3A_824 = vector.shape_cast %swap3A_823 : vector<1x32x128xf32> to vector<32x128xf32>
    %swap3A_825 = vector.shape_cast %slice3A_819 : vector<32x128xf32> to vector<1x32x128xf32>
    tpu.vector_store %arg3[%swap3A_820, %swap3A_821, %swap3A_822], %swap3A_825 {strides = array<i32>} : memref<1x32x16384xf32, #tpu.memory_space<vmem>>, vector<1x32x128xf32>,
    %slice3A_826 = vector.extract_strided_slice %transpose3A {offsets = [96, 2816], sizes = [32, 128], strides = [1, 1]} : vector<128x4096xf32> to vector<32x128xf32>
    %swap3A_827 = arith.constant 0 : index
    %swap3A_828 = arith.constant 0 : index
    %swap3A_829 = arith.constant 11648 : index
    %swap3A_830 = vector.load %arg3[%swap3A_827, %swap3A_828, %swap3A_829] : memref<1x32x16384xf32, #tpu.memory_space<vmem>>, vector<1x32x128xf32>
    %swap3A_831 = vector.shape_cast %swap3A_830 : vector<1x32x128xf32> to vector<32x128xf32>
    %swap3A_832 = vector.shape_cast %slice3A_826 : vector<32x128xf32> to vector<1x32x128xf32>
    tpu.vector_store %arg3[%swap3A_827, %swap3A_828, %swap3A_829], %swap3A_832 {strides = array<i32>} : memref<1x32x16384xf32, #tpu.memory_space<vmem>>, vector<1x32x128xf32>,
    %slice3A_833 = vector.extract_strided_slice %transpose3A {offsets = [96, 2944], sizes = [32, 128], strides = [1, 1]} : vector<128x4096xf32> to vector<32x128xf32>
    %swap3A_834 = arith.constant 0 : index
    %swap3A_835 = arith.constant 0 : index
    %swap3A_836 = arith.constant 12160 : index
    %swap3A_837 = vector.load %arg3[%swap3A_834, %swap3A_835, %swap3A_836] : memref<1x32x16384xf32, #tpu.memory_space<vmem>>, vector<1x32x128xf32>
    %swap3A_838 = vector.shape_cast %swap3A_837 : vector<1x32x128xf32> to vector<32x128xf32>
    %swap3A_839 = vector.shape_cast %slice3A_833 : vector<32x128xf32> to vector<1x32x128xf32>
    tpu.vector_store %arg3[%swap3A_834, %swap3A_835, %swap3A_836], %swap3A_839 {strides = array<i32>} : memref<1x32x16384xf32, #tpu.memory_space<vmem>>, vector<1x32x128xf32>,
    %slice3A_840 = vector.extract_strided_slice %transpose3A {offsets = [96, 3072], sizes = [32, 128], strides = [1, 1]} : vector<128x4096xf32> to vector<32x128xf32>
    %swap3A_841 = arith.constant 0 : index
    %swap3A_842 = arith.constant 0 : index
    %swap3A_843 = arith.constant 12672 : index
    %swap3A_844 = vector.load %arg3[%swap3A_841, %swap3A_842, %swap3A_843] : memref<1x32x16384xf32, #tpu.memory_space<vmem>>, vector<1x32x128xf32>
    %swap3A_845 = vector.shape_cast %swap3A_844 : vector<1x32x128xf32> to vector<32x128xf32>
    %swap3A_846 = vector.shape_cast %slice3A_840 : vector<32x128xf32> to vector<1x32x128xf32>
    tpu.vector_store %arg3[%swap3A_841, %swap3A_842, %swap3A_843], %swap3A_846 {strides = array<i32>} : memref<1x32x16384xf32, #tpu.memory_space<vmem>>, vector<1x32x128xf32>,
    %slice3A_847 = vector.extract_strided_slice %transpose3A {offsets = [96, 3200], sizes = [32, 128], strides = [1, 1]} : vector<128x4096xf32> to vector<32x128xf32>
    %swap3A_848 = arith.constant 0 : index
    %swap3A_849 = arith.constant 0 : index
    %swap3A_850 = arith.constant 13184 : index
    %swap3A_851 = vector.load %arg3[%swap3A_848, %swap3A_849, %swap3A_850] : memref<1x32x16384xf32, #tpu.memory_space<vmem>>, vector<1x32x128xf32>
    %swap3A_852 = vector.shape_cast %swap3A_851 : vector<1x32x128xf32> to vector<32x128xf32>
    %swap3A_853 = vector.shape_cast %slice3A_847 : vector<32x128xf32> to vector<1x32x128xf32>
    tpu.vector_store %arg3[%swap3A_848, %swap3A_849, %swap3A_850], %swap3A_853 {strides = array<i32>} : memref<1x32x16384xf32, #tpu.memory_space<vmem>>, vector<1x32x128xf32>,
    %slice3A_854 = vector.extract_strided_slice %transpose3A {offsets = [96, 3328], sizes = [32, 128], strides = [1, 1]} : vector<128x4096xf32> to vector<32x128xf32>
    %swap3A_855 = arith.constant 0 : index
    %swap3A_856 = arith.constant 0 : index
    %swap3A_857 = arith.constant 13696 : index
    %swap3A_858 = vector.load %arg3[%swap3A_855, %swap3A_856, %swap3A_857] : memref<1x32x16384xf32, #tpu.memory_space<vmem>>, vector<1x32x128xf32>
    %swap3A_859 = vector.shape_cast %swap3A_858 : vector<1x32x128xf32> to vector<32x128xf32>
    %swap3A_860 = vector.shape_cast %slice3A_854 : vector<32x128xf32> to vector<1x32x128xf32>
    tpu.vector_store %arg3[%swap3A_855, %swap3A_856, %swap3A_857], %swap3A_860 {strides = array<i32>} : memref<1x32x16384xf32, #tpu.memory_space<vmem>>, vector<1x32x128xf32>,
    %slice3A_861 = vector.extract_strided_slice %transpose3A {offsets = [96, 3456], sizes = [32, 128], strides = [1, 1]} : vector<128x4096xf32> to vector<32x128xf32>
    %swap3A_862 = arith.constant 0 : index
    %swap3A_863 = arith.constant 0 : index
    %swap3A_864 = arith.constant 14208 : index
    %swap3A_865 = vector.load %arg3[%swap3A_862, %swap3A_863, %swap3A_864] : memref<1x32x16384xf32, #tpu.memory_space<vmem>>, vector<1x32x128xf32>
    %swap3A_866 = vector.shape_cast %swap3A_865 : vector<1x32x128xf32> to vector<32x128xf32>
    %swap3A_867 = vector.shape_cast %slice3A_861 : vector<32x128xf32> to vector<1x32x128xf32>
    tpu.vector_store %arg3[%swap3A_862, %swap3A_863, %swap3A_864], %swap3A_867 {strides = array<i32>} : memref<1x32x16384xf32, #tpu.memory_space<vmem>>, vector<1x32x128xf32>,
    %slice3A_868 = vector.extract_strided_slice %transpose3A {offsets = [96, 3584], sizes = [32, 128], strides = [1, 1]} : vector<128x4096xf32> to vector<32x128xf32>
    %swap3A_869 = arith.constant 0 : index
    %swap3A_870 = arith.constant 0 : index
    %swap3A_871 = arith.constant 14720 : index
    %swap3A_872 = vector.load %arg3[%swap3A_869, %swap3A_870, %swap3A_871] : memref<1x32x16384xf32, #tpu.memory_space<vmem>>, vector<1x32x128xf32>
    %swap3A_873 = vector.shape_cast %swap3A_872 : vector<1x32x128xf32> to vector<32x128xf32>
    %swap3A_874 = vector.shape_cast %slice3A_868 : vector<32x128xf32> to vector<1x32x128xf32>
    tpu.vector_store %arg3[%swap3A_869, %swap3A_870, %swap3A_871], %swap3A_874 {strides = array<i32>} : memref<1x32x16384xf32, #tpu.memory_space<vmem>>, vector<1x32x128xf32>,
    %slice3A_875 = vector.extract_strided_slice %transpose3A {offsets = [96, 3712], sizes = [32, 128], strides = [1, 1]} : vector<128x4096xf32> to vector<32x128xf32>
    %swap3A_876 = arith.constant 0 : index
    %swap3A_877 = arith.constant 0 : index
    %swap3A_878 = arith.constant 15232 : index
    %swap3A_879 = vector.load %arg3[%swap3A_876, %swap3A_877, %swap3A_878] : memref<1x32x16384xf32, #tpu.memory_space<vmem>>, vector<1x32x128xf32>
    %swap3A_880 = vector.shape_cast %swap3A_879 : vector<1x32x128xf32> to vector<32x128xf32>
    %swap3A_881 = vector.shape_cast %slice3A_875 : vector<32x128xf32> to vector<1x32x128xf32>
    tpu.vector_store %arg3[%swap3A_876, %swap3A_877, %swap3A_878], %swap3A_881 {strides = array<i32>} : memref<1x32x16384xf32, #tpu.memory_space<vmem>>, vector<1x32x128xf32>,
    %slice3A_882 = vector.extract_strided_slice %transpose3A {offsets = [96, 3840], sizes = [32, 128], strides = [1, 1]} : vector<128x4096xf32> to vector<32x128xf32>
    %swap3A_883 = arith.constant 0 : index
    %swap3A_884 = arith.constant 0 : index
    %swap3A_885 = arith.constant 15744 : index
    %swap3A_886 = vector.load %arg3[%swap3A_883, %swap3A_884, %swap3A_885] : memref<1x32x16384xf32, #tpu.memory_space<vmem>>, vector<1x32x128xf32>
    %swap3A_887 = vector.shape_cast %swap3A_886 : vector<1x32x128xf32> to vector<32x128xf32>
    %swap3A_888 = vector.shape_cast %slice3A_882 : vector<32x128xf32> to vector<1x32x128xf32>
    tpu.vector_store %arg3[%swap3A_883, %swap3A_884, %swap3A_885], %swap3A_888 {strides = array<i32>} : memref<1x32x16384xf32, #tpu.memory_space<vmem>>, vector<1x32x128xf32>,
    %slice3A_889 = vector.extract_strided_slice %transpose3A {offsets = [96, 3968], sizes = [32, 128], strides = [1, 1]} : vector<128x4096xf32> to vector<32x128xf32>
    %swap3A_890 = arith.constant 0 : index
    %swap3A_891 = arith.constant 0 : index
    %swap3A_892 = arith.constant 16256 : index
    %swap3A_893 = vector.load %arg3[%swap3A_890, %swap3A_891, %swap3A_892] : memref<1x32x16384xf32, #tpu.memory_space<vmem>>, vector<1x32x128xf32>
    %swap3A_894 = vector.shape_cast %swap3A_893 : vector<1x32x128xf32> to vector<32x128xf32>
    %swap3A_895 = vector.shape_cast %slice3A_889 : vector<32x128xf32> to vector<1x32x128xf32>
    tpu.vector_store %arg3[%swap3A_890, %swap3A_891, %swap3A_892], %swap3A_895 {strides = array<i32>} : memref<1x32x16384xf32, #tpu.memory_space<vmem>>, vector<1x32x128xf32>,
    return
  }
  func.func @transform_0(%arg0: i32, %arg1: i32) -> (i32, i32) {
    %mul3A = arith.constant 1 : i32
    %mul3A_0 = arith.muli %arg0, %mul3A : i32
    %add3A = arith.addi %mul3A_0, %arg1 : i32
    %c0_i32 = arith.constant 0 : i32
    %c0_i32_1 = arith.constant 0 : i32
    return %add3A, %c0_i32 : i32, i32
  }
  func.func @transform_1(%arg0: i32, %arg1: i32) -> (i32, i32, i32) {
    %c0_i32 = arith.constant 0 : i32
    %c0_i32_0 = arith.constant 0 : i32
    return %arg0, %c0_i32, %arg1 : i32, i32, i32
  }
}

</mosaic_0001>

<sc_bundles>
// kernel: _emb_lookup.5.cloned.1.call-start
scs
__scs_entry_jumppad:
0x0: {  	(pc) =	sbr.rel $0x88, $3  }
0x1: {  	(tag) =	ssettag $0x0;
	lr =	simm.s32 $0x1  }
0x2: {  	[smem:$0x3F9F] =	sst lr;
	_ =	strace $0xD0000000  }
0x3: {  	_ = 	snop  }
0x4: {  	_ = 	snop  }
0x5: {  	_ = 	snop  }
0x6: {  	_ = 	snop  }
0x7: {  	_ = 	snop  }
__scs_overlays_trampoline_lowered:
0x8: {  	[smem:$0x3FAE] =	sst s0  }
0x9: {  	[smem:$0x3FAF] =	sst s1  }
0xa: {  	[smem:$0x3FB0] =	sst s2  }
0xb: {  	[smem:$0x3FB1] =	sst s3  }
0xc: {  	[smem:$0x3FB2] =	sst s4  }
0xd: {  	[smem:$0x3FB3] =	sst s5  }
0xe: {  	[smem:$0x3FB4] =	sst s6  }
0xf: {  	[smem:$0x3FB5] =	sst s7  }
0x10: {  	[smem:$0x3FB6] =	sst s8  }
0x11: {  	[smem:$0x3FB7] =	sst s9;
	s0 =	simm.s32 @!p0 $0x0  }
0x12: {  	s1 =	sld [smem:$0x3F9D];
	s0 =	simm.s32 @p0 $0x1  }
0x13: {  	[smem:$0x3FB8] =	sst s0;
	s0 =	simm.s32 @!p1 $0x0  }
0x14: {  	s2 =	sld [smem:$0x3F9C];
	s0 =	simm.s32 @p1 $0x1  }
0x15: {  	[smem:$0x3FB9] =	sst s0;
	s0 =	simm.s32 @!p2 $0x0  }
0x16: {  	s3 =	sld [smem:$0x3FDB];
	s0 =	simm.s32 @p2 $0x1  }
0x17: {  	s4 =	simm.s32 $0x1BF5;
	[smem:$0x3FBB] =	sst s0  }
0x18: {  	s0 =	sld [smem:$0x3F9E];
	_ =	swait.ge [sflag:s4], $0x0  }
0x19: {  	s7 =	sld [smem:$0x3F9F]  }
0x1a: {  	s8 =	sadd.s32 $0xFFFFE003, lr  }
0x1b: {  	s9 =	sadd.s32 $0xFFFFFEF7, lr;
	s5 =	simm.s32 $0xFFFFFFFF;
	p2 =	slt.u32 s8, $0xFFFFF086  }
0x1c: {  	p1 =	slt.u32 s9, $0xF7A;
	s5 =	simm.s32 @!p2 $0x0  }
0x1d: {  	s5 =	simm.s32 @p1 $0x1;
	p0 =	seq.s32 s7, s2  }
0x1e: {  	s7 =	smul.u32 @!p0 $0xF7A, s2;
	p2 =	seq.s32 @!p0 s5, $0x0  }
0x1f: {  	s9 =	smul.u32 $0xF7A, s1;
	s8 =	simm.s32 @!p0 $0x1BF5;
	p2 =	por !p2, p0  }
0x20: {  	[sflag:s8] =	ssyncset.s32 @!p0 $0xFFFFF086;
	s6 =	sadd.s32 @!p0 s3, s7;
	s7 =	simm.s32 @!p0 $0x108  }
0x21: {  	s3 =	sadd.s32 s3, s9;
	s6 =	sadd.s32 @!p0 $0x88, s6;
	s7 =	simm.s32 @p2 $0x1082  }
0x22: {  	[simem:s7], [sflag:s8] =	dma.local @!p0 [hbm:s6], $0xF7A  }
0x23: {  	s9 =	sor.u32 $0xD0000000, s2;
	s6 =	simm.s32 $0x108;
	_ =	swait.ge @!p0 [sflag:s8], $0x0  }
0x24: {  	s3 =	sadd.s32 $0x88, s3;
	s6 =	simm.s32 @!p1 $0x1082;
	[sflag:s4] =	ssyncset.s32 $0xFFFFF086  }
0x25: {  	[simem:s6], [sflag:s4] =	dma.local [hbm:s3], $0xF7A  }
0x26: {  	[smem:$0x3F9F] =	sst s1;
	(tag) =	ssettag s2;
	_ =	strace s9  }
0x27: {  	s1 =	sld [smem:$0x3FAF]  }
0x28: {  	s2 =	sld [smem:$0x3FB0]  }
0x29: {  	s4 =	sld [smem:$0x3FB2]  }
0x2a: {  	p0 =	seq.s32 s5, $0x0;
	s5 =	sld [smem:$0x3FB3]  }
0x2b: {  	s6 =	sld [smem:$0x3FB4]  }
0x2c: {  	s7 =	sld [smem:$0x3FB5]  }
0x2d: {  	s3 =	simm.s32 $0x108;
	s8 =	sld [smem:$0x3FB6]  }
0x2e: {  	s3 =	simm.s32 @!p0 $0x1082;
	s9 =	sld [smem:$0x3FB7]  }
0x2f: {  	lr =	sadd.s32 s0, s3;
	s0 =	sld [smem:$0x3FAE]  }
0x30: {  	s3 =	sld [smem:$0x3FB1]  }
0x31: {  	[smem:$0x3FBA] =	sst s10  }
0x32: {  	s10 =	sld [smem:$0x3FB8];
	_ =	sdelay $0x3  }
0x33: {  	p0 =	seq.s32 s10, $0x1;
	s10 =	sld [smem:$0x3FBA];
	_ =	sdelay $0x3  }
0x34: {  	[smem:$0x3FBA] =	sst s10  }
0x35: {  	s10 =	sld [smem:$0x3FB9];
	_ =	sdelay $0x3  }
0x36: {  	p1 =	seq.s32 s10, $0x1;
	s10 =	sld [smem:$0x3FBA];
	_ =	sdelay $0x3  }
0x37: {  	[smem:$0x3FBA] =	sst s10  }
0x38: {  	s10 =	sld [smem:$0x3FBB]  }
0x39: {  	_ = 	snop;
	(pc) =	sbr.ind lr, $3  }
0x3a: {  	_ = 	snop  }
0x3b: {  	_ = 	snop  }
0x3c: {  	p2 =	seq.s32 s10, $0x1;
	s10 =	sld [smem:$0x3FBA]  }
0x3d: {  	_ =	shalt  }
0x3e: {  	_ =	shalt  }
0x3f: {  	_ =	shalt  }
0x40: {  	_ =	shalt  }
0x41: {  	_ =	shalt  }
0x42: {  	_ =	shalt  }
0x43: {  	_ =	shalt  }
0x44: {  	_ =	shalt  }
0x45: {  	_ =	shalt  }
0x46: {  	_ =	shalt  }
0x47: {  	_ =	shalt  }
0x48: {  	_ =	shalt  }
0x49: {  	_ =	shalt  }
0x4a: {  	_ =	shalt  }
0x4b: {  	_ =	shalt  }
0x4c: {  	_ =	shalt  }
0x4d: {  	_ =	shalt  }
0x4e: {  	_ =	shalt  }
0x4f: {  	_ =	shalt  }
0x50: {  	_ =	shalt  }
0x51: {  	_ =	shalt  }
0x52: {  	_ =	shalt  }
0x53: {  	_ =	shalt  }
0x54: {  	_ =	shalt  }
0x55: {  	_ =	shalt  }
0x56: {  	_ =	shalt  }
0x57: {  	_ =	shalt  }
0x58: {  	_ =	shalt  }
0x59: {  	_ =	shalt  }
0x5a: {  	_ =	shalt  }
0x5b: {  	_ =	shalt  }
0x5c: {  	_ =	shalt  }
0x5d: {  	_ =	shalt  }
0x5e: {  	_ =	shalt  }
0x5f: {  	_ =	shalt  }
0x60: {  	_ =	shalt  }
0x61: {  	_ =	shalt  }
0x62: {  	_ =	shalt  }
0x63: {  	_ =	shalt  }
0x64: {  	_ =	shalt  }
0x65: {  	_ =	shalt  }
0x66: {  	_ =	shalt  }
0x67: {  	_ =	shalt  }
0x68: {  	_ =	shalt  }
0x69: {  	_ =	shalt  }
0x6a: {  	_ =	shalt  }
0x6b: {  	_ =	shalt  }
0x6c: {  	_ =	shalt  }
0x6d: {  	_ =	shalt  }
0x6e: {  	_ =	shalt  }
0x6f: {  	_ =	shalt  }
0x70: {  	_ =	shalt  }
0x71: {  	_ =	shalt  }
0x72: {  	_ =	shalt  }
0x73: {  	_ =	shalt  }
0x74: {  	_ =	shalt  }
0x75: {  	_ =	shalt  }
0x76: {  	_ =	shalt  }
0x77: {  	_ =	shalt  }
0x78: {  	_ =	shalt  }
0x79: {  	_ =	shalt  }
0x7a: {  	_ =	shalt  }
0x7b: {  	_ =	shalt  }
0x7c: {  	_ =	shalt  }
0x7d: {  	_ =	shalt  }
0x7e: {  	_ =	shalt  }
0x7f: {  	_ =	shalt  }
0x80: {  	_ =	shalt  }
0x81: {  	_ =	shalt  }
0x82: {  	_ =	shalt  }
0x83: {  	_ =	shalt  }
0x84: {  	_ =	shalt  }
0x85: {  	_ =	shalt  }
0x86: {  	_ =	shalt  }
0x87: {  	_ =	shalt  }
.Lfunc_end0:
.L_simem_size_0:
called_computation_lowered:
.L_overlay_start_0:
0x88: {  	s2 =	sld [smem:$0x3FD9]  }
0x89: {  	s3 =	sld [smem:$0x3FFE];
	_ =	sdelay $0x1  }
0x8a: {  	s1 =	srdreg.scid  }
0x8b: {  	s0 =	sand.u32 $0x1, s1  }
0x8c: {  	s17 =	sshll.u32 s0, $0xA;
	s2 =	sadd.s32 s3, s2  }
0x8d: {  	s2 =	sadd.s32 s2, s17  }
0x8e: {  	[smem:$0x3FC6] =	sst s2  }
0x8f: {  	_ = 	snop  }
0x90: {  	s2 =	sld [smem:$0x3FC9];
	(tm) =	ssettm $0x1  }
0x91: {  	s18 =	sld [smem:$0x3FFB];
	_ =	sdelay $0x3  }
0x92: {  	_ =	strace s18  }
0x93: {  	s3 =	sld [smem:$0x3FFC];
	_ =	sdelay $0x3  }
0x94: {  	_ =	strace s3  }
0x95: {  	s3 =	sld [smem:$0x3FFD];
	_ =	sdelay $0x3  }
0x96: {  	_ =	strace s3  }
0x97: {  	_ =	strace $0x8FFFFFFF  }
0x98: {  	s19 =	sld [smem:$0x3FDB];
	_ =	sdelay $0x1  }
0x99: {  	s4 =	simm.s32 $_scs_section_size  }
0x9a: {  	s5 =	simm.s32 $_size__tile_overlayer_lowered;
	s6 =	simm.s32 $_tile_overlayer_lowered  }
0x9b: {  	s22 =	simm.s32 $0x1BFF;
	s21 =	sshll.u32 s6, $0x1;
	s3 =	sadd.s32 s4, s19  }
0x9c: {  	s7 =	simm.s32 $0x0;
	s20 =	sshll.u32 s5, $0x1;
	s5 =	sadd.s32 s21, s3  }
0x9d: {  	[timem:s7], [sflag:s22] =	dma.local [hbm:s5], s20  }
0x9e: {  	_ =	swait.ge [sflag:s22], s20  }
0x9f: {  	s4 =	ssub.s32 $0x0, s20;
	[sflag:s22] =	ssyncset.done $0x0  }
0xa0: {  	[sflag:s22] =	ssyncadd.s32 s4;
	_ =	sdelay $0x1  }
0xa1: {  	s23 =	simm.s32 $0x1B8B  }
0xa2: {  	_ =	swait.ge [sflag:s23], $0x1  }
0xa3: {  	[sflag:s23] =	ssyncset.done $0x0  }
0xa4: {  	s25 =	simm.s32 $0x1B8E;
	s24 =	sld [smem:$0x3FFE];
	[sflag:s23] =	ssyncadd.s32 $0xFFFFFFFF  }
0xa5: {  	s26 =	simm.s32 $execute0_lowered;
	[smem:$0x3FD2] =	sst s25  }
0xa6: {  	s5 =	sshll.u32 s26, $0x1;
	_ =	strace $0x80000046;
	[dreg:$0x1] =	wrdreg $0xFFFFFFFF  }
0xa7: {  	s28 =	simm.s32 $_size_execute0_lowered;
	s3 =	sadd.s32 s3, s5;
	[dreg:$0x0] =	wrdreg $0x0  }
0xa8: {  	s5 =	sshll.u32 s28, $0x1;
	[dreg:$0x2] =	wrdreg s3  }
0xa9: {  	[dreg:$0x3] =	wrdreg s5  }
0xaa: {  	[dreg:$0x4] =	wrdreg $0xC0  }
0xab: {  	_ =	task [dreg:s7], $0x5FFFF  }
0xac: {  	[dreg:$0x1] =	wrdreg $0xFFFFFFFF  }
0xad: {  	[dreg:$0x0] =	wrdreg $0x60  }
0xae: {  	[dreg:$0x2] =	wrdreg s2  }
0xaf: {  	[dreg:$0x3] =	wrdreg s24  }
0xb0: {  	[dreg:$0x4] =	wrdreg $0x9  }
0xb1: {  	_ =	task.clear_ibuf [dreg:s7], $0x5FFFF;
	_ =	strace $0x90000046  }
0xb2: {  	s29 =	simm.s32 $0x9;
	_ =	strace $0x80000048  }
0xb3: {  	_ =	swait.ge [sflag:s29], $0x1  }
0xb4: {  	[sflag:s29] =	ssyncadd.s32 $0xFFFFFFFF  }
0xb5: {  	_ =	strace $0x90000048  }
0xb6: {  	_ =	sfence  }
0xb7: {  	s30 =	sld [smem:$0x0];
	_ =	sdelay $0x2  }
0xb8: {  	s31 =	sshll.u32 s1, $0xD;
	s1 =	sshrl.u32 s1, $0x2  }
0xb9: {  	s3 =	sand.u32 $0x4000, s31;
	s1 =	sadd.s32 s1, s30  }
0xba: {  	s0 =	sor.u32 s3, s0;
	s1 =	sshll.u32 s1, $0x11  }
0xbb: {  	s0 =	sor.u32 s1, s0  }
0xbc: {  	s0 =	sadd.s32 $0x8F2B, s0  }
0xbd: {  	[sflag:s0] =	ssyncadd.remote.s32 $0x1  }
0xbe: {  	_ =	sfence.sel $0xFFFF  }
0xbf: {  	[dreg:$0x0] =	wrdreg $0xFFFFFFFF;
	(pc) =	sbr.abs _section_cstart, $3  }
0xc0: {  	[dreg:$0x1] =	wrdreg $0xFFFFFFFF  }
0xc1: {  	_ =	task.clear_ibuf [dreg:s7], $0x2FFFF;
	_ =	strace $0x9FFFFFFF  }
0xc2: {  	(tm) =	ssettm $0x7FFFFFFF  }
0xc3: {  	_ =	shalt  }
tec
execute0_lowered:
.L_overlay_start_1:
0x0: {  	(tag) =	ssettag $0x1  }
0x1: {  	s0 =	rddreg [dreg:$0x0]  }
0x2: {  	s1 =	srdreg.scid;
	s8 =	stileid.u32  }
0x3: {  	s2 =	rddreg [dreg:$0x1];
	s4 =	simm.s32 $0x0;
	s15 =	simm.s32 $0x3  }
0x4: {  	s16 =	simm.s32 $0x80;
	s17 =	simm.s32 $0x6400;
	s29 =	simm.s32 $0xC400  }
0x5: {  	s31 =	simm.s32 $0xD400;
	s30 =	simm.s32 $0x11400;
	s28 =	simm.s32 $0x13400  }
0x6: {  	s1 =	sand.u32 $0x1, s1;
	s3 =	sshll.u32 s8, $0x1;
	s23 =	smul.u32 $0x32000, s8  }
0x7: {  	s3 =	sor.u32 s1, s3;
	s6 =	ssub.s32 $0x2, s1;
	s1 =	smul.u32 $0x19000, s1  }
0x8: {  	[smem:$0x7FF] =	sst s4;
	s5 =	sadd.s32 $0xF42800, s2;
	s18 =	smul.u32 $0xC8000, s3  }
0x9: {  	_ =	strace $0x80000047;
	s7 =	smul.u32 $0xC80, s3;
	s19 =	sshrl.u32 s6, $0x1  }
0xa: {  	s3 =	sadd.s32 $0x400, s2;
	s2 =	ssub.s32 s6, s19;
	s19 =	simm.s32 $0x12400  }
0xb: {  	s6 =	simm.s32 $0x0;
	s4 =	sshrl.u32 s18, $0x3;
	s0 =	sadd.s32 s0, s7  }
0xc: {  	s13 =	smax.u32 s2, $0x1;
	s18 =	simm.s32 $0x7400;
	s2 =	simm.s32 $0x1  }
0xd: {  	s4 =	sadd.s32 s5, s4;
	[dreg:$0x3] =	wrdreg s0;
	s0 =	sadd.s32 s23, s5  }
0xe: {  	s23 =	simm.s32 $0x14400;
	s5 =	simm.s32 $0x2;
	s20 =	sadd.s32 $0x18000, s4  }
0xf: {  	s21 =	sadd.s32 $0x18004, s4;
	s22 =	sadd.s32 $0x18008, s4;
	[dreg:$0x4] =	wrdreg s20  }
0x10: {  	s24 =	sadd.s32 $0x1800C, s4;
	s25 =	sadd.s32 $0x18800, s4;
	[dreg:$0x5] =	wrdreg s21  }
0x11: {  	s26 =	sadd.s32 $0x18804, s4;
	s11 =	sadd.s32 $0x18808, s4;
	[dreg:$0x6] =	wrdreg s22  }
.Ltmp0:
0x12: {  	s12 =	sadd.s32 $0x1880C, s4;
	[dreg:$0x7] =	wrdreg s24;
	(pc) =	sbr.rel .LBB2_1-.Ltmp0, $4  }
0x13: {  	s14 =	sadd.s32 s1, s0;
	s0 =	simm.s32 $0xE400;
	[dreg:$0x8] =	wrdreg s25  }
0x14: {  	s1 =	simm.s32 $0x15400;
	s4 =	simm.s32 $0x20;
	[dreg:$0x9] =	wrdreg s26  }
0x15: {  	s20 =	simm.s32 $0x8400;
	s22 =	simm.s32 $0x9400;
	s24 =	simm.s32 $0xA400  }
0x16: {  	s26 =	simm.s32 $0xB400;
	s21 =	simm.s32 $0xF400;
	s25 =	simm.s32 $0x10400  }
.LBB2_4:
0x17: {  	_ =	swait.ge [sflag:s2], $0x8000  }
0x18: {  	[sflag:s2] =	ssyncset.done $0x0  }
0x19: {  	s7 =	rddreg [dreg:$0x4];
	[sflag:s2] =	ssyncadd.s32 $0xFFFF8000  }
0x1a: {  	[hbm4b:s7+s4] =	stream.strided.scatter [tilespmem:s17], [sflag:$0x3], $0x1000, s16, s4, $0x38;
	[tilespmem:$0x16400] =	vst v63  }
0x1b: {  	_ =	swait.ge [sflag:s15], $0x1000  }
0x1c: {  	[sflag:s15] =	ssyncset.done $0x0  }
0x1d: {  	s9 =	rddreg [dreg:$0x5];
	[sflag:s15] =	ssyncadd.s32 $0xFFFFF000  }
0x1e: {  	[hbm4b:s9+s4] =	stream.strided.scatter [tilespmem:s18], [sflag:$0x3], $0x1000, s16, s4, $0x38;
	[tilespmem:$0x16400] =	vst v63  }
0x1f: {  	_ =	swait.ge [sflag:s15], $0x1000  }
0x20: {  	[sflag:s15] =	ssyncset.done $0x0  }
0x21: {  	s10 =	rddreg [dreg:$0x6];
	[sflag:s15] =	ssyncadd.s32 $0xFFFFF000  }
0x22: {  	[hbm4b:s10+s4] =	stream.strided.scatter [tilespmem:s20], [sflag:$0x3], $0x1000, s16, s4, $0x38;
	[tilespmem:$0x16400] =	vst v63  }
0x23: {  	_ =	swait.ge [sflag:s15], $0x1000  }
0x24: {  	[sflag:s15] =	ssyncset.done $0x0  }
0x25: {  	s8 =	rddreg [dreg:$0x7];
	[sflag:s15] =	ssyncadd.s32 $0xFFFFF000  }
0x26: {  	[hbm4b:s8+s4] =	stream.strided.scatter [tilespmem:s22], [sflag:$0x3], $0x1000, s16, s4, $0x38;
	[tilespmem:$0x16400] =	vst v63  }
0x27: {  	_ =	swait.ge [sflag:s15], $0x1000  }
0x28: {  	[sflag:s15] =	ssyncset.done $0x0  }
0x29: {  	s9 =	rddreg [dreg:$0x8];
	[sflag:s15] =	ssyncadd.s32 $0xFFFFF000  }
0x2a: {  	[hbm4b:s9+s4] =	stream.strided.scatter [tilespmem:s24], [sflag:$0x3], $0x1000, s16, s4, $0x38;
	[tilespmem:$0x16400] =	vst v63  }
0x2b: {  	_ =	swait.ge [sflag:s15], $0x1000  }
0x2c: {  	[sflag:s15] =	ssyncset.done $0x0  }
0x2d: {  	s10 =	rddreg [dreg:$0x9];
	[sflag:s15] =	ssyncadd.s32 $0xFFFFF000  }
0x2e: {  	[hbm4b:s10+s4] =	stream.strided.scatter [tilespmem:s26], [sflag:$0x3], $0x1000, s16, s4, $0x38;
	[tilespmem:$0x16400] =	vst v63  }
0x2f: {  	_ =	swait.ge [sflag:s15], $0x1000  }
0x30: {  	[sflag:s15] =	ssyncset.done $0x0  }
0x31: {  	[sflag:s15] =	ssyncadd.s32 $0xFFFFF000  }
0x32: {  	[hbm4b:s11+s4] =	stream.strided.scatter [tilespmem:s29], [sflag:$0x3], $0x1000, s16, s4, $0x38;
	[tilespmem:$0x16400] =	vst v63  }
0x33: {  	s6 =	sadd.s32 $0x1, s6;
	_ =	swait.ge [sflag:s15], $0x1000  }
0x34: {  	p0 =	sne.s32 s6, s13;
	[sflag:s15] =	ssyncset.done $0x0  }
.Ltmp1:
0x35: {  	[sflag:s15] =	ssyncadd.s32 $0xFFFFF000;
	(pc) =	sbr.rel @!p0 .LBB2_5-.Ltmp1, $4  }
0x36: {  	[hbm4b:s12+s4] =	stream.strided.scatter [tilespmem:s31], [sflag:$0x3], $0x1000, s16, s4, $0x38;
	[tilespmem:$0x16400] =	vst v63  }
0x37: {  	_ =	swait.ge [sflag:s15], $0x1000  }
0x38: {  	[sflag:s15] =	ssyncset.done $0x0  }
0x39: {  	[sflag:s15] =	ssyncadd.s32 $0xFFFFF000  }
.LBB2_1:
0x3a: {  	s7 =	simm.s32 $0x0;
	s8 =	rddreg [dreg:$0x3]  }
0x3b: {  	[tilespmem:s7], [sflag:$0x3] =	stream.linear.gather [hbm4b:s8+s7], $0x6400, $0x38;
	[tilespmem:$0x16400] =	vst v63  }
0x3c: {  	_ =	swait.ge [sflag:s15], $0x6400  }
0x3d: {  	[sflag:s15] =	ssyncset.done $0x0  }
0x3e: {  	[sflag:s15] =	ssyncadd.s32 $0xFFFF9C00  }
0x3f: {  	[tilespmem:s17], [sflag:$0x1] =	stream.indirect.gather [hbm4b:s3+s16], $0x20, s7, s16, $0xb8;
	[tilespmem:$0x16400] =	vst v63  }
0x40: {  	_ = 	snop  }
0x41: {  	[tilespmem:s18], [sflag:$0x1] =	stream.indirect.gather [hbm4b:s3+s16], $0x20, s16, s16, $0xb8;
	[tilespmem:$0x16400] =	vst v63  }
0x42: {  	s9 =	simm.s32 $0x100  }
0x43: {  	[tilespmem:s20], [sflag:$0x1] =	stream.indirect.gather [hbm4b:s3+s16], $0x20, s9, s16, $0xb8;
	[tilespmem:$0x16400] =	vst v63  }
0x44: {  	s10 =	simm.s32 $0x180  }
0x45: {  	[tilespmem:s22], [sflag:$0x1] =	stream.indirect.gather [hbm4b:s3+s16], $0x20, s10, s16, $0xb8;
	[tilespmem:$0x16400] =	vst v63  }
0x46: {  	s8 =	simm.s32 $0x200  }
0x47: {  	[tilespmem:s24], [sflag:$0x1] =	stream.indirect.gather [hbm4b:s3+s16], $0x20, s8, s16, $0xb8;
	[tilespmem:$0x16400] =	vst v63  }
0x48: {  	s9 =	simm.s32 $0x280  }
0x49: {  	[tilespmem:s26], [sflag:$0x1] =	stream.indirect.gather [hbm4b:s3+s16], $0x20, s9, s16, $0xb8;
	[tilespmem:$0x16400] =	vst v63  }
0x4a: {  	s10 =	simm.s32 $0x300  }
0x4b: {  	[tilespmem:s29], [sflag:$0x1] =	stream.indirect.gather [hbm4b:s3+s16], $0x20, s10, s16, $0xb8;
	[tilespmem:$0x16400] =	vst v63  }
0x4c: {  	s8 =	simm.s32 $0x380  }
0x4d: {  	[tilespmem:s31], [sflag:$0x1] =	stream.indirect.gather [hbm4b:s3+s16], $0x20, s8, s16, $0xb8;
	[tilespmem:$0x16400] =	vst v63  }
0x4e: {  	s9 =	simm.s32 $0x400  }
0x4f: {  	[tilespmem:s0], [sflag:$0x2] =	stream.indirect.gather [hbm4b:s3+s16], $0x20, s9, s16, $0xb8;
	[tilespmem:$0x16400] =	vst v63  }
0x50: {  	s10 =	simm.s32 $0x480  }
0x51: {  	[tilespmem:s21], [sflag:$0x2] =	stream.indirect.gather [hbm4b:s3+s16], $0x20, s10, s16, $0xb8;
	[tilespmem:$0x16400] =	vst v63  }
0x52: {  	s8 =	simm.s32 $0x500  }
0x53: {  	[tilespmem:s25], [sflag:$0x2] =	stream.indirect.gather [hbm4b:s3+s16], $0x20, s8, s16, $0xb8;
	[tilespmem:$0x16400] =	vst v63  }
0x54: {  	s9 =	simm.s32 $0x580  }
0x55: {  	[tilespmem:s30], [sflag:$0x2] =	stream.indirect.gather [hbm4b:s3+s16], $0x20, s9, s16, $0xb8;
	[tilespmem:$0x16400] =	vst v63  }
0x56: {  	s10 =	simm.s32 $0x600  }
0x57: {  	[tilespmem:s19], [sflag:$0x2] =	stream.indirect.gather [hbm4b:s3+s16], $0x20, s10, s16, $0xb8;
	[tilespmem:$0x16400] =	vst v63  }
0x58: {  	s8 =	simm.s32 $0x680  }
0x59: {  	[tilespmem:s28], [sflag:$0x2] =	stream.indirect.gather [hbm4b:s3+s16], $0x20, s8, s16, $0xb8;
	[tilespmem:$0x16400] =	vst v63  }
0x5a: {  	s9 =	simm.s32 $0x700  }
0x5b: {  	[tilespmem:s23], [sflag:$0x2] =	stream.indirect.gather [hbm4b:s3+s16], $0x20, s9, s16, $0xb8;
	[tilespmem:$0x16400] =	vst v63  }
0x5c: {  	s7 =	simm.s32 $0x0;
	s10 =	simm.s32 $0x780  }
0x5d: {  	[tilespmem:s1], [sflag:$0x2] =	stream.indirect.gather [hbm4b:s3+s16], $0x20, s10, s16, $0xb8;
	[tilespmem:$0x16400] =	vst v63  }
.LBB2_2:
0x5e: {  	_ =	swait.ge [sflag:s2], $0x8000  }
0x5f: {  	[sflag:s2] =	ssyncset.done $0x0  }
0x60: {  	s8 =	sadd.s32 s7, s14;
	[sflag:s2] =	ssyncadd.s32 $0xFFFF8000  }
0x61: {  	[hbm4b:s8+s4] =	stream.strided.scatter [tilespmem:s17], [sflag:$0x3], $0x1000, s16, s4, $0x38;
	[tilespmem:$0x16400] =	vst v63  }
0x62: {  	_ =	swait.ge [sflag:s15], $0x1000  }
0x63: {  	[sflag:s15] =	ssyncset.done $0x0  }
0x64: {  	s9 =	sadd.s32 $0x4, s8;
	[sflag:s15] =	ssyncadd.s32 $0xFFFFF000  }
0x65: {  	[hbm4b:s9+s4] =	stream.strided.scatter [tilespmem:s18], [sflag:$0x3], $0x1000, s16, s4, $0x38;
	[tilespmem:$0x16400] =	vst v63  }
0x66: {  	_ =	swait.ge [sflag:s15], $0x1000  }
0x67: {  	[sflag:s15] =	ssyncset.done $0x0  }
0x68: {  	s10 =	sadd.s32 $0x8, s8;
	[sflag:s15] =	ssyncadd.s32 $0xFFFFF000  }
0x69: {  	[hbm4b:s10+s4] =	stream.strided.scatter [tilespmem:s20], [sflag:$0x3], $0x1000, s16, s4, $0x38;
	[tilespmem:$0x16400] =	vst v63  }
0x6a: {  	_ =	swait.ge [sflag:s15], $0x1000  }
0x6b: {  	[sflag:s15] =	ssyncset.done $0x0  }
0x6c: {  	s10 =	sadd.s32 $0xC, s8;
	[sflag:s15] =	ssyncadd.s32 $0xFFFFF000  }
0x6d: {  	[hbm4b:s10+s4] =	stream.strided.scatter [tilespmem:s22], [sflag:$0x3], $0x1000, s16, s4, $0x38;
	[tilespmem:$0x16400] =	vst v63  }
0x6e: {  	_ =	swait.ge [sflag:s15], $0x1000  }
0x6f: {  	[sflag:s15] =	ssyncset.done $0x0  }
0x70: {  	s10 =	sadd.s32 $0x800, s8;
	[sflag:s15] =	ssyncadd.s32 $0xFFFFF000  }
0x71: {  	[hbm4b:s10+s4] =	stream.strided.scatter [tilespmem:s24], [sflag:$0x3], $0x1000, s16, s4, $0x38;
	[tilespmem:$0x16400] =	vst v63  }
0x72: {  	_ =	swait.ge [sflag:s15], $0x1000  }
0x73: {  	[sflag:s15] =	ssyncset.done $0x0  }
0x74: {  	s10 =	sadd.s32 $0x804, s8;
	[sflag:s15] =	ssyncadd.s32 $0xFFFFF000  }
0x75: {  	[hbm4b:s10+s4] =	stream.strided.scatter [tilespmem:s26], [sflag:$0x3], $0x1000, s16, s4, $0x38;
	[tilespmem:$0x16400] =	vst v63  }
0x76: {  	_ =	swait.ge [sflag:s15], $0x1000  }
0x77: {  	[sflag:s15] =	ssyncset.done $0x0  }
0x78: {  	s10 =	sadd.s32 $0x808, s8;
	[sflag:s15] =	ssyncadd.s32 $0xFFFFF000  }
0x79: {  	[hbm4b:s10+s4] =	stream.strided.scatter [tilespmem:s29], [sflag:$0x3], $0x1000, s16, s4, $0x38;
	[tilespmem:$0x16400] =	vst v63  }
0x7a: {  	_ =	swait.ge [sflag:s15], $0x1000  }
0x7b: {  	[sflag:s15] =	ssyncset.done $0x0  }
0x7c: {  	s10 =	sadd.s32 $0x80C, s8;
	[sflag:s15] =	ssyncadd.s32 $0xFFFFF000  }
0x7d: {  	[hbm4b:s10+s4] =	stream.strided.scatter [tilespmem:s31], [sflag:$0x3], $0x1000, s16, s4, $0x38;
	[tilespmem:$0x16400] =	vst v63  }
0x7e: {  	_ =	swait.ge [sflag:s15], $0x1000  }
0x7f: {  	s9 =	sshra.s32 s7, $0x2;
	[sflag:s15] =	ssyncset.done $0x0  }
0x80: {  	s10 =	sadd.s32 $0x800, s9;
	[sflag:s15] =	ssyncadd.s32 $0xFFFFF000  }
0x81: {  	[tilespmem:s17], [sflag:$0x1] =	stream.indirect.gather [hbm4b:s3+s16], $0x20, s10, s16, $0xb8;
	[tilespmem:$0x16400] =	vst v63  }
0x82: {  	s10 =	sadd.s32 $0x880, s9  }
0x83: {  	[tilespmem:s18], [sflag:$0x1] =	stream.indirect.gather [hbm4b:s3+s16], $0x20, s10, s16, $0xb8;
	[tilespmem:$0x16400] =	vst v63  }
0x84: {  	s10 =	sadd.s32 $0x900, s9  }
0x85: {  	[tilespmem:s20], [sflag:$0x1] =	stream.indirect.gather [hbm4b:s3+s16], $0x20, s10, s16, $0xb8;
	[tilespmem:$0x16400] =	vst v63  }
0x86: {  	s10 =	sadd.s32 $0x980, s9  }
0x87: {  	[tilespmem:s22], [sflag:$0x1] =	stream.indirect.gather [hbm4b:s3+s16], $0x20, s10, s16, $0xb8;
	[tilespmem:$0x16400] =	vst v63  }
0x88: {  	s10 =	sadd.s32 $0xA00, s9  }
0x89: {  	[tilespmem:s24], [sflag:$0x1] =	stream.indirect.gather [hbm4b:s3+s16], $0x20, s10, s16, $0xb8;
	[tilespmem:$0x16400] =	vst v63  }
0x8a: {  	s10 =	sadd.s32 $0xA80, s9  }
0x8b: {  	[tilespmem:s26], [sflag:$0x1] =	stream.indirect.gather [hbm4b:s3+s16], $0x20, s10, s16, $0xb8;
	[tilespmem:$0x16400] =	vst v63  }
0x8c: {  	s10 =	sadd.s32 $0xB00, s9  }
0x8d: {  	[tilespmem:s29], [sflag:$0x1] =	stream.indirect.gather [hbm4b:s3+s16], $0x20, s10, s16, $0xb8;
	[tilespmem:$0x16400] =	vst v63  }
0x8e: {  	s10 =	sadd.s32 $0xB80, s9  }
0x8f: {  	[tilespmem:s31], [sflag:$0x1] =	stream.indirect.gather [hbm4b:s3+s16], $0x20, s10, s16, $0xb8;
	[tilespmem:$0x16400] =	vst v63  }
0x90: {  	_ =	swait.ge [sflag:s5], $0x8000  }
0x91: {  	[sflag:s5] =	ssyncset.done $0x0  }
0x92: {  	s10 =	sadd.s32 $0x1000, s8;
	[sflag:s5] =	ssyncadd.s32 $0xFFFF8000  }
0x93: {  	[hbm4b:s10+s4] =	stream.strided.scatter [tilespmem:s0], [sflag:$0x3], $0x1000, s16, s4, $0x38;
	[tilespmem:$0x16400] =	vst v63  }
0x94: {  	_ =	swait.ge [sflag:s15], $0x1000  }
0x95: {  	[sflag:s15] =	ssyncset.done $0x0  }
0x96: {  	s10 =	sadd.s32 $0x1004, s8;
	[sflag:s15] =	ssyncadd.s32 $0xFFFFF000  }
0x97: {  	[hbm4b:s10+s4] =	stream.strided.scatter [tilespmem:s21], [sflag:$0x3], $0x1000, s16, s4, $0x38;
	[tilespmem:$0x16400] =	vst v63  }
0x98: {  	_ =	swait.ge [sflag:s15], $0x1000  }
0x99: {  	[sflag:s15] =	ssyncset.done $0x0  }
0x9a: {  	s10 =	sadd.s32 $0x1008, s8;
	[sflag:s15] =	ssyncadd.s32 $0xFFFFF000  }
0x9b: {  	[hbm4b:s10+s4] =	stream.strided.scatter [tilespmem:s25], [sflag:$0x3], $0x1000, s16, s4, $0x38;
	[tilespmem:$0x16400] =	vst v63  }
0x9c: {  	_ =	swait.ge [sflag:s15], $0x1000  }
0x9d: {  	[sflag:s15] =	ssyncset.done $0x0  }
0x9e: {  	s10 =	sadd.s32 $0x100C, s8;
	[sflag:s15] =	ssyncadd.s32 $0xFFFFF000  }
0x9f: {  	[hbm4b:s10+s4] =	stream.strided.scatter [tilespmem:s30], [sflag:$0x3], $0x1000, s16, s4, $0x38;
	[tilespmem:$0x16400] =	vst v63  }
0xa0: {  	_ =	swait.ge [sflag:s15], $0x1000  }
0xa1: {  	[sflag:s15] =	ssyncset.done $0x0  }
0xa2: {  	s10 =	sadd.s32 $0x1800, s8;
	[sflag:s15] =	ssyncadd.s32 $0xFFFFF000  }
0xa3: {  	[hbm4b:s10+s4] =	stream.strided.scatter [tilespmem:s19], [sflag:$0x3], $0x1000, s16, s4, $0x38;
	[tilespmem:$0x16400] =	vst v63  }
0xa4: {  	_ =	swait.ge [sflag:s15], $0x1000  }
0xa5: {  	[sflag:s15] =	ssyncset.done $0x0  }
0xa6: {  	s10 =	sadd.s32 $0x1804, s8;
	[sflag:s15] =	ssyncadd.s32 $0xFFFFF000  }
0xa7: {  	[hbm4b:s10+s4] =	stream.strided.scatter [tilespmem:s28], [sflag:$0x3], $0x1000, s16, s4, $0x38;
	[tilespmem:$0x16400] =	vst v63  }
0xa8: {  	_ =	swait.ge [sflag:s15], $0x1000  }
0xa9: {  	[sflag:s15] =	ssyncset.done $0x0  }
0xaa: {  	s10 =	sadd.s32 $0x1808, s8;
	[sflag:s15] =	ssyncadd.s32 $0xFFFFF000  }
0xab: {  	[hbm4b:s10+s4] =	stream.strided.scatter [tilespmem:s23], [sflag:$0x3], $0x1000, s16, s4, $0x38;
	[tilespmem:$0x16400] =	vst v63  }
0xac: {  	_ =	swait.ge [sflag:s15], $0x1000  }
0xad: {  	p0 =	seq.s32 s7, $0x16000;
	[sflag:s15] =	ssyncset.done $0x0  }
.Ltmp2:
0xae: {  	s8 =	sadd.s32 $0x180C, s8;
	[sflag:s15] =	ssyncadd.s32 $0xFFFFF000;
	(pc) =	sbr.rel @p0 .LBB2_4-.Ltmp2, $4  }
0xaf: {  	[hbm4b:s8+s4] =	stream.strided.scatter [tilespmem:s1], [sflag:$0x3], $0x1000, s16, s4, $0x38;
	[tilespmem:$0x16400] =	vst v63  }
0xb0: {  	_ =	swait.ge [sflag:s15], $0x1000  }
0xb1: {  	[sflag:s15] =	ssyncset.done $0x0  }
0xb2: {  	[sflag:s15] =	ssyncadd.s32 $0xFFFFF000  }
0xb3: {  	s8 =	sadd.s32 $0xC00, s9  }
0xb4: {  	[tilespmem:s0], [sflag:$0x2] =	stream.indirect.gather [hbm4b:s3+s16], $0x20, s8, s16, $0xb8;
	[tilespmem:$0x16400] =	vst v63  }
0xb5: {  	s10 =	sadd.s32 $0xC80, s9  }
0xb6: {  	[tilespmem:s21], [sflag:$0x2] =	stream.indirect.gather [hbm4b:s3+s16], $0x20, s10, s16, $0xb8;
	[tilespmem:$0x16400] =	vst v63  }
0xb7: {  	s10 =	sadd.s32 $0xD00, s9  }
0xb8: {  	[tilespmem:s25], [sflag:$0x2] =	stream.indirect.gather [hbm4b:s3+s16], $0x20, s10, s16, $0xb8;
	[tilespmem:$0x16400] =	vst v63  }
0xb9: {  	s10 =	sadd.s32 $0xD80, s9  }
0xba: {  	[tilespmem:s30], [sflag:$0x2] =	stream.indirect.gather [hbm4b:s3+s16], $0x20, s10, s16, $0xb8;
	[tilespmem:$0x16400] =	vst v63  }
0xbb: {  	s10 =	sadd.s32 $0xE00, s9  }
0xbc: {  	[tilespmem:s19], [sflag:$0x2] =	stream.indirect.gather [hbm4b:s3+s16], $0x20, s10, s16, $0xb8;
	[tilespmem:$0x16400] =	vst v63  }
0xbd: {  	s10 =	sadd.s32 $0xE80, s9  }
0xbe: {  	[tilespmem:s28], [sflag:$0x2] =	stream.indirect.gather [hbm4b:s3+s16], $0x20, s10, s16, $0xb8;
	[tilespmem:$0x16400] =	vst v63  }
.Ltmp3:
0xbf: {  	_ = 	snop;
	(pc) =	sbr.rel .LBB2_2-.Ltmp3, $4  }
0xc0: {  	s10 =	sadd.s32 $0xF00, s9  }
0xc1: {  	[tilespmem:s23], [sflag:$0x2] =	stream.indirect.gather [hbm4b:s3+s16], $0x20, s10, s16, $0xb8;
	[tilespmem:$0x16400] =	vst v63  }
0xc2: {  	s7 =	sadd.s32 $0x2000, s7;
	s10 =	sadd.s32 $0xF80, s9  }
0xc3: {  	[tilespmem:s1], [sflag:$0x2] =	stream.indirect.gather [hbm4b:s3+s16], $0x20, s10, s16, $0xb8;
	[tilespmem:$0x16400] =	vst v63  }
.LBB2_5:
0xc4: {  	_ =	sfence.sel $0x180000  }
0xc5: {  	[bflag:$0x0] =	sbarrier.arrive $0xFFFF  }
0xc6: {  	_ =	strace $0x90000047  }
0xc7: {  	s0 =	stileid.u32;
	[bflag:$0x2] =	sbarrier.arrive $0xFFFF  }
0xc8: {  	p0 =	sne.s32 s0, $0x0;
	s0 =	rddreg [dreg:$0x2]  }
0xc9: {  	s0 =	sadd.s32 @!p0 $0x100000, s0  }
0xca: {  	[sflag:s0] =	ssyncadd.tile.s32 @!p0 $0x1;
	_ =	shalt  }
.Lfunc_end2:
_tile_overlayer_lowered:
.L_overlay_start_2:
0xcb: {  	(tag) =	ssettag $0x2  }
0xcc: {  	s0 =	rddreg [dreg:$0x0];
	s2 =	stileid.u32  }
0xcd: {  	s1 =	rddreg [dreg:$0x1];
	p0 =	sne.s32 s2, $0x0  }
0xce: {  	s3 =	rddreg [dreg:$0x2];
	[bflag:$0x3] =	sbarrier.arrive $0xFFFF;
	s2 =	simm.s32 @!p0 $0x1C03  }
0xcf: {  	[timem:s3], [sflag:s2] =	dma.local @!p0 [hbm:s0], s1  }
0xd0: {  	s0 =	simm.s32 @!p0 $0x3  }
0xd1: {  	_ =	swait.ge @!p0 [sflag:s0], s1  }
0xd2: {  	s1 =	ssub.s32 @!p0 $0x0, s1;
	[sflag:s0] =	ssyncset.done @!p0 $0x0  }
0xd3: {  	[sflag:s0] =	ssyncadd.s32 @!p0 s1  }
0xd4: {  	[bflag:$0x3] =	sbarrier.arrive $0xFFFF  }
0xd5: {  	_ =	shalt  }

</sc_bundles>
